<compile_context>
chip_gen: v7x
topology: tpu7x:2x2x1
jax: 0.10.2.dev20260603
libtpu: 0.0.44.dev20260713+nightly
codegen_flags: <defaults>
</compile_context>

<pallas_src>
import math

import jax
import jax.numpy as jnp
from jax import lax
from jax.experimental import pallas as pl
from jax.experimental.pallas import tpu as pltpu
from jax.experimental.pallas import tpu_sc as plsc

D_MODEL = 64
SCALE = math.sqrt(D_MODEL)

NC = 2
NS = 16
NW = NC * NS

L = 16
BLK = 128
T_DIM = 200
B_DIM = 4096
NBLK = T_DIM * B_DIM // BLK
BPW = NBLK // NW
BH = B_DIM // BLK


def _emb_body(idx_hbm, tab_hbm, out_hbm,
              idx_all, rows_v, trs_v, sem_g, sem_w):
    c = lax.axis_index("c")
    s = lax.axis_index("s")
    wid = s * NC + c
    g0 = wid * BPW

    pltpu.sync_copy(idx_hbm.at[pl.ds(g0, BPW)], idx_all)

    def gather(gl, slot):
        return pltpu.make_async_copy(
            tab_hbm.at[idx_all.at[gl]], rows_v.at[slot], sem_g)

    def out_writes(gl, slot):
        g = g0 + gl
        t = g // BH
        bb = g - t * BH
        return [
            pltpu.make_async_copy(
                trs_v.at[slot, pl.ds(dh * 8, 8), pl.ds(0, BLK)],
                out_hbm.at[t, dh, bb], sem_w)
            for dh in range(8)
        ]

    def transpose(slot):
        rows = rows_v.at[slot]
        tp = trs_v.at[slot]

        @plsc.parallel_loop(0, BLK, unroll=4)
        def _b(b):
            bvec = jnp.full((L,), b, jnp.int32)
            for dblk in range(D_MODEL // L):
                didx = dblk * L + lax.iota(jnp.int32, L)
                v = rows[b, pl.ds(dblk * L, L)]
                plsc.store_scatter(tp, [didx, bvec], v * SCALE)

    def half(gl, slot, nslot):
        @pl.when(gl + 1 < BPW)
        def _():
            gather(gl + 1, nslot).start()

        gather(gl, slot).wait()

        @pl.when(gl >= 2)
        def _():
            for cp in out_writes(gl - 2, slot):
                cp.wait()

        transpose(slot)
        for cp in out_writes(gl, slot):
            cp.start()

    gather(0, 0).start()

    def loop_body(i, carry):
        half(2 * i, 0, 1)
        half(2 * i + 1, 1, 0)
        return carry

    lax.fori_loop(0, BPW // 2, loop_body, 0)

    for cp in out_writes(BPW - 2, 0):
        cp.wait()
    for cp in out_writes(BPW - 1, 1):
        cp.wait()


@jax.jit
def _emb(xf2, tab2):
    mesh = plsc.VectorSubcoreMesh(
        core_axis_name="c", subcore_axis_name="s",
        num_cores=NC, num_subcores=NS)
    f = pl.kernel(
        _emb_body,
        out_type=jax.ShapeDtypeStruct((T_DIM, 8, BH, 8, BLK), jnp.float32),
        mesh=mesh,
        scratch_types=[
            pltpu.VMEM((BPW, BLK), jnp.int32),
            pltpu.VMEM((2, BLK, D_MODEL), jnp.float32),
            pltpu.VMEM((2, D_MODEL, BLK + 1), jnp.float32),
            pltpu.SemaphoreType.DMA,
            pltpu.SemaphoreType.DMA,
        ],
        compiler_params=pltpu.CompilerParams(
            use_tc_tiling_on_sc=False, needs_layout_passes=False),
    )
    return f(xf2, tab2)


def kernel(x, table):
    b, t = x.shape
    assert (b, t) == (B_DIM, T_DIM)
    xf2 = x.T.reshape(NBLK, BLK).astype(jnp.int32)
    out5 = _emb(xf2, table)
    out = out5.transpose(2, 4, 0, 1, 3).reshape(B_DIM, T_DIM, D_MODEL)
    return out

# --- scband reference (transcript-rebuilt; emitter-appended) ---
"""Pipeline reference for scband-input-embeddings-40295383171217 (READ-ONLY COPY).

The authoritative reference and input builder live on the scoring server;
editing this copy changes nothing except your own understanding.
"""

import math
import jax, jax.numpy as jnp
import numpy as np

D_MODEL = 64
VOCAB_SIZE = 1000000

def setup_inputs(seed: int = 0) -> dict:
    key = jax.random.key(seed)
    k_idx, k_tab = jax.random.split(key)
    x = jax.random.randint(k_idx, (4096, 200), 0, VOCAB_SIZE, dtype=jnp.int64 if jax.config.jax_enable_x64 else jnp.int32)
    # nn.Embedding default init: N(0, 1)
    table = jax.random.normal(k_tab, (VOCAB_SIZE, D_MODEL), dtype=jnp.float32)
    return {"x": x, "table": table}

def reference(x, table):
    # embedding lookup (gather) followed by scale by sqrt(d_model)
    emb = jnp.take(table, x, axis=0)
    return emb * math.sqrt(D_MODEL)

if __name__ == "__main__":
    import jax
    _d = setup_inputs()
    print(jax.jit(kernel)(*tuple(_d.values())))

</pallas_src>

<mosaic_0001>
#map = affine_map<(d0, d1) -> (0, 0)>
#map1 = affine_map<(d0, d1) -> (0, 0, 0, 0, 0)>
module attributes {stable_mosaic.version = 14 : i64} {
  func.func @_emb_body(%arg0: i32, %arg1: i32, %arg2: memref<6400x128xi32, #tpu.memory_space<hbm>>, %arg3: memref<1000000x64xf32, #tpu.memory_space<hbm>>, %arg4: memref<200x8x32x8x128xf32, #tpu.memory_space<hbm>>, %arg5: memref<200x128xi32, #tpu.memory_space<vmem>>, %arg6: memref<2x128x64xf32, #tpu.memory_space<vmem>>, %arg7: memref<2x64x129xf32, #tpu.memory_space<vmem>>, %arg8: memref<!tpu.dma_semaphore, #tpu.memory_space<semaphore_mem>>, %arg9: memref<!tpu.dma_semaphore, #tpu.memory_space<semaphore_mem>>) attributes {dimension_semantics = [#tpu.dimension_semantics<core_parallel>, #tpu.dimension_semantics<subcore_parallel>], iteration_bounds = array<i64: 2, 16>, scalar_prefetch = 0 : i64, scratch_operands = 5 : i64, tpu.core_type = #tpu.core_type<sc_vector_subcore>, window_params = [{transform_indices = #map}, {transform_indices = #map}, {transform_indices = #map1}]} {
    %mul3A = arith.constant 2 : i32
    %mul3A_0 = arith.muli %arg1, %mul3A : i32
    %add3A = arith.addi %mul3A_0, %arg0 : i32
    %mul3A_1 = arith.constant 200 : i32
    %mul3A_2 = arith.muli %add3A, %mul3A_1 : i32
    "tpu.region"() ({
      %run_scoped3A = tpu.sem_alloc : memref<!tpu.dma_semaphore, #tpu.memory_space<semaphore_mem>>
      %dma_start3A_356 = arith.constant 0 : i32
      %dma_start3A_357 = tpu.memref_slice %arg2[%mul3A_2, %dma_start3A_356] : memref<6400x128xi32, #tpu.memory_space<hbm>> -> memref<200x128xi32, #tpu.memory_space<hbm>>
      %dma_start3A_358 = arith.constant 0 : i32
      %dma_start3A_359 = tpu.memref_slice %arg2[%mul3A_2, %dma_start3A_358] : memref<6400x128xi32, #tpu.memory_space<hbm>> -> memref<200x128xi32, #tpu.memory_space<hbm>>
      tpu.enqueue_dma source(%dma_start3A_359 : memref<200x128xi32, #tpu.memory_space<hbm>>) target(%arg5 : memref<200x128xi32, #tpu.memory_space<vmem>>) target_semaphore(%run_scoped3A : memref<!tpu.dma_semaphore, #tpu.memory_space<semaphore_mem>>)
      %dma_wait3A_360 = arith.constant 0 : i32
      %dma_wait3A_361 = tpu.memref_slice %arg2[%mul3A_2, %dma_wait3A_360] : memref<6400x128xi32, #tpu.memory_space<hbm>> -> memref<200x128xi32, #tpu.memory_space<hbm>>
      %dma_wait3A_362 = arith.constant 0 : i32
      %dma_wait3A_363 = tpu.memref_slice %arg2[%mul3A_2, %dma_wait3A_362] : memref<6400x128xi32, #tpu.memory_space<hbm>> -> memref<200x128xi32, #tpu.memory_space<hbm>>
      tpu.wait_dma2 semaphore(%run_scoped3A : memref<!tpu.dma_semaphore, #tpu.memory_space<semaphore_mem>>) src(%dma_wait3A_363 : memref<200x128xi32, #tpu.memory_space<hbm>>) dst(%arg5 : memref<200x128xi32, #tpu.memory_space<vmem>>)
      tpu.yield
    }) : () -> ()
    %dma_start3A = arith.constant 0 : i32
    %dma_start3A_3 = arith.constant 0 : i32
    %dma_start3A_4 = arith.constant 0 : i32
    %dma_start3A_5 = arith.constant 0 : i32
    %dma_start3A_6 = tpu.memref_slice %arg6[%dma_start3A_3, %dma_start3A_4, %dma_start3A_5] : memref<2x128x64xf32, #tpu.memory_space<vmem>> -> memref<1x128x64xf32, #tpu.memory_space<vmem>>
    %dma_start3A_7 = tpu.memref_squeeze %dma_start3A_6 : memref<1x128x64xf32, #tpu.memory_space<vmem>> -> memref<128x64xf32, #tpu.memory_space<vmem>>
    %dma_start3A_8 = arith.constant 0 : i32
    %dma_start3A_9 = tpu.memref_slice %arg5[%dma_start3A, %dma_start3A_8] : memref<200x128xi32, #tpu.memory_space<vmem>> -> memref<1x128xi32, #tpu.memory_space<vmem>>
    %dma_start3A_10 = tpu.memref_squeeze %dma_start3A_9 : memref<1x128xi32, #tpu.memory_space<vmem>> -> memref<128xi32, #tpu.memory_space<vmem>>
    %dma_start3A_11 = arith.constant 0 : i32
    %dma_start3A_12 = arith.constant 0 : i32
    %dma_start3A_13 = tpu.memref_slice %arg3[%dma_start3A_11, %dma_start3A_12] : memref<1000000x64xf32, #tpu.memory_space<hbm>> -> memref<1000000x64xf32, #tpu.memory_space<hbm>>
    tpu.enqueue_indirect_dma source(%dma_start3A_13 : memref<1000000x64xf32, #tpu.memory_space<hbm>>) target(%dma_start3A_7 : memref<128x64xf32, #tpu.memory_space<vmem>>) offsets(%dma_start3A_10 : memref<128xi32, #tpu.memory_space<vmem>>) semaphore(%arg8 : memref<!tpu.dma_semaphore, #tpu.memory_space<semaphore_mem>>)
    %scan3A = arith.constant 0 : i32
    %scan3A_14 = arith.constant 0 : i32
    %scan3A_15 = arith.constant 100 : i32
    %scan3A_16 = arith.addi %scan3A_14, %scan3A_15 : i32
    %scan3A_17 = arith.constant 1 : i32
    scf.for %scan3A_356 = %scan3A_14 to %scan3A_16 step %scan3A_17  : i32 {
      %mul3A_357 = arith.constant 2 : i32
      %mul3A_358 = arith.muli %mul3A_357, %scan3A_356 : i32
      %add3A_359 = arith.constant 1 : i32
      %add3A_360 = arith.addi %mul3A_358, %add3A_359 : i32
      %lt3A = arith.constant 200 : i32
      %lt3A_361 = arith.cmpi slt, %add3A_360, %lt3A : i32
      %convert_element_type3A = arith.extui %lt3A_361 : i1 to i32
      %cond3A = arith.constant 0 : i32
      %cond3A_362 = arith.cmpi ne, %convert_element_type3A, %cond3A : i32
      scf.if %cond3A_362 {
        %add3A_758 = arith.constant 1 : i32
        %add3A_759 = arith.addi %mul3A_358, %add3A_758 : i32
        %dma_start3A_760 = arith.constant 1 : i32
        %dma_start3A_761 = arith.constant 0 : i32
        %dma_start3A_762 = arith.constant 0 : i32
        %dma_start3A_763 = tpu.memref_slice %arg6[%dma_start3A_760, %dma_start3A_761, %dma_start3A_762] : memref<2x128x64xf32, #tpu.memory_space<vmem>> -> memref<1x128x64xf32, #tpu.memory_space<vmem>>
        %dma_start3A_764 = tpu.memref_squeeze %dma_start3A_763 : memref<1x128x64xf32, #tpu.memory_space<vmem>> -> memref<128x64xf32, #tpu.memory_space<vmem>>
        %dma_start3A_765 = arith.constant 0 : i32
        %dma_start3A_766 = tpu.memref_slice %arg5[%add3A_759, %dma_start3A_765] : memref<200x128xi32, #tpu.memory_space<vmem>> -> memref<1x128xi32, #tpu.memory_space<vmem>>
        %dma_start3A_767 = tpu.memref_squeeze %dma_start3A_766 : memref<1x128xi32, #tpu.memory_space<vmem>> -> memref<128xi32, #tpu.memory_space<vmem>>
        %dma_start3A_768 = arith.constant 0 : i32
        %dma_start3A_769 = arith.constant 0 : i32
        %dma_start3A_770 = tpu.memref_slice %arg3[%dma_start3A_768, %dma_start3A_769] : memref<1000000x64xf32, #tpu.memory_space<hbm>> -> memref<1000000x64xf32, #tpu.memory_space<hbm>>
        tpu.enqueue_indirect_dma source(%dma_start3A_770 : memref<1000000x64xf32, #tpu.memory_space<hbm>>) target(%dma_start3A_764 : memref<128x64xf32, #tpu.memory_space<vmem>>) offsets(%dma_start3A_767 : memref<128xi32, #tpu.memory_space<vmem>>) semaphore(%arg8 : memref<!tpu.dma_semaphore, #tpu.memory_space<semaphore_mem>>)
      } else {
      }
      %dma_wait3A_363 = arith.constant 0 : i32
      %dma_wait3A_364 = arith.constant 0 : i32
      %dma_wait3A_365 = arith.constant 0 : i32
      %dma_wait3A_366 = tpu.memref_slice %arg6[%dma_wait3A_363, %dma_wait3A_364, %dma_wait3A_365] : memref<2x128x64xf32, #tpu.memory_space<vmem>> -> memref<1x128x64xf32, #tpu.memory_space<vmem>>
      %dma_wait3A_367 = tpu.memref_squeeze %dma_wait3A_366 : memref<1x128x64xf32, #tpu.memory_space<vmem>> -> memref<128x64xf32, #tpu.memory_space<vmem>>
      %dma_wait3A_368 = arith.constant 0 : i32
      %dma_wait3A_369 = tpu.memref_slice %arg5[%mul3A_358, %dma_wait3A_368] : memref<200x128xi32, #tpu.memory_space<vmem>> -> memref<1x128xi32, #tpu.memory_space<vmem>>
      %dma_wait3A_370 = tpu.memref_squeeze %dma_wait3A_369 : memref<1x128xi32, #tpu.memory_space<vmem>> -> memref<128xi32, #tpu.memory_space<vmem>>
      %dma_wait3A_371 = arith.constant 0 : i32
      %dma_wait3A_372 = arith.constant 0 : i32
      %dma_wait3A_373 = tpu.memref_slice %arg3[%dma_wait3A_371, %dma_wait3A_372] : memref<1000000x64xf32, #tpu.memory_space<hbm>> -> memref<1000000x64xf32, #tpu.memory_space<hbm>>
      tpu.wait_indirect_dma semaphore(%arg8 : memref<!tpu.dma_semaphore, #tpu.memory_space<semaphore_mem>>) src(%dma_wait3A_373 : memref<1000000x64xf32, #tpu.memory_space<hbm>>) dst(%dma_wait3A_367 : memref<128x64xf32, #tpu.memory_space<vmem>>)
      %ge3A = arith.constant 2 : i32
      %ge3A_374 = arith.cmpi sge, %mul3A_358, %ge3A : i32
      %convert_element_type3A_375 = arith.extui %ge3A_374 : i1 to i32
      %cond3A_376 = arith.constant 0 : i32
      %cond3A_377 = arith.cmpi ne, %convert_element_type3A_375, %cond3A_376 : i32
      scf.if %cond3A_377 {
        %sub3A_758 = arith.constant 2 : i32
        %sub3A_759 = arith.subi %mul3A_358, %sub3A_758 : i32
        %add3A_760 = arith.addi %mul3A_2, %sub3A_759 : i32
        %jit3A_761 = arith.constant 32 : i32
        %div3A_762 = arith.divsi %add3A_760, %jit3A_761 : i32
        %sign3A_763 = arith.constant 0 : i32
        %sign3A_764 = arith.cmpi sgt, %add3A_760, %sign3A_763 : i32
        %sign3A_765 = arith.extui %sign3A_764 : i1 to i32
        %sign3A_766 = arith.constant 0 : i32
        %sign3A_767 = arith.cmpi slt, %add3A_760, %sign3A_766 : i32
        %sign3A_768 = arith.extui %sign3A_767 : i1 to i32
        %sign3A_769 = arith.subi %sign3A_765, %sign3A_768 : i32
        %sign3A_770 = arith.constant 0 : i32
        %sign3A_771 = arith.cmpi sgt, %jit3A_761, %sign3A_770 : i32
        %sign3A_772 = arith.extui %sign3A_771 : i1 to i32
        %sign3A_773 = arith.constant 0 : i32
        %sign3A_774 = arith.cmpi slt, %jit3A_761, %sign3A_773 : i32
        %sign3A_775 = arith.extui %sign3A_774 : i1 to i32
        %sign3A_776 = arith.subi %sign3A_772, %sign3A_775 : i32
        %ne3A_777 = arith.cmpi ne, %sign3A_769, %sign3A_776 : i32
        %rem3A_778 = arith.remsi %add3A_760, %jit3A_761 : i32
        %ne3A_779 = arith.constant 0 : i32
        %ne3A_780 = arith.cmpi ne, %rem3A_778, %ne3A_779 : i32
        %and3A_781 = arith.andi %ne3A_777, %ne3A_780 : i1
        %sub3A_782 = arith.constant 1 : i32
        %sub3A_783 = arith.subi %div3A_762, %sub3A_782 : i32
        %select_n3A_784 = arith.select %and3A_781, %sub3A_783, %div3A_762 : i32
        %mul3A_785 = arith.constant 32 : i32
        %mul3A_786 = arith.muli %select_n3A_784, %mul3A_785 : i32
        %sub3A_787 = arith.subi %add3A_760, %mul3A_786 : i32
        %dma_wait3A_788 = arith.constant 0 : i32
        %dma_wait3A_789 = arith.constant 0 : i32
        %dma_wait3A_790 = arith.constant 0 : i32
        %dma_wait3A_791 = arith.constant 0 : i32
        %dma_wait3A_792 = tpu.memref_slice %arg7[%dma_wait3A_788, %dma_wait3A_790, %dma_wait3A_791] : memref<2x64x129xf32, #tpu.memory_space<vmem>> -> memref<1x8x128xf32, #tpu.memory_space<vmem>>
        %dma_wait3A_793 = tpu.memref_squeeze %dma_wait3A_792 : memref<1x8x128xf32, #tpu.memory_space<vmem>> -> memref<8x128xf32, #tpu.memory_space<vmem>>
        %dma_wait3A_794 = arith.constant 0 : i32
        %dma_wait3A_795 = arith.constant 0 : i32
        %dma_wait3A_796 = tpu.memref_slice %arg4[%select_n3A_784, %dma_wait3A_789, %sub3A_787, %dma_wait3A_794, %dma_wait3A_795] : memref<200x8x32x8x128xf32, #tpu.memory_space<hbm>> -> memref<1x1x1x8x128xf32, #tpu.memory_space<hbm>>
        %dma_wait3A_797 = tpu.memref_squeeze %dma_wait3A_796 : memref<1x1x1x8x128xf32, #tpu.memory_space<hbm>> -> memref<8x128xf32, #tpu.memory_space<hbm>>
        %dma_wait3A_798 = arith.constant 0 : i32
        %dma_wait3A_799 = arith.constant 0 : i32
        %dma_wait3A_800 = tpu.memref_slice %arg4[%select_n3A_784, %dma_wait3A_789, %sub3A_787, %dma_wait3A_798, %dma_wait3A_799] : memref<200x8x32x8x128xf32, #tpu.memory_space<hbm>> -> memref<1x1x1x8x128xf32, #tpu.memory_space<hbm>>
        %dma_wait3A_801 = tpu.memref_squeeze %dma_wait3A_800 : memref<1x1x1x8x128xf32, #tpu.memory_space<hbm>> -> memref<8x128xf32, #tpu.memory_space<hbm>>
        %dma_wait3A_802 = arith.constant 0 : i32
        %dma_wait3A_803 = arith.constant 0 : i32
        %dma_wait3A_804 = tpu.memref_slice %arg7[%dma_wait3A_788, %dma_wait3A_802, %dma_wait3A_803] : memref<2x64x129xf32, #tpu.memory_space<vmem>> -> memref<1x8x128xf32, #tpu.memory_space<vmem>>
        %dma_wait3A_805 = tpu.memref_squeeze %dma_wait3A_804 : memref<1x8x128xf32, #tpu.memory_space<vmem>> -> memref<8x128xf32, #tpu.memory_space<vmem>>
        tpu.wait_dma2 semaphore(%arg9 : memref<!tpu.dma_semaphore, #tpu.memory_space<semaphore_mem>>) src(%dma_wait3A_805 : memref<8x128xf32, #tpu.memory_space<vmem>>) dst(%dma_wait3A_801 : memref<8x128xf32, #tpu.memory_space<hbm>>)
        %dma_wait3A_806 = arith.constant 0 : i32
        %dma_wait3A_807 = arith.constant 1 : i32
        %dma_wait3A_808 = arith.constant 8 : i32
        %dma_wait3A_809 = arith.constant 0 : i32
        %dma_wait3A_810 = tpu.memref_slice %arg7[%dma_wait3A_806, %dma_wait3A_808, %dma_wait3A_809] : memref<2x64x129xf32, #tpu.memory_space<vmem>> -> memref<1x8x128xf32, #tpu.memory_space<vmem>>
        %dma_wait3A_811 = tpu.memref_squeeze %dma_wait3A_810 : memref<1x8x128xf32, #tpu.memory_space<vmem>> -> memref<8x128xf32, #tpu.memory_space<vmem>>
        %dma_wait3A_812 = arith.constant 0 : i32
        %dma_wait3A_813 = arith.constant 0 : i32
        %dma_wait3A_814 = tpu.memref_slice %arg4[%select_n3A_784, %dma_wait3A_807, %sub3A_787, %dma_wait3A_812, %dma_wait3A_813] : memref<200x8x32x8x128xf32, #tpu.memory_space<hbm>> -> memref<1x1x1x8x128xf32, #tpu.memory_space<hbm>>
        %dma_wait3A_815 = tpu.memref_squeeze %dma_wait3A_814 : memref<1x1x1x8x128xf32, #tpu.memory_space<hbm>> -> memref<8x128xf32, #tpu.memory_space<hbm>>
        %dma_wait3A_816 = arith.constant 0 : i32
        %dma_wait3A_817 = arith.constant 0 : i32
        %dma_wait3A_818 = tpu.memref_slice %arg4[%select_n3A_784, %dma_wait3A_807, %sub3A_787, %dma_wait3A_816, %dma_wait3A_817] : memref<200x8x32x8x128xf32, #tpu.memory_space<hbm>> -> memref<1x1x1x8x128xf32, #tpu.memory_space<hbm>>
        %dma_wait3A_819 = tpu.memref_squeeze %dma_wait3A_818 : memref<1x1x1x8x128xf32, #tpu.memory_space<hbm>> -> memref<8x128xf32, #tpu.memory_space<hbm>>
        %dma_wait3A_820 = arith.constant 8 : i32
        %dma_wait3A_821 = arith.constant 0 : i32
        %dma_wait3A_822 = tpu.memref_slice %arg7[%dma_wait3A_806, %dma_wait3A_820, %dma_wait3A_821] : memref<2x64x129xf32, #tpu.memory_space<vmem>> -> memref<1x8x128xf32, #tpu.memory_space<vmem>>
        %dma_wait3A_823 = tpu.memref_squeeze %dma_wait3A_822 : memref<1x8x128xf32, #tpu.memory_space<vmem>> -> memref<8x128xf32, #tpu.memory_space<vmem>>
        tpu.wait_dma2 semaphore(%arg9 : memref<!tpu.dma_semaphore, #tpu.memory_space<semaphore_mem>>) src(%dma_wait3A_823 : memref<8x128xf32, #tpu.memory_space<vmem>>) dst(%dma_wait3A_819 : memref<8x128xf32, #tpu.memory_space<hbm>>)
        %dma_wait3A_824 = arith.constant 0 : i32
        %dma_wait3A_825 = arith.constant 2 : i32
        %dma_wait3A_826 = arith.constant 16 : i32
        %dma_wait3A_827 = arith.constant 0 : i32
        %dma_wait3A_828 = tpu.memref_slice %arg7[%dma_wait3A_824, %dma_wait3A_826, %dma_wait3A_827] : memref<2x64x129xf32, #tpu.memory_space<vmem>> -> memref<1x8x128xf32, #tpu.memory_space<vmem>>
        %dma_wait3A_829 = tpu.memref_squeeze %dma_wait3A_828 : memref<1x8x128xf32, #tpu.memory_space<vmem>> -> memref<8x128xf32, #tpu.memory_space<vmem>>
        %dma_wait3A_830 = arith.constant 0 : i32
        %dma_wait3A_831 = arith.constant 0 : i32
        %dma_wait3A_832 = tpu.memref_slice %arg4[%select_n3A_784, %dma_wait3A_825, %sub3A_787, %dma_wait3A_830, %dma_wait3A_831] : memref<200x8x32x8x128xf32, #tpu.memory_space<hbm>> -> memref<1x1x1x8x128xf32, #tpu.memory_space<hbm>>
        %dma_wait3A_833 = tpu.memref_squeeze %dma_wait3A_832 : memref<1x1x1x8x128xf32, #tpu.memory_space<hbm>> -> memref<8x128xf32, #tpu.memory_space<hbm>>
        %dma_wait3A_834 = arith.constant 0 : i32
        %dma_wait3A_835 = arith.constant 0 : i32
        %dma_wait3A_836 = tpu.memref_slice %arg4[%select_n3A_784, %dma_wait3A_825, %sub3A_787, %dma_wait3A_834, %dma_wait3A_835] : memref<200x8x32x8x128xf32, #tpu.memory_space<hbm>> -> memref<1x1x1x8x128xf32, #tpu.memory_space<hbm>>
        %dma_wait3A_837 = tpu.memref_squeeze %dma_wait3A_836 : memref<1x1x1x8x128xf32, #tpu.memory_space<hbm>> -> memref<8x128xf32, #tpu.memory_space<hbm>>
        %dma_wait3A_838 = arith.constant 16 : i32
        %dma_wait3A_839 = arith.constant 0 : i32
        %dma_wait3A_840 = tpu.memref_slice %arg7[%dma_wait3A_824, %dma_wait3A_838, %dma_wait3A_839] : memref<2x64x129xf32, #tpu.memory_space<vmem>> -> memref<1x8x128xf32, #tpu.memory_space<vmem>>
        %dma_wait3A_841 = tpu.memref_squeeze %dma_wait3A_840 : memref<1x8x128xf32, #tpu.memory_space<vmem>> -> memref<8x128xf32, #tpu.memory_space<vmem>>
        tpu.wait_dma2 semaphore(%arg9 : memref<!tpu.dma_semaphore, #tpu.memory_space<semaphore_mem>>) src(%dma_wait3A_841 : memref<8x128xf32, #tpu.memory_space<vmem>>) dst(%dma_wait3A_837 : memref<8x128xf32, #tpu.memory_space<hbm>>)
        %dma_wait3A_842 = arith.constant 0 : i32
        %dma_wait3A_843 = arith.constant 3 : i32
        %dma_wait3A_844 = arith.constant 24 : i32
        %dma_wait3A_845 = arith.constant 0 : i32
        %dma_wait3A_846 = tpu.memref_slice %arg7[%dma_wait3A_842, %dma_wait3A_844, %dma_wait3A_845] : memref<2x64x129xf32, #tpu.memory_space<vmem>> -> memref<1x8x128xf32, #tpu.memory_space<vmem>>
        %dma_wait3A_847 = tpu.memref_squeeze %dma_wait3A_846 : memref<1x8x128xf32, #tpu.memory_space<vmem>> -> memref<8x128xf32, #tpu.memory_space<vmem>>
        %dma_wait3A_848 = arith.constant 0 : i32
        %dma_wait3A_849 = arith.constant 0 : i32
        %dma_wait3A_850 = tpu.memref_slice %arg4[%select_n3A_784, %dma_wait3A_843, %sub3A_787, %dma_wait3A_848, %dma_wait3A_849] : memref<200x8x32x8x128xf32, #tpu.memory_space<hbm>> -> memref<1x1x1x8x128xf32, #tpu.memory_space<hbm>>
        %dma_wait3A_851 = tpu.memref_squeeze %dma_wait3A_850 : memref<1x1x1x8x128xf32, #tpu.memory_space<hbm>> -> memref<8x128xf32, #tpu.memory_space<hbm>>
        %dma_wait3A_852 = arith.constant 0 : i32
        %dma_wait3A_853 = arith.constant 0 : i32
        %dma_wait3A_854 = tpu.memref_slice %arg4[%select_n3A_784, %dma_wait3A_843, %sub3A_787, %dma_wait3A_852, %dma_wait3A_853] : memref<200x8x32x8x128xf32, #tpu.memory_space<hbm>> -> memref<1x1x1x8x128xf32, #tpu.memory_space<hbm>>
        %dma_wait3A_855 = tpu.memref_squeeze %dma_wait3A_854 : memref<1x1x1x8x128xf32, #tpu.memory_space<hbm>> -> memref<8x128xf32, #tpu.memory_space<hbm>>
        %dma_wait3A_856 = arith.constant 24 : i32
        %dma_wait3A_857 = arith.constant 0 : i32
        %dma_wait3A_858 = tpu.memref_slice %arg7[%dma_wait3A_842, %dma_wait3A_856, %dma_wait3A_857] : memref<2x64x129xf32, #tpu.memory_space<vmem>> -> memref<1x8x128xf32, #tpu.memory_space<vmem>>
        %dma_wait3A_859 = tpu.memref_squeeze %dma_wait3A_858 : memref<1x8x128xf32, #tpu.memory_space<vmem>> -> memref<8x128xf32, #tpu.memory_space<vmem>>
        tpu.wait_dma2 semaphore(%arg9 : memref<!tpu.dma_semaphore, #tpu.memory_space<semaphore_mem>>) src(%dma_wait3A_859 : memref<8x128xf32, #tpu.memory_space<vmem>>) dst(%dma_wait3A_855 : memref<8x128xf32, #tpu.memory_space<hbm>>)
        %dma_wait3A_860 = arith.constant 0 : i32
        %dma_wait3A_861 = arith.constant 4 : i32
        %dma_wait3A_862 = arith.constant 32 : i32
        %dma_wait3A_863 = arith.constant 0 : i32
        %dma_wait3A_864 = tpu.memref_slice %arg7[%dma_wait3A_860, %dma_wait3A_862, %dma_wait3A_863] : memref<2x64x129xf32, #tpu.memory_space<vmem>> -> memref<1x8x128xf32, #tpu.memory_space<vmem>>
        %dma_wait3A_865 = tpu.memref_squeeze %dma_wait3A_864 : memref<1x8x128xf32, #tpu.memory_space<vmem>> -> memref<8x128xf32, #tpu.memory_space<vmem>>
        %dma_wait3A_866 = arith.constant 0 : i32
        %dma_wait3A_867 = arith.constant 0 : i32
        %dma_wait3A_868 = tpu.memref_slice %arg4[%select_n3A_784, %dma_wait3A_861, %sub3A_787, %dma_wait3A_866, %dma_wait3A_867] : memref<200x8x32x8x128xf32, #tpu.memory_space<hbm>> -> memref<1x1x1x8x128xf32, #tpu.memory_space<hbm>>
        %dma_wait3A_869 = tpu.memref_squeeze %dma_wait3A_868 : memref<1x1x1x8x128xf32, #tpu.memory_space<hbm>> -> memref<8x128xf32, #tpu.memory_space<hbm>>
        %dma_wait3A_870 = arith.constant 0 : i32
        %dma_wait3A_871 = arith.constant 0 : i32
        %dma_wait3A_872 = tpu.memref_slice %arg4[%select_n3A_784, %dma_wait3A_861, %sub3A_787, %dma_wait3A_870, %dma_wait3A_871] : memref<200x8x32x8x128xf32, #tpu.memory_space<hbm>> -> memref<1x1x1x8x128xf32, #tpu.memory_space<hbm>>
        %dma_wait3A_873 = tpu.memref_squeeze %dma_wait3A_872 : memref<1x1x1x8x128xf32, #tpu.memory_space<hbm>> -> memref<8x128xf32, #tpu.memory_space<hbm>>
        %dma_wait3A_874 = arith.constant 32 : i32
        %dma_wait3A_875 = arith.constant 0 : i32
        %dma_wait3A_876 = tpu.memref_slice %arg7[%dma_wait3A_860, %dma_wait3A_874, %dma_wait3A_875] : memref<2x64x129xf32, #tpu.memory_space<vmem>> -> memref<1x8x128xf32, #tpu.memory_space<vmem>>
        %dma_wait3A_877 = tpu.memref_squeeze %dma_wait3A_876 : memref<1x8x128xf32, #tpu.memory_space<vmem>> -> memref<8x128xf32, #tpu.memory_space<vmem>>
        tpu.wait_dma2 semaphore(%arg9 : memref<!tpu.dma_semaphore, #tpu.memory_space<semaphore_mem>>) src(%dma_wait3A_877 : memref<8x128xf32, #tpu.memory_space<vmem>>) dst(%dma_wait3A_873 : memref<8x128xf32, #tpu.memory_space<hbm>>)
        %dma_wait3A_878 = arith.constant 0 : i32
        %dma_wait3A_879 = arith.constant 5 : i32
        %dma_wait3A_880 = arith.constant 40 : i32
        %dma_wait3A_881 = arith.constant 0 : i32
        %dma_wait3A_882 = tpu.memref_slice %arg7[%dma_wait3A_878, %dma_wait3A_880, %dma_wait3A_881] : memref<2x64x129xf32, #tpu.memory_space<vmem>> -> memref<1x8x128xf32, #tpu.memory_space<vmem>>
        %dma_wait3A_883 = tpu.memref_squeeze %dma_wait3A_882 : memref<1x8x128xf32, #tpu.memory_space<vmem>> -> memref<8x128xf32, #tpu.memory_space<vmem>>
        %dma_wait3A_884 = arith.constant 0 : i32
        %dma_wait3A_885 = arith.constant 0 : i32
        %dma_wait3A_886 = tpu.memref_slice %arg4[%select_n3A_784, %dma_wait3A_879, %sub3A_787, %dma_wait3A_884, %dma_wait3A_885] : memref<200x8x32x8x128xf32, #tpu.memory_space<hbm>> -> memref<1x1x1x8x128xf32, #tpu.memory_space<hbm>>
        %dma_wait3A_887 = tpu.memref_squeeze %dma_wait3A_886 : memref<1x1x1x8x128xf32, #tpu.memory_space<hbm>> -> memref<8x128xf32, #tpu.memory_space<hbm>>
        %dma_wait3A_888 = arith.constant 0 : i32
        %dma_wait3A_889 = arith.constant 0 : i32
        %dma_wait3A_890 = tpu.memref_slice %arg4[%select_n3A_784, %dma_wait3A_879, %sub3A_787, %dma_wait3A_888, %dma_wait3A_889] : memref<200x8x32x8x128xf32, #tpu.memory_space<hbm>> -> memref<1x1x1x8x128xf32, #tpu.memory_space<hbm>>
        %dma_wait3A_891 = tpu.memref_squeeze %dma_wait3A_890 : memref<1x1x1x8x128xf32, #tpu.memory_space<hbm>> -> memref<8x128xf32, #tpu.memory_space<hbm>>
        %dma_wait3A_892 = arith.constant 40 : i32
        %dma_wait3A_893 = arith.constant 0 : i32
        %dma_wait3A_894 = tpu.memref_slice %arg7[%dma_wait3A_878, %dma_wait3A_892, %dma_wait3A_893] : memref<2x64x129xf32, #tpu.memory_space<vmem>> -> memref<1x8x128xf32, #tpu.memory_space<vmem>>
        %dma_wait3A_895 = tpu.memref_squeeze %dma_wait3A_894 : memref<1x8x128xf32, #tpu.memory_space<vmem>> -> memref<8x128xf32, #tpu.memory_space<vmem>>
        tpu.wait_dma2 semaphore(%arg9 : memref<!tpu.dma_semaphore, #tpu.memory_space<semaphore_mem>>) src(%dma_wait3A_895 : memref<8x128xf32, #tpu.memory_space<vmem>>) dst(%dma_wait3A_891 : memref<8x128xf32, #tpu.memory_space<hbm>>)
        %dma_wait3A_896 = arith.constant 0 : i32
        %dma_wait3A_897 = arith.constant 6 : i32
        %dma_wait3A_898 = arith.constant 48 : i32
        %dma_wait3A_899 = arith.constant 0 : i32
        %dma_wait3A_900 = tpu.memref_slice %arg7[%dma_wait3A_896, %dma_wait3A_898, %dma_wait3A_899] : memref<2x64x129xf32, #tpu.memory_space<vmem>> -> memref<1x8x128xf32, #tpu.memory_space<vmem>>
        %dma_wait3A_901 = tpu.memref_squeeze %dma_wait3A_900 : memref<1x8x128xf32, #tpu.memory_space<vmem>> -> memref<8x128xf32, #tpu.memory_space<vmem>>
        %dma_wait3A_902 = arith.constant 0 : i32
        %dma_wait3A_903 = arith.constant 0 : i32
        %dma_wait3A_904 = tpu.memref_slice %arg4[%select_n3A_784, %dma_wait3A_897, %sub3A_787, %dma_wait3A_902, %dma_wait3A_903] : memref<200x8x32x8x128xf32, #tpu.memory_space<hbm>> -> memref<1x1x1x8x128xf32, #tpu.memory_space<hbm>>
        %dma_wait3A_905 = tpu.memref_squeeze %dma_wait3A_904 : memref<1x1x1x8x128xf32, #tpu.memory_space<hbm>> -> memref<8x128xf32, #tpu.memory_space<hbm>>
        %dma_wait3A_906 = arith.constant 0 : i32
        %dma_wait3A_907 = arith.constant 0 : i32
        %dma_wait3A_908 = tpu.memref_slice %arg4[%select_n3A_784, %dma_wait3A_897, %sub3A_787, %dma_wait3A_906, %dma_wait3A_907] : memref<200x8x32x8x128xf32, #tpu.memory_space<hbm>> -> memref<1x1x1x8x128xf32, #tpu.memory_space<hbm>>
        %dma_wait3A_909 = tpu.memref_squeeze %dma_wait3A_908 : memref<1x1x1x8x128xf32, #tpu.memory_space<hbm>> -> memref<8x128xf32, #tpu.memory_space<hbm>>
        %dma_wait3A_910 = arith.constant 48 : i32
        %dma_wait3A_911 = arith.constant 0 : i32
        %dma_wait3A_912 = tpu.memref_slice %arg7[%dma_wait3A_896, %dma_wait3A_910, %dma_wait3A_911] : memref<2x64x129xf32, #tpu.memory_space<vmem>> -> memref<1x8x128xf32, #tpu.memory_space<vmem>>
        %dma_wait3A_913 = tpu.memref_squeeze %dma_wait3A_912 : memref<1x8x128xf32, #tpu.memory_space<vmem>> -> memref<8x128xf32, #tpu.memory_space<vmem>>
        tpu.wait_dma2 semaphore(%arg9 : memref<!tpu.dma_semaphore, #tpu.memory_space<semaphore_mem>>) src(%dma_wait3A_913 : memref<8x128xf32, #tpu.memory_space<vmem>>) dst(%dma_wait3A_909 : memref<8x128xf32, #tpu.memory_space<hbm>>)
        %dma_wait3A_914 = arith.constant 0 : i32
        %dma_wait3A_915 = arith.constant 7 : i32
        %dma_wait3A_916 = arith.constant 56 : i32
        %dma_wait3A_917 = arith.constant 0 : i32
        %dma_wait3A_918 = tpu.memref_slice %arg7[%dma_wait3A_914, %dma_wait3A_916, %dma_wait3A_917] : memref<2x64x129xf32, #tpu.memory_space<vmem>> -> memref<1x8x128xf32, #tpu.memory_space<vmem>>
        %dma_wait3A_919 = tpu.memref_squeeze %dma_wait3A_918 : memref<1x8x128xf32, #tpu.memory_space<vmem>> -> memref<8x128xf32, #tpu.memory_space<vmem>>
        %dma_wait3A_920 = arith.constant 0 : i32
        %dma_wait3A_921 = arith.constant 0 : i32
        %dma_wait3A_922 = tpu.memref_slice %arg4[%select_n3A_784, %dma_wait3A_915, %sub3A_787, %dma_wait3A_920, %dma_wait3A_921] : memref<200x8x32x8x128xf32, #tpu.memory_space<hbm>> -> memref<1x1x1x8x128xf32, #tpu.memory_space<hbm>>
        %dma_wait3A_923 = tpu.memref_squeeze %dma_wait3A_922 : memref<1x1x1x8x128xf32, #tpu.memory_space<hbm>> -> memref<8x128xf32, #tpu.memory_space<hbm>>
        %dma_wait3A_924 = arith.constant 0 : i32
        %dma_wait3A_925 = arith.constant 0 : i32
        %dma_wait3A_926 = tpu.memref_slice %arg4[%select_n3A_784, %dma_wait3A_915, %sub3A_787, %dma_wait3A_924, %dma_wait3A_925] : memref<200x8x32x8x128xf32, #tpu.memory_space<hbm>> -> memref<1x1x1x8x128xf32, #tpu.memory_space<hbm>>
        %dma_wait3A_927 = tpu.memref_squeeze %dma_wait3A_926 : memref<1x1x1x8x128xf32, #tpu.memory_space<hbm>> -> memref<8x128xf32, #tpu.memory_space<hbm>>
        %dma_wait3A_928 = arith.constant 56 : i32
        %dma_wait3A_929 = arith.constant 0 : i32
        %dma_wait3A_930 = tpu.memref_slice %arg7[%dma_wait3A_914, %dma_wait3A_928, %dma_wait3A_929] : memref<2x64x129xf32, #tpu.memory_space<vmem>> -> memref<1x8x128xf32, #tpu.memory_space<vmem>>
        %dma_wait3A_931 = tpu.memref_squeeze %dma_wait3A_930 : memref<1x8x128xf32, #tpu.memory_space<vmem>> -> memref<8x128xf32, #tpu.memory_space<vmem>>
        tpu.wait_dma2 semaphore(%arg9 : memref<!tpu.dma_semaphore, #tpu.memory_space<semaphore_mem>>) src(%dma_wait3A_931 : memref<8x128xf32, #tpu.memory_space<vmem>>) dst(%dma_wait3A_927 : memref<8x128xf32, #tpu.memory_space<hbm>>)
      } else {
      }
      %parallel_loop3A = arith.constant 0 : i32
      %parallel_loop3A_378 = arith.constant 128 : i32
      %parallel_loop3A_379 = arith.constant 1 : i32
      %parallel_loop3A_380 = arith.constant 0 : i32
      %parallel_loop3A_381 = arith.constant 0 : i32
      scf.for %parallel_loop3A_758 = %parallel_loop3A to %parallel_loop3A_378 step %parallel_loop3A_379  : i32 {
        %parallel_loop3A_759 = vector.broadcast %parallel_loop3A_758 : i32 to vector<16xi32>
        %parallel_loop3A_760 = tpu.iota {dimensions = array<i32: 0>} : vector<16xi32>
        %parallel_loop3A_761 = arith.constant 0 : i32
        %parallel_loop3A_762 = vector.broadcast %parallel_loop3A_761 : i32 to vector<16xi32>
        %parallel_loop3A_763 = arith.addi %parallel_loop3A_762, %parallel_loop3A_760 : vector<16xi32>
        %parallel_loop3A_764 = arith.constant 0 : i32
        %parallel_loop3A_765 = arith.constant 0 : i32
        %parallel_loop3A_766 = tpu.memref_slice %arg6[%parallel_loop3A_380, %parallel_loop3A_764, %parallel_loop3A_765] : memref<2x128x64xf32, #tpu.memory_space<vmem>> -> memref<1x128x64xf32, #tpu.memory_space<vmem>>
        %parallel_loop3A_767 = tpu.memref_squeeze %parallel_loop3A_766 : memref<1x128x64xf32, #tpu.memory_space<vmem>> -> memref<128x64xf32, #tpu.memory_space<vmem>>
        %parallel_loop3A_768 = arith.index_cast %parallel_loop3A_758 : i32 to index
        %parallel_loop3A_769 = arith.constant 0 : index
        %parallel_loop3A_770 = tpu.vector_load %parallel_loop3A_767[%parallel_loop3A_768, %parallel_loop3A_769] {strides = array<i32>} : memref<128x64xf32, #tpu.memory_space<vmem>>, vector<16xf32>,
        %parallel_loop3A_771 = arith.constant 8.000000e+00 : f32
        %parallel_loop3A_772 = vector.broadcast %parallel_loop3A_771 : f32 to vector<16xf32>
        %parallel_loop3A_773 = arith.mulf %parallel_loop3A_770, %parallel_loop3A_772 : vector<16xf32>
        %parallel_loop3A_774 = arith.constant 0 : i32
        %parallel_loop3A_775 = arith.constant 0 : i32
        %parallel_loop3A_776 = tpu.memref_slice %arg7[%parallel_loop3A_381, %parallel_loop3A_774, %parallel_loop3A_775] : memref<2x64x129xf32, #tpu.memory_space<vmem>> -> memref<1x64x129xf32, #tpu.memory_space<vmem>>
        %parallel_loop3A_777 = tpu.memref_squeeze %parallel_loop3A_776 : memref<1x64x129xf32, #tpu.memory_space<vmem>> -> memref<64x129xf32, #tpu.memory_space<vmem>>
        tpu.vector_store_idx %parallel_loop3A_777[%parallel_loop3A_763, %parallel_loop3A_759], %parallel_loop3A_773 : memref<64x129xf32, #tpu.memory_space<vmem>>[vector<16xi32>, vector<16xi32>], vector<16xf32>,
        %parallel_loop3A_778 = tpu.iota {dimensions = array<i32: 0>} : vector<16xi32>
        %parallel_loop3A_779 = arith.constant 16 : i32
        %parallel_loop3A_780 = vector.broadcast %parallel_loop3A_779 : i32 to vector<16xi32>
        %parallel_loop3A_781 = arith.addi %parallel_loop3A_780, %parallel_loop3A_778 : vector<16xi32>
        %parallel_loop3A_782 = arith.constant 0 : i32
        %parallel_loop3A_783 = arith.constant 0 : i32
        %parallel_loop3A_784 = tpu.memref_slice %arg6[%parallel_loop3A_380, %parallel_loop3A_782, %parallel_loop3A_783] : memref<2x128x64xf32, #tpu.memory_space<vmem>> -> memref<1x128x64xf32, #tpu.memory_space<vmem>>
        %parallel_loop3A_785 = tpu.memref_squeeze %parallel_loop3A_784 : memref<1x128x64xf32, #tpu.memory_space<vmem>> -> memref<128x64xf32, #tpu.memory_space<vmem>>
        %parallel_loop3A_786 = arith.index_cast %parallel_loop3A_758 : i32 to index
        %parallel_loop3A_787 = arith.constant 16 : index
        %parallel_loop3A_788 = tpu.vector_load %parallel_loop3A_785[%parallel_loop3A_786, %parallel_loop3A_787] {strides = array<i32>} : memref<128x64xf32, #tpu.memory_space<vmem>>, vector<16xf32>,
        %parallel_loop3A_789 = arith.constant 8.000000e+00 : f32
        %parallel_loop3A_790 = vector.broadcast %parallel_loop3A_789 : f32 to vector<16xf32>
        %parallel_loop3A_791 = arith.mulf %parallel_loop3A_788, %parallel_loop3A_790 : vector<16xf32>
        %parallel_loop3A_792 = arith.constant 0 : i32
        %parallel_loop3A_793 = arith.constant 0 : i32
        %parallel_loop3A_794 = tpu.memref_slice %arg7[%parallel_loop3A_381, %parallel_loop3A_792, %parallel_loop3A_793] : memref<2x64x129xf32, #tpu.memory_space<vmem>> -> memref<1x64x129xf32, #tpu.memory_space<vmem>>
        %parallel_loop3A_795 = tpu.memref_squeeze %parallel_loop3A_794 : memref<1x64x129xf32, #tpu.memory_space<vmem>> -> memref<64x129xf32, #tpu.memory_space<vmem>>
        tpu.vector_store_idx %parallel_loop3A_795[%parallel_loop3A_781, %parallel_loop3A_759], %parallel_loop3A_791 : memref<64x129xf32, #tpu.memory_space<vmem>>[vector<16xi32>, vector<16xi32>], vector<16xf32>,
        %parallel_loop3A_796 = tpu.iota {dimensions = array<i32: 0>} : vector<16xi32>
        %parallel_loop3A_797 = arith.constant 32 : i32
        %parallel_loop3A_798 = vector.broadcast %parallel_loop3A_797 : i32 to vector<16xi32>
        %parallel_loop3A_799 = arith.addi %parallel_loop3A_798, %parallel_loop3A_796 : vector<16xi32>
        %parallel_loop3A_800 = arith.constant 0 : i32
        %parallel_loop3A_801 = arith.constant 0 : i32
        %parallel_loop3A_802 = tpu.memref_slice %arg6[%parallel_loop3A_380, %parallel_loop3A_800, %parallel_loop3A_801] : memref<2x128x64xf32, #tpu.memory_space<vmem>> -> memref<1x128x64xf32, #tpu.memory_space<vmem>>
        %parallel_loop3A_803 = tpu.memref_squeeze %parallel_loop3A_802 : memref<1x128x64xf32, #tpu.memory_space<vmem>> -> memref<128x64xf32, #tpu.memory_space<vmem>>
        %parallel_loop3A_804 = arith.index_cast %parallel_loop3A_758 : i32 to index
        %parallel_loop3A_805 = arith.constant 32 : index
        %parallel_loop3A_806 = tpu.vector_load %parallel_loop3A_803[%parallel_loop3A_804, %parallel_loop3A_805] {strides = array<i32>} : memref<128x64xf32, #tpu.memory_space<vmem>>, vector<16xf32>,
        %parallel_loop3A_807 = arith.constant 8.000000e+00 : f32
        %parallel_loop3A_808 = vector.broadcast %parallel_loop3A_807 : f32 to vector<16xf32>
        %parallel_loop3A_809 = arith.mulf %parallel_loop3A_806, %parallel_loop3A_808 : vector<16xf32>
        %parallel_loop3A_810 = arith.constant 0 : i32
        %parallel_loop3A_811 = arith.constant 0 : i32
        %parallel_loop3A_812 = tpu.memref_slice %arg7[%parallel_loop3A_381, %parallel_loop3A_810, %parallel_loop3A_811] : memref<2x64x129xf32, #tpu.memory_space<vmem>> -> memref<1x64x129xf32, #tpu.memory_space<vmem>>
        %parallel_loop3A_813 = tpu.memref_squeeze %parallel_loop3A_812 : memref<1x64x129xf32, #tpu.memory_space<vmem>> -> memref<64x129xf32, #tpu.memory_space<vmem>>
        tpu.vector_store_idx %parallel_loop3A_813[%parallel_loop3A_799, %parallel_loop3A_759], %parallel_loop3A_809 : memref<64x129xf32, #tpu.memory_space<vmem>>[vector<16xi32>, vector<16xi32>], vector<16xf32>,
        %parallel_loop3A_814 = tpu.iota {dimensions = array<i32: 0>} : vector<16xi32>
        %parallel_loop3A_815 = arith.constant 48 : i32
        %parallel_loop3A_816 = vector.broadcast %parallel_loop3A_815 : i32 to vector<16xi32>
        %parallel_loop3A_817 = arith.addi %parallel_loop3A_816, %parallel_loop3A_814 : vector<16xi32>
        %parallel_loop3A_818 = arith.constant 0 : i32
        %parallel_loop3A_819 = arith.constant 0 : i32
        %parallel_loop3A_820 = tpu.memref_slice %arg6[%parallel_loop3A_380, %parallel_loop3A_818, %parallel_loop3A_819] : memref<2x128x64xf32, #tpu.memory_space<vmem>> -> memref<1x128x64xf32, #tpu.memory_space<vmem>>
        %parallel_loop3A_821 = tpu.memref_squeeze %parallel_loop3A_820 : memref<1x128x64xf32, #tpu.memory_space<vmem>> -> memref<128x64xf32, #tpu.memory_space<vmem>>
        %parallel_loop3A_822 = arith.index_cast %parallel_loop3A_758 : i32 to index
        %parallel_loop3A_823 = arith.constant 48 : index
        %parallel_loop3A_824 = tpu.vector_load %parallel_loop3A_821[%parallel_loop3A_822, %parallel_loop3A_823] {strides = array<i32>} : memref<128x64xf32, #tpu.memory_space<vmem>>, vector<16xf32>,
        %parallel_loop3A_825 = arith.constant 8.000000e+00 : f32
        %parallel_loop3A_826 = vector.broadcast %parallel_loop3A_825 : f32 to vector<16xf32>
        %parallel_loop3A_827 = arith.mulf %parallel_loop3A_824, %parallel_loop3A_826 : vector<16xf32>
        %parallel_loop3A_828 = arith.constant 0 : i32
        %parallel_loop3A_829 = arith.constant 0 : i32
        %parallel_loop3A_830 = tpu.memref_slice %arg7[%parallel_loop3A_381, %parallel_loop3A_828, %parallel_loop3A_829] : memref<2x64x129xf32, #tpu.memory_space<vmem>> -> memref<1x64x129xf32, #tpu.memory_space<vmem>>
        %parallel_loop3A_831 = tpu.memref_squeeze %parallel_loop3A_830 : memref<1x64x129xf32, #tpu.memory_space<vmem>> -> memref<64x129xf32, #tpu.memory_space<vmem>>
        tpu.vector_store_idx %parallel_loop3A_831[%parallel_loop3A_817, %parallel_loop3A_759], %parallel_loop3A_827 : memref<64x129xf32, #tpu.memory_space<vmem>>[vector<16xi32>, vector<16xi32>], vector<16xf32>,
      } {sc.loop_unroll_factor = 4 : i64, sc.parallel_access}
      %add3A_382 = arith.addi %mul3A_2, %mul3A_358 : i32
      %jit3A_383 = arith.constant 32 : i32
      %div3A_384 = arith.divsi %add3A_382, %jit3A_383 : i32
      %sign3A_385 = arith.constant 0 : i32
      %sign3A_386 = arith.cmpi sgt, %add3A_382, %sign3A_385 : i32
      %sign3A_387 = arith.extui %sign3A_386 : i1 to i32
      %sign3A_388 = arith.constant 0 : i32
      %sign3A_389 = arith.cmpi slt, %add3A_382, %sign3A_388 : i32
      %sign3A_390 = arith.extui %sign3A_389 : i1 to i32
      %sign3A_391 = arith.subi %sign3A_387, %sign3A_390 : i32
      %sign3A_392 = arith.constant 0 : i32
      %sign3A_393 = arith.cmpi sgt, %jit3A_383, %sign3A_392 : i32
      %sign3A_394 = arith.extui %sign3A_393 : i1 to i32
      %sign3A_395 = arith.constant 0 : i32
      %sign3A_396 = arith.cmpi slt, %jit3A_383, %sign3A_395 : i32
      %sign3A_397 = arith.extui %sign3A_396 : i1 to i32
      %sign3A_398 = arith.subi %sign3A_394, %sign3A_397 : i32
      %ne3A_399 = arith.cmpi ne, %sign3A_391, %sign3A_398 : i32
      %rem3A_400 = arith.remsi %add3A_382, %jit3A_383 : i32
      %ne3A_401 = arith.constant 0 : i32
      %ne3A_402 = arith.cmpi ne, %rem3A_400, %ne3A_401 : i32
      %and3A_403 = arith.andi %ne3A_399, %ne3A_402 : i1
      %sub3A_404 = arith.constant 1 : i32
      %sub3A_405 = arith.subi %div3A_384, %sub3A_404 : i32
      %select_n3A_406 = arith.select %and3A_403, %sub3A_405, %div3A_384 : i32
      %mul3A_407 = arith.constant 32 : i32
      %mul3A_408 = arith.muli %select_n3A_406, %mul3A_407 : i32
      %sub3A_409 = arith.subi %add3A_382, %mul3A_408 : i32
      %dma_start3A_410 = arith.constant 0 : i32
      %dma_start3A_411 = arith.constant 0 : i32
      %dma_start3A_412 = arith.constant 0 : i32
      %dma_start3A_413 = arith.constant 0 : i32
      %dma_start3A_414 = tpu.memref_slice %arg7[%dma_start3A_410, %dma_start3A_412, %dma_start3A_413] : memref<2x64x129xf32, #tpu.memory_space<vmem>> -> memref<1x8x128xf32, #tpu.memory_space<vmem>>
      %dma_start3A_415 = tpu.memref_squeeze %dma_start3A_414 : memref<1x8x128xf32, #tpu.memory_space<vmem>> -> memref<8x128xf32, #tpu.memory_space<vmem>>
      %dma_start3A_416 = arith.constant 0 : i32
      %dma_start3A_417 = arith.constant 0 : i32
      %dma_start3A_418 = tpu.memref_slice %arg4[%select_n3A_406, %dma_start3A_411, %sub3A_409, %dma_start3A_416, %dma_start3A_417] : memref<200x8x32x8x128xf32, #tpu.memory_space<hbm>> -> memref<1x1x1x8x128xf32, #tpu.memory_space<hbm>>
      %dma_start3A_419 = tpu.memref_squeeze %dma_start3A_418 : memref<1x1x1x8x128xf32, #tpu.memory_space<hbm>> -> memref<8x128xf32, #tpu.memory_space<hbm>>
      %dma_start3A_420 = arith.constant 0 : i32
      %dma_start3A_421 = arith.constant 0 : i32
      %dma_start3A_422 = tpu.memref_slice %arg4[%select_n3A_406, %dma_start3A_411, %sub3A_409, %dma_start3A_420, %dma_start3A_421] : memref<200x8x32x8x128xf32, #tpu.memory_space<hbm>> -> memref<1x1x1x8x128xf32, #tpu.memory_space<hbm>>
      %dma_start3A_423 = tpu.memref_squeeze %dma_start3A_422 : memref<1x1x1x8x128xf32, #tpu.memory_space<hbm>> -> memref<8x128xf32, #tpu.memory_space<hbm>>
      %dma_start3A_424 = arith.constant 0 : i32
      %dma_start3A_425 = arith.constant 0 : i32
      %dma_start3A_426 = tpu.memref_slice %arg7[%dma_start3A_410, %dma_start3A_424, %dma_start3A_425] : memref<2x64x129xf32, #tpu.memory_space<vmem>> -> memref<1x8x128xf32, #tpu.memory_space<vmem>>
      %dma_start3A_427 = tpu.memref_squeeze %dma_start3A_426 : memref<1x8x128xf32, #tpu.memory_space<vmem>> -> memref<8x128xf32, #tpu.memory_space<vmem>>
      tpu.enqueue_dma source(%dma_start3A_427 : memref<8x128xf32, #tpu.memory_space<vmem>>) target(%dma_start3A_423 : memref<8x128xf32, #tpu.memory_space<hbm>>) target_semaphore(%arg9 : memref<!tpu.dma_semaphore, #tpu.memory_space<semaphore_mem>>)
      %dma_start3A_428 = arith.constant 0 : i32
      %dma_start3A_429 = arith.constant 1 : i32
      %dma_start3A_430 = arith.constant 8 : i32
      %dma_start3A_431 = arith.constant 0 : i32
      %dma_start3A_432 = tpu.memref_slice %arg7[%dma_start3A_428, %dma_start3A_430, %dma_start3A_431] : memref<2x64x129xf32, #tpu.memory_space<vmem>> -> memref<1x8x128xf32, #tpu.memory_space<vmem>>
      %dma_start3A_433 = tpu.memref_squeeze %dma_start3A_432 : memref<1x8x128xf32, #tpu.memory_space<vmem>> -> memref<8x128xf32, #tpu.memory_space<vmem>>
      %dma_start3A_434 = arith.constant 0 : i32
      %dma_start3A_435 = arith.constant 0 : i32
      %dma_start3A_436 = tpu.memref_slice %arg4[%select_n3A_406, %dma_start3A_429, %sub3A_409, %dma_start3A_434, %dma_start3A_435] : memref<200x8x32x8x128xf32, #tpu.memory_space<hbm>> -> memref<1x1x1x8x128xf32, #tpu.memory_space<hbm>>
      %dma_start3A_437 = tpu.memref_squeeze %dma_start3A_436 : memref<1x1x1x8x128xf32, #tpu.memory_space<hbm>> -> memref<8x128xf32, #tpu.memory_space<hbm>>
      %dma_start3A_438 = arith.constant 0 : i32
      %dma_start3A_439 = arith.constant 0 : i32
      %dma_start3A_440 = tpu.memref_slice %arg4[%select_n3A_406, %dma_start3A_429, %sub3A_409, %dma_start3A_438, %dma_start3A_439] : memref<200x8x32x8x128xf32, #tpu.memory_space<hbm>> -> memref<1x1x1x8x128xf32, #tpu.memory_space<hbm>>
      %dma_start3A_441 = tpu.memref_squeeze %dma_start3A_440 : memref<1x1x1x8x128xf32, #tpu.memory_space<hbm>> -> memref<8x128xf32, #tpu.memory_space<hbm>>
      %dma_start3A_442 = arith.constant 8 : i32
      %dma_start3A_443 = arith.constant 0 : i32
      %dma_start3A_444 = tpu.memref_slice %arg7[%dma_start3A_428, %dma_start3A_442, %dma_start3A_443] : memref<2x64x129xf32, #tpu.memory_space<vmem>> -> memref<1x8x128xf32, #tpu.memory_space<vmem>>
      %dma_start3A_445 = tpu.memref_squeeze %dma_start3A_444 : memref<1x8x128xf32, #tpu.memory_space<vmem>> -> memref<8x128xf32, #tpu.memory_space<vmem>>
      tpu.enqueue_dma source(%dma_start3A_445 : memref<8x128xf32, #tpu.memory_space<vmem>>) target(%dma_start3A_441 : memref<8x128xf32, #tpu.memory_space<hbm>>) target_semaphore(%arg9 : memref<!tpu.dma_semaphore, #tpu.memory_space<semaphore_mem>>)
      %dma_start3A_446 = arith.constant 0 : i32
      %dma_start3A_447 = arith.constant 2 : i32
      %dma_start3A_448 = arith.constant 16 : i32
      %dma_start3A_449 = arith.constant 0 : i32
      %dma_start3A_450 = tpu.memref_slice %arg7[%dma_start3A_446, %dma_start3A_448, %dma_start3A_449] : memref<2x64x129xf32, #tpu.memory_space<vmem>> -> memref<1x8x128xf32, #tpu.memory_space<vmem>>
      %dma_start3A_451 = tpu.memref_squeeze %dma_start3A_450 : memref<1x8x128xf32, #tpu.memory_space<vmem>> -> memref<8x128xf32, #tpu.memory_space<vmem>>
      %dma_start3A_452 = arith.constant 0 : i32
      %dma_start3A_453 = arith.constant 0 : i32
      %dma_start3A_454 = tpu.memref_slice %arg4[%select_n3A_406, %dma_start3A_447, %sub3A_409, %dma_start3A_452, %dma_start3A_453] : memref<200x8x32x8x128xf32, #tpu.memory_space<hbm>> -> memref<1x1x1x8x128xf32, #tpu.memory_space<hbm>>
      %dma_start3A_455 = tpu.memref_squeeze %dma_start3A_454 : memref<1x1x1x8x128xf32, #tpu.memory_space<hbm>> -> memref<8x128xf32, #tpu.memory_space<hbm>>
      %dma_start3A_456 = arith.constant 0 : i32
      %dma_start3A_457 = arith.constant 0 : i32
      %dma_start3A_458 = tpu.memref_slice %arg4[%select_n3A_406, %dma_start3A_447, %sub3A_409, %dma_start3A_456, %dma_start3A_457] : memref<200x8x32x8x128xf32, #tpu.memory_space<hbm>> -> memref<1x1x1x8x128xf32, #tpu.memory_space<hbm>>
      %dma_start3A_459 = tpu.memref_squeeze %dma_start3A_458 : memref<1x1x1x8x128xf32, #tpu.memory_space<hbm>> -> memref<8x128xf32, #tpu.memory_space<hbm>>
      %dma_start3A_460 = arith.constant 16 : i32
      %dma_start3A_461 = arith.constant 0 : i32
      %dma_start3A_462 = tpu.memref_slice %arg7[%dma_start3A_446, %dma_start3A_460, %dma_start3A_461] : memref<2x64x129xf32, #tpu.memory_space<vmem>> -> memref<1x8x128xf32, #tpu.memory_space<vmem>>
      %dma_start3A_463 = tpu.memref_squeeze %dma_start3A_462 : memref<1x8x128xf32, #tpu.memory_space<vmem>> -> memref<8x128xf32, #tpu.memory_space<vmem>>
      tpu.enqueue_dma source(%dma_start3A_463 : memref<8x128xf32, #tpu.memory_space<vmem>>) target(%dma_start3A_459 : memref<8x128xf32, #tpu.memory_space<hbm>>) target_semaphore(%arg9 : memref<!tpu.dma_semaphore, #tpu.memory_space<semaphore_mem>>)
      %dma_start3A_464 = arith.constant 0 : i32
      %dma_start3A_465 = arith.constant 3 : i32
      %dma_start3A_466 = arith.constant 24 : i32
      %dma_start3A_467 = arith.constant 0 : i32
      %dma_start3A_468 = tpu.memref_slice %arg7[%dma_start3A_464, %dma_start3A_466, %dma_start3A_467] : memref<2x64x129xf32, #tpu.memory_space<vmem>> -> memref<1x8x128xf32, #tpu.memory_space<vmem>>
      %dma_start3A_469 = tpu.memref_squeeze %dma_start3A_468 : memref<1x8x128xf32, #tpu.memory_space<vmem>> -> memref<8x128xf32, #tpu.memory_space<vmem>>
      %dma_start3A_470 = arith.constant 0 : i32
      %dma_start3A_471 = arith.constant 0 : i32
      %dma_start3A_472 = tpu.memref_slice %arg4[%select_n3A_406, %dma_start3A_465, %sub3A_409, %dma_start3A_470, %dma_start3A_471] : memref<200x8x32x8x128xf32, #tpu.memory_space<hbm>> -> memref<1x1x1x8x128xf32, #tpu.memory_space<hbm>>
      %dma_start3A_473 = tpu.memref_squeeze %dma_start3A_472 : memref<1x1x1x8x128xf32, #tpu.memory_space<hbm>> -> memref<8x128xf32, #tpu.memory_space<hbm>>
      %dma_start3A_474 = arith.constant 0 : i32
      %dma_start3A_475 = arith.constant 0 : i32
      %dma_start3A_476 = tpu.memref_slice %arg4[%select_n3A_406, %dma_start3A_465, %sub3A_409, %dma_start3A_474, %dma_start3A_475] : memref<200x8x32x8x128xf32, #tpu.memory_space<hbm>> -> memref<1x1x1x8x128xf32, #tpu.memory_space<hbm>>
      %dma_start3A_477 = tpu.memref_squeeze %dma_start3A_476 : memref<1x1x1x8x128xf32, #tpu.memory_space<hbm>> -> memref<8x128xf32, #tpu.memory_space<hbm>>
      %dma_start3A_478 = arith.constant 24 : i32
      %dma_start3A_479 = arith.constant 0 : i32
      %dma_start3A_480 = tpu.memref_slice %arg7[%dma_start3A_464, %dma_start3A_478, %dma_start3A_479] : memref<2x64x129xf32, #tpu.memory_space<vmem>> -> memref<1x8x128xf32, #tpu.memory_space<vmem>>
      %dma_start3A_481 = tpu.memref_squeeze %dma_start3A_480 : memref<1x8x128xf32, #tpu.memory_space<vmem>> -> memref<8x128xf32, #tpu.memory_space<vmem>>
      tpu.enqueue_dma source(%dma_start3A_481 : memref<8x128xf32, #tpu.memory_space<vmem>>) target(%dma_start3A_477 : memref<8x128xf32, #tpu.memory_space<hbm>>) target_semaphore(%arg9 : memref<!tpu.dma_semaphore, #tpu.memory_space<semaphore_mem>>)
      %dma_start3A_482 = arith.constant 0 : i32
      %dma_start3A_483 = arith.constant 4 : i32
      %dma_start3A_484 = arith.constant 32 : i32
      %dma_start3A_485 = arith.constant 0 : i32
      %dma_start3A_486 = tpu.memref_slice %arg7[%dma_start3A_482, %dma_start3A_484, %dma_start3A_485] : memref<2x64x129xf32, #tpu.memory_space<vmem>> -> memref<1x8x128xf32, #tpu.memory_space<vmem>>
      %dma_start3A_487 = tpu.memref_squeeze %dma_start3A_486 : memref<1x8x128xf32, #tpu.memory_space<vmem>> -> memref<8x128xf32, #tpu.memory_space<vmem>>
      %dma_start3A_488 = arith.constant 0 : i32
      %dma_start3A_489 = arith.constant 0 : i32
      %dma_start3A_490 = tpu.memref_slice %arg4[%select_n3A_406, %dma_start3A_483, %sub3A_409, %dma_start3A_488, %dma_start3A_489] : memref<200x8x32x8x128xf32, #tpu.memory_space<hbm>> -> memref<1x1x1x8x128xf32, #tpu.memory_space<hbm>>
      %dma_start3A_491 = tpu.memref_squeeze %dma_start3A_490 : memref<1x1x1x8x128xf32, #tpu.memory_space<hbm>> -> memref<8x128xf32, #tpu.memory_space<hbm>>
      %dma_start3A_492 = arith.constant 0 : i32
      %dma_start3A_493 = arith.constant 0 : i32
      %dma_start3A_494 = tpu.memref_slice %arg4[%select_n3A_406, %dma_start3A_483, %sub3A_409, %dma_start3A_492, %dma_start3A_493] : memref<200x8x32x8x128xf32, #tpu.memory_space<hbm>> -> memref<1x1x1x8x128xf32, #tpu.memory_space<hbm>>
      %dma_start3A_495 = tpu.memref_squeeze %dma_start3A_494 : memref<1x1x1x8x128xf32, #tpu.memory_space<hbm>> -> memref<8x128xf32, #tpu.memory_space<hbm>>
      %dma_start3A_496 = arith.constant 32 : i32
      %dma_start3A_497 = arith.constant 0 : i32
      %dma_start3A_498 = tpu.memref_slice %arg7[%dma_start3A_482, %dma_start3A_496, %dma_start3A_497] : memref<2x64x129xf32, #tpu.memory_space<vmem>> -> memref<1x8x128xf32, #tpu.memory_space<vmem>>
      %dma_start3A_499 = tpu.memref_squeeze %dma_start3A_498 : memref<1x8x128xf32, #tpu.memory_space<vmem>> -> memref<8x128xf32, #tpu.memory_space<vmem>>
      tpu.enqueue_dma source(%dma_start3A_499 : memref<8x128xf32, #tpu.memory_space<vmem>>) target(%dma_start3A_495 : memref<8x128xf32, #tpu.memory_space<hbm>>) target_semaphore(%arg9 : memref<!tpu.dma_semaphore, #tpu.memory_space<semaphore_mem>>)
      %dma_start3A_500 = arith.constant 0 : i32
      %dma_start3A_501 = arith.constant 5 : i32
      %dma_start3A_502 = arith.constant 40 : i32
      %dma_start3A_503 = arith.constant 0 : i32
      %dma_start3A_504 = tpu.memref_slice %arg7[%dma_start3A_500, %dma_start3A_502, %dma_start3A_503] : memref<2x64x129xf32, #tpu.memory_space<vmem>> -> memref<1x8x128xf32, #tpu.memory_space<vmem>>
      %dma_start3A_505 = tpu.memref_squeeze %dma_start3A_504 : memref<1x8x128xf32, #tpu.memory_space<vmem>> -> memref<8x128xf32, #tpu.memory_space<vmem>>
      %dma_start3A_506 = arith.constant 0 : i32
      %dma_start3A_507 = arith.constant 0 : i32
      %dma_start3A_508 = tpu.memref_slice %arg4[%select_n3A_406, %dma_start3A_501, %sub3A_409, %dma_start3A_506, %dma_start3A_507] : memref<200x8x32x8x128xf32, #tpu.memory_space<hbm>> -> memref<1x1x1x8x128xf32, #tpu.memory_space<hbm>>
      %dma_start3A_509 = tpu.memref_squeeze %dma_start3A_508 : memref<1x1x1x8x128xf32, #tpu.memory_space<hbm>> -> memref<8x128xf32, #tpu.memory_space<hbm>>
      %dma_start3A_510 = arith.constant 0 : i32
      %dma_start3A_511 = arith.constant 0 : i32
      %dma_start3A_512 = tpu.memref_slice %arg4[%select_n3A_406, %dma_start3A_501, %sub3A_409, %dma_start3A_510, %dma_start3A_511] : memref<200x8x32x8x128xf32, #tpu.memory_space<hbm>> -> memref<1x1x1x8x128xf32, #tpu.memory_space<hbm>>
      %dma_start3A_513 = tpu.memref_squeeze %dma_start3A_512 : memref<1x1x1x8x128xf32, #tpu.memory_space<hbm>> -> memref<8x128xf32, #tpu.memory_space<hbm>>
      %dma_start3A_514 = arith.constant 40 : i32
      %dma_start3A_515 = arith.constant 0 : i32
      %dma_start3A_516 = tpu.memref_slice %arg7[%dma_start3A_500, %dma_start3A_514, %dma_start3A_515] : memref<2x64x129xf32, #tpu.memory_space<vmem>> -> memref<1x8x128xf32, #tpu.memory_space<vmem>>
      %dma_start3A_517 = tpu.memref_squeeze %dma_start3A_516 : memref<1x8x128xf32, #tpu.memory_space<vmem>> -> memref<8x128xf32, #tpu.memory_space<vmem>>
      tpu.enqueue_dma source(%dma_start3A_517 : memref<8x128xf32, #tpu.memory_space<vmem>>) target(%dma_start3A_513 : memref<8x128xf32, #tpu.memory_space<hbm>>) target_semaphore(%arg9 : memref<!tpu.dma_semaphore, #tpu.memory_space<semaphore_mem>>)
      %dma_start3A_518 = arith.constant 0 : i32
      %dma_start3A_519 = arith.constant 6 : i32
      %dma_start3A_520 = arith.constant 48 : i32
      %dma_start3A_521 = arith.constant 0 : i32
      %dma_start3A_522 = tpu.memref_slice %arg7[%dma_start3A_518, %dma_start3A_520, %dma_start3A_521] : memref<2x64x129xf32, #tpu.memory_space<vmem>> -> memref<1x8x128xf32, #tpu.memory_space<vmem>>
      %dma_start3A_523 = tpu.memref_squeeze %dma_start3A_522 : memref<1x8x128xf32, #tpu.memory_space<vmem>> -> memref<8x128xf32, #tpu.memory_space<vmem>>
      %dma_start3A_524 = arith.constant 0 : i32
      %dma_start3A_525 = arith.constant 0 : i32
      %dma_start3A_526 = tpu.memref_slice %arg4[%select_n3A_406, %dma_start3A_519, %sub3A_409, %dma_start3A_524, %dma_start3A_525] : memref<200x8x32x8x128xf32, #tpu.memory_space<hbm>> -> memref<1x1x1x8x128xf32, #tpu.memory_space<hbm>>
      %dma_start3A_527 = tpu.memref_squeeze %dma_start3A_526 : memref<1x1x1x8x128xf32, #tpu.memory_space<hbm>> -> memref<8x128xf32, #tpu.memory_space<hbm>>
      %dma_start3A_528 = arith.constant 0 : i32
      %dma_start3A_529 = arith.constant 0 : i32
      %dma_start3A_530 = tpu.memref_slice %arg4[%select_n3A_406, %dma_start3A_519, %sub3A_409, %dma_start3A_528, %dma_start3A_529] : memref<200x8x32x8x128xf32, #tpu.memory_space<hbm>> -> memref<1x1x1x8x128xf32, #tpu.memory_space<hbm>>
      %dma_start3A_531 = tpu.memref_squeeze %dma_start3A_530 : memref<1x1x1x8x128xf32, #tpu.memory_space<hbm>> -> memref<8x128xf32, #tpu.memory_space<hbm>>
      %dma_start3A_532 = arith.constant 48 : i32
      %dma_start3A_533 = arith.constant 0 : i32
      %dma_start3A_534 = tpu.memref_slice %arg7[%dma_start3A_518, %dma_start3A_532, %dma_start3A_533] : memref<2x64x129xf32, #tpu.memory_space<vmem>> -> memref<1x8x128xf32, #tpu.memory_space<vmem>>
      %dma_start3A_535 = tpu.memref_squeeze %dma_start3A_534 : memref<1x8x128xf32, #tpu.memory_space<vmem>> -> memref<8x128xf32, #tpu.memory_space<vmem>>
      tpu.enqueue_dma source(%dma_start3A_535 : memref<8x128xf32, #tpu.memory_space<vmem>>) target(%dma_start3A_531 : memref<8x128xf32, #tpu.memory_space<hbm>>) target_semaphore(%arg9 : memref<!tpu.dma_semaphore, #tpu.memory_space<semaphore_mem>>)
      %dma_start3A_536 = arith.constant 0 : i32
      %dma_start3A_537 = arith.constant 7 : i32
      %dma_start3A_538 = arith.constant 56 : i32
      %dma_start3A_539 = arith.constant 0 : i32
      %dma_start3A_540 = tpu.memref_slice %arg7[%dma_start3A_536, %dma_start3A_538, %dma_start3A_539] : memref<2x64x129xf32, #tpu.memory_space<vmem>> -> memref<1x8x128xf32, #tpu.memory_space<vmem>>
      %dma_start3A_541 = tpu.memref_squeeze %dma_start3A_540 : memref<1x8x128xf32, #tpu.memory_space<vmem>> -> memref<8x128xf32, #tpu.memory_space<vmem>>
      %dma_start3A_542 = arith.constant 0 : i32
      %dma_start3A_543 = arith.constant 0 : i32
      %dma_start3A_544 = tpu.memref_slice %arg4[%select_n3A_406, %dma_start3A_537, %sub3A_409, %dma_start3A_542, %dma_start3A_543] : memref<200x8x32x8x128xf32, #tpu.memory_space<hbm>> -> memref<1x1x1x8x128xf32, #tpu.memory_space<hbm>>
      %dma_start3A_545 = tpu.memref_squeeze %dma_start3A_544 : memref<1x1x1x8x128xf32, #tpu.memory_space<hbm>> -> memref<8x128xf32, #tpu.memory_space<hbm>>
      %dma_start3A_546 = arith.constant 0 : i32
      %dma_start3A_547 = arith.constant 0 : i32
      %dma_start3A_548 = tpu.memref_slice %arg4[%select_n3A_406, %dma_start3A_537, %sub3A_409, %dma_start3A_546, %dma_start3A_547] : memref<200x8x32x8x128xf32, #tpu.memory_space<hbm>> -> memref<1x1x1x8x128xf32, #tpu.memory_space<hbm>>
      %dma_start3A_549 = tpu.memref_squeeze %dma_start3A_548 : memref<1x1x1x8x128xf32, #tpu.memory_space<hbm>> -> memref<8x128xf32, #tpu.memory_space<hbm>>
      %dma_start3A_550 = arith.constant 56 : i32
      %dma_start3A_551 = arith.constant 0 : i32
      %dma_start3A_552 = tpu.memref_slice %arg7[%dma_start3A_536, %dma_start3A_550, %dma_start3A_551] : memref<2x64x129xf32, #tpu.memory_space<vmem>> -> memref<1x8x128xf32, #tpu.memory_space<vmem>>
      %dma_start3A_553 = tpu.memref_squeeze %dma_start3A_552 : memref<1x8x128xf32, #tpu.memory_space<vmem>> -> memref<8x128xf32, #tpu.memory_space<vmem>>
      tpu.enqueue_dma source(%dma_start3A_553 : memref<8x128xf32, #tpu.memory_space<vmem>>) target(%dma_start3A_549 : memref<8x128xf32, #tpu.memory_space<hbm>>) target_semaphore(%arg9 : memref<!tpu.dma_semaphore, #tpu.memory_space<semaphore_mem>>)
      %mul3A_554 = arith.constant 2 : i32
      %mul3A_555 = arith.muli %mul3A_554, %scan3A_356 : i32
      %add3A_556 = arith.constant 1 : i32
      %add3A_557 = arith.addi %mul3A_555, %add3A_556 : i32
      %add3A_558 = arith.constant 1 : i32
      %add3A_559 = arith.addi %add3A_557, %add3A_558 : i32
      %lt3A_560 = arith.constant 200 : i32
      %lt3A_561 = arith.cmpi slt, %add3A_559, %lt3A_560 : i32
      %convert_element_type3A_562 = arith.extui %lt3A_561 : i1 to i32
      %cond3A_563 = arith.constant 0 : i32
      %cond3A_564 = arith.cmpi ne, %convert_element_type3A_562, %cond3A_563 : i32
      scf.if %cond3A_564 {
        %add3A_758 = arith.constant 1 : i32
        %add3A_759 = arith.addi %add3A_557, %add3A_758 : i32
        %dma_start3A_760 = arith.constant 0 : i32
        %dma_start3A_761 = arith.constant 0 : i32
        %dma_start3A_762 = arith.constant 0 : i32
        %dma_start3A_763 = tpu.memref_slice %arg6[%dma_start3A_760, %dma_start3A_761, %dma_start3A_762] : memref<2x128x64xf32, #tpu.memory_space<vmem>> -> memref<1x128x64xf32, #tpu.memory_space<vmem>>
        %dma_start3A_764 = tpu.memref_squeeze %dma_start3A_763 : memref<1x128x64xf32, #tpu.memory_space<vmem>> -> memref<128x64xf32, #tpu.memory_space<vmem>>
        %dma_start3A_765 = arith.constant 0 : i32
        %dma_start3A_766 = tpu.memref_slice %arg5[%add3A_759, %dma_start3A_765] : memref<200x128xi32, #tpu.memory_space<vmem>> -> memref<1x128xi32, #tpu.memory_space<vmem>>
        %dma_start3A_767 = tpu.memref_squeeze %dma_start3A_766 : memref<1x128xi32, #tpu.memory_space<vmem>> -> memref<128xi32, #tpu.memory_space<vmem>>
        %dma_start3A_768 = arith.constant 0 : i32
        %dma_start3A_769 = arith.constant 0 : i32
        %dma_start3A_770 = tpu.memref_slice %arg3[%dma_start3A_768, %dma_start3A_769] : memref<1000000x64xf32, #tpu.memory_space<hbm>> -> memref<1000000x64xf32, #tpu.memory_space<hbm>>
        tpu.enqueue_indirect_dma source(%dma_start3A_770 : memref<1000000x64xf32, #tpu.memory_space<hbm>>) target(%dma_start3A_764 : memref<128x64xf32, #tpu.memory_space<vmem>>) offsets(%dma_start3A_767 : memref<128xi32, #tpu.memory_space<vmem>>) semaphore(%arg8 : memref<!tpu.dma_semaphore, #tpu.memory_space<semaphore_mem>>)
      } else {
      }
      %dma_wait3A_565 = arith.constant 1 : i32
      %dma_wait3A_566 = arith.constant 0 : i32
      %dma_wait3A_567 = arith.constant 0 : i32
      %dma_wait3A_568 = tpu.memref_slice %arg6[%dma_wait3A_565, %dma_wait3A_566, %dma_wait3A_567] : memref<2x128x64xf32, #tpu.memory_space<vmem>> -> memref<1x128x64xf32, #tpu.memory_space<vmem>>
      %dma_wait3A_569 = tpu.memref_squeeze %dma_wait3A_568 : memref<1x128x64xf32, #tpu.memory_space<vmem>> -> memref<128x64xf32, #tpu.memory_space<vmem>>
      %dma_wait3A_570 = arith.constant 0 : i32
      %dma_wait3A_571 = tpu.memref_slice %arg5[%add3A_557, %dma_wait3A_570] : memref<200x128xi32, #tpu.memory_space<vmem>> -> memref<1x128xi32, #tpu.memory_space<vmem>>
      %dma_wait3A_572 = tpu.memref_squeeze %dma_wait3A_571 : memref<1x128xi32, #tpu.memory_space<vmem>> -> memref<128xi32, #tpu.memory_space<vmem>>
      %dma_wait3A_573 = arith.constant 0 : i32
      %dma_wait3A_574 = arith.constant 0 : i32
      %dma_wait3A_575 = tpu.memref_slice %arg3[%dma_wait3A_573, %dma_wait3A_574] : memref<1000000x64xf32, #tpu.memory_space<hbm>> -> memref<1000000x64xf32, #tpu.memory_space<hbm>>
      tpu.wait_indirect_dma semaphore(%arg8 : memref<!tpu.dma_semaphore, #tpu.memory_space<semaphore_mem>>) src(%dma_wait3A_575 : memref<1000000x64xf32, #tpu.memory_space<hbm>>) dst(%dma_wait3A_569 : memref<128x64xf32, #tpu.memory_space<vmem>>)
      %ge3A_576 = arith.constant 2 : i32
      %ge3A_577 = arith.cmpi sge, %add3A_557, %ge3A_576 : i32
      %convert_element_type3A_578 = arith.extui %ge3A_577 : i1 to i32
      %cond3A_579 = arith.constant 0 : i32
      %cond3A_580 = arith.cmpi ne, %convert_element_type3A_578, %cond3A_579 : i32
      scf.if %cond3A_580 {
        %sub3A_758 = arith.constant 2 : i32
        %sub3A_759 = arith.subi %add3A_557, %sub3A_758 : i32
        %add3A_760 = arith.addi %mul3A_2, %sub3A_759 : i32
        %jit3A_761 = arith.constant 32 : i32
        %div3A_762 = arith.divsi %add3A_760, %jit3A_761 : i32
        %sign3A_763 = arith.constant 0 : i32
        %sign3A_764 = arith.cmpi sgt, %add3A_760, %sign3A_763 : i32
        %sign3A_765 = arith.extui %sign3A_764 : i1 to i32
        %sign3A_766 = arith.constant 0 : i32
        %sign3A_767 = arith.cmpi slt, %add3A_760, %sign3A_766 : i32
        %sign3A_768 = arith.extui %sign3A_767 : i1 to i32
        %sign3A_769 = arith.subi %sign3A_765, %sign3A_768 : i32
        %sign3A_770 = arith.constant 0 : i32
        %sign3A_771 = arith.cmpi sgt, %jit3A_761, %sign3A_770 : i32
        %sign3A_772 = arith.extui %sign3A_771 : i1 to i32
        %sign3A_773 = arith.constant 0 : i32
        %sign3A_774 = arith.cmpi slt, %jit3A_761, %sign3A_773 : i32
        %sign3A_775 = arith.extui %sign3A_774 : i1 to i32
        %sign3A_776 = arith.subi %sign3A_772, %sign3A_775 : i32
        %ne3A_777 = arith.cmpi ne, %sign3A_769, %sign3A_776 : i32
        %rem3A_778 = arith.remsi %add3A_760, %jit3A_761 : i32
        %ne3A_779 = arith.constant 0 : i32
        %ne3A_780 = arith.cmpi ne, %rem3A_778, %ne3A_779 : i32
        %and3A_781 = arith.andi %ne3A_777, %ne3A_780 : i1
        %sub3A_782 = arith.constant 1 : i32
        %sub3A_783 = arith.subi %div3A_762, %sub3A_782 : i32
        %select_n3A_784 = arith.select %and3A_781, %sub3A_783, %div3A_762 : i32
        %mul3A_785 = arith.constant 32 : i32
        %mul3A_786 = arith.muli %select_n3A_784, %mul3A_785 : i32
        %sub3A_787 = arith.subi %add3A_760, %mul3A_786 : i32
        %dma_wait3A_788 = arith.constant 1 : i32
        %dma_wait3A_789 = arith.constant 0 : i32
        %dma_wait3A_790 = arith.constant 0 : i32
        %dma_wait3A_791 = arith.constant 0 : i32
        %dma_wait3A_792 = tpu.memref_slice %arg7[%dma_wait3A_788, %dma_wait3A_790, %dma_wait3A_791] : memref<2x64x129xf32, #tpu.memory_space<vmem>> -> memref<1x8x128xf32, #tpu.memory_space<vmem>>
        %dma_wait3A_793 = tpu.memref_squeeze %dma_wait3A_792 : memref<1x8x128xf32, #tpu.memory_space<vmem>> -> memref<8x128xf32, #tpu.memory_space<vmem>>
        %dma_wait3A_794 = arith.constant 0 : i32
        %dma_wait3A_795 = arith.constant 0 : i32
        %dma_wait3A_796 = tpu.memref_slice %arg4[%select_n3A_784, %dma_wait3A_789, %sub3A_787, %dma_wait3A_794, %dma_wait3A_795] : memref<200x8x32x8x128xf32, #tpu.memory_space<hbm>> -> memref<1x1x1x8x128xf32, #tpu.memory_space<hbm>>
        %dma_wait3A_797 = tpu.memref_squeeze %dma_wait3A_796 : memref<1x1x1x8x128xf32, #tpu.memory_space<hbm>> -> memref<8x128xf32, #tpu.memory_space<hbm>>
        %dma_wait3A_798 = arith.constant 0 : i32
        %dma_wait3A_799 = arith.constant 0 : i32
        %dma_wait3A_800 = tpu.memref_slice %arg4[%select_n3A_784, %dma_wait3A_789, %sub3A_787, %dma_wait3A_798, %dma_wait3A_799] : memref<200x8x32x8x128xf32, #tpu.memory_space<hbm>> -> memref<1x1x1x8x128xf32, #tpu.memory_space<hbm>>
        %dma_wait3A_801 = tpu.memref_squeeze %dma_wait3A_800 : memref<1x1x1x8x128xf32, #tpu.memory_space<hbm>> -> memref<8x128xf32, #tpu.memory_space<hbm>>
        %dma_wait3A_802 = arith.constant 0 : i32
        %dma_wait3A_803 = arith.constant 0 : i32
        %dma_wait3A_804 = tpu.memref_slice %arg7[%dma_wait3A_788, %dma_wait3A_802, %dma_wait3A_803] : memref<2x64x129xf32, #tpu.memory_space<vmem>> -> memref<1x8x128xf32, #tpu.memory_space<vmem>>
        %dma_wait3A_805 = tpu.memref_squeeze %dma_wait3A_804 : memref<1x8x128xf32, #tpu.memory_space<vmem>> -> memref<8x128xf32, #tpu.memory_space<vmem>>
        tpu.wait_dma2 semaphore(%arg9 : memref<!tpu.dma_semaphore, #tpu.memory_space<semaphore_mem>>) src(%dma_wait3A_805 : memref<8x128xf32, #tpu.memory_space<vmem>>) dst(%dma_wait3A_801 : memref<8x128xf32, #tpu.memory_space<hbm>>)
        %dma_wait3A_806 = arith.constant 1 : i32
        %dma_wait3A_807 = arith.constant 1 : i32
        %dma_wait3A_808 = arith.constant 8 : i32
        %dma_wait3A_809 = arith.constant 0 : i32
        %dma_wait3A_810 = tpu.memref_slice %arg7[%dma_wait3A_806, %dma_wait3A_808, %dma_wait3A_809] : memref<2x64x129xf32, #tpu.memory_space<vmem>> -> memref<1x8x128xf32, #tpu.memory_space<vmem>>
        %dma_wait3A_811 = tpu.memref_squeeze %dma_wait3A_810 : memref<1x8x128xf32, #tpu.memory_space<vmem>> -> memref<8x128xf32, #tpu.memory_space<vmem>>
        %dma_wait3A_812 = arith.constant 0 : i32
        %dma_wait3A_813 = arith.constant 0 : i32
        %dma_wait3A_814 = tpu.memref_slice %arg4[%select_n3A_784, %dma_wait3A_807, %sub3A_787, %dma_wait3A_812, %dma_wait3A_813] : memref<200x8x32x8x128xf32, #tpu.memory_space<hbm>> -> memref<1x1x1x8x128xf32, #tpu.memory_space<hbm>>
        %dma_wait3A_815 = tpu.memref_squeeze %dma_wait3A_814 : memref<1x1x1x8x128xf32, #tpu.memory_space<hbm>> -> memref<8x128xf32, #tpu.memory_space<hbm>>
        %dma_wait3A_816 = arith.constant 0 : i32
        %dma_wait3A_817 = arith.constant 0 : i32
        %dma_wait3A_818 = tpu.memref_slice %arg4[%select_n3A_784, %dma_wait3A_807, %sub3A_787, %dma_wait3A_816, %dma_wait3A_817] : memref<200x8x32x8x128xf32, #tpu.memory_space<hbm>> -> memref<1x1x1x8x128xf32, #tpu.memory_space<hbm>>
        %dma_wait3A_819 = tpu.memref_squeeze %dma_wait3A_818 : memref<1x1x1x8x128xf32, #tpu.memory_space<hbm>> -> memref<8x128xf32, #tpu.memory_space<hbm>>
        %dma_wait3A_820 = arith.constant 8 : i32
        %dma_wait3A_821 = arith.constant 0 : i32
        %dma_wait3A_822 = tpu.memref_slice %arg7[%dma_wait3A_806, %dma_wait3A_820, %dma_wait3A_821] : memref<2x64x129xf32, #tpu.memory_space<vmem>> -> memref<1x8x128xf32, #tpu.memory_space<vmem>>
        %dma_wait3A_823 = tpu.memref_squeeze %dma_wait3A_822 : memref<1x8x128xf32, #tpu.memory_space<vmem>> -> memref<8x128xf32, #tpu.memory_space<vmem>>
        tpu.wait_dma2 semaphore(%arg9 : memref<!tpu.dma_semaphore, #tpu.memory_space<semaphore_mem>>) src(%dma_wait3A_823 : memref<8x128xf32, #tpu.memory_space<vmem>>) dst(%dma_wait3A_819 : memref<8x128xf32, #tpu.memory_space<hbm>>)
        %dma_wait3A_824 = arith.constant 1 : i32
        %dma_wait3A_825 = arith.constant 2 : i32
        %dma_wait3A_826 = arith.constant 16 : i32
        %dma_wait3A_827 = arith.constant 0 : i32
        %dma_wait3A_828 = tpu.memref_slice %arg7[%dma_wait3A_824, %dma_wait3A_826, %dma_wait3A_827] : memref<2x64x129xf32, #tpu.memory_space<vmem>> -> memref<1x8x128xf32, #tpu.memory_space<vmem>>
        %dma_wait3A_829 = tpu.memref_squeeze %dma_wait3A_828 : memref<1x8x128xf32, #tpu.memory_space<vmem>> -> memref<8x128xf32, #tpu.memory_space<vmem>>
        %dma_wait3A_830 = arith.constant 0 : i32
        %dma_wait3A_831 = arith.constant 0 : i32
        %dma_wait3A_832 = tpu.memref_slice %arg4[%select_n3A_784, %dma_wait3A_825, %sub3A_787, %dma_wait3A_830, %dma_wait3A_831] : memref<200x8x32x8x128xf32, #tpu.memory_space<hbm>> -> memref<1x1x1x8x128xf32, #tpu.memory_space<hbm>>
        %dma_wait3A_833 = tpu.memref_squeeze %dma_wait3A_832 : memref<1x1x1x8x128xf32, #tpu.memory_space<hbm>> -> memref<8x128xf32, #tpu.memory_space<hbm>>
        %dma_wait3A_834 = arith.constant 0 : i32
        %dma_wait3A_835 = arith.constant 0 : i32
        %dma_wait3A_836 = tpu.memref_slice %arg4[%select_n3A_784, %dma_wait3A_825, %sub3A_787, %dma_wait3A_834, %dma_wait3A_835] : memref<200x8x32x8x128xf32, #tpu.memory_space<hbm>> -> memref<1x1x1x8x128xf32, #tpu.memory_space<hbm>>
        %dma_wait3A_837 = tpu.memref_squeeze %dma_wait3A_836 : memref<1x1x1x8x128xf32, #tpu.memory_space<hbm>> -> memref<8x128xf32, #tpu.memory_space<hbm>>
        %dma_wait3A_838 = arith.constant 16 : i32
        %dma_wait3A_839 = arith.constant 0 : i32
        %dma_wait3A_840 = tpu.memref_slice %arg7[%dma_wait3A_824, %dma_wait3A_838, %dma_wait3A_839] : memref<2x64x129xf32, #tpu.memory_space<vmem>> -> memref<1x8x128xf32, #tpu.memory_space<vmem>>
        %dma_wait3A_841 = tpu.memref_squeeze %dma_wait3A_840 : memref<1x8x128xf32, #tpu.memory_space<vmem>> -> memref<8x128xf32, #tpu.memory_space<vmem>>
        tpu.wait_dma2 semaphore(%arg9 : memref<!tpu.dma_semaphore, #tpu.memory_space<semaphore_mem>>) src(%dma_wait3A_841 : memref<8x128xf32, #tpu.memory_space<vmem>>) dst(%dma_wait3A_837 : memref<8x128xf32, #tpu.memory_space<hbm>>)
        %dma_wait3A_842 = arith.constant 1 : i32
        %dma_wait3A_843 = arith.constant 3 : i32
        %dma_wait3A_844 = arith.constant 24 : i32
        %dma_wait3A_845 = arith.constant 0 : i32
        %dma_wait3A_846 = tpu.memref_slice %arg7[%dma_wait3A_842, %dma_wait3A_844, %dma_wait3A_845] : memref<2x64x129xf32, #tpu.memory_space<vmem>> -> memref<1x8x128xf32, #tpu.memory_space<vmem>>
        %dma_wait3A_847 = tpu.memref_squeeze %dma_wait3A_846 : memref<1x8x128xf32, #tpu.memory_space<vmem>> -> memref<8x128xf32, #tpu.memory_space<vmem>>
        %dma_wait3A_848 = arith.constant 0 : i32
        %dma_wait3A_849 = arith.constant 0 : i32
        %dma_wait3A_850 = tpu.memref_slice %arg4[%select_n3A_784, %dma_wait3A_843, %sub3A_787, %dma_wait3A_848, %dma_wait3A_849] : memref<200x8x32x8x128xf32, #tpu.memory_space<hbm>> -> memref<1x1x1x8x128xf32, #tpu.memory_space<hbm>>
        %dma_wait3A_851 = tpu.memref_squeeze %dma_wait3A_850 : memref<1x1x1x8x128xf32, #tpu.memory_space<hbm>> -> memref<8x128xf32, #tpu.memory_space<hbm>>
        %dma_wait3A_852 = arith.constant 0 : i32
        %dma_wait3A_853 = arith.constant 0 : i32
        %dma_wait3A_854 = tpu.memref_slice %arg4[%select_n3A_784, %dma_wait3A_843, %sub3A_787, %dma_wait3A_852, %dma_wait3A_853] : memref<200x8x32x8x128xf32, #tpu.memory_space<hbm>> -> memref<1x1x1x8x128xf32, #tpu.memory_space<hbm>>
        %dma_wait3A_855 = tpu.memref_squeeze %dma_wait3A_854 : memref<1x1x1x8x128xf32, #tpu.memory_space<hbm>> -> memref<8x128xf32, #tpu.memory_space<hbm>>
        %dma_wait3A_856 = arith.constant 24 : i32
        %dma_wait3A_857 = arith.constant 0 : i32
        %dma_wait3A_858 = tpu.memref_slice %arg7[%dma_wait3A_842, %dma_wait3A_856, %dma_wait3A_857] : memref<2x64x129xf32, #tpu.memory_space<vmem>> -> memref<1x8x128xf32, #tpu.memory_space<vmem>>
        %dma_wait3A_859 = tpu.memref_squeeze %dma_wait3A_858 : memref<1x8x128xf32, #tpu.memory_space<vmem>> -> memref<8x128xf32, #tpu.memory_space<vmem>>
        tpu.wait_dma2 semaphore(%arg9 : memref<!tpu.dma_semaphore, #tpu.memory_space<semaphore_mem>>) src(%dma_wait3A_859 : memref<8x128xf32, #tpu.memory_space<vmem>>) dst(%dma_wait3A_855 : memref<8x128xf32, #tpu.memory_space<hbm>>)
        %dma_wait3A_860 = arith.constant 1 : i32
        %dma_wait3A_861 = arith.constant 4 : i32
        %dma_wait3A_862 = arith.constant 32 : i32
        %dma_wait3A_863 = arith.constant 0 : i32
        %dma_wait3A_864 = tpu.memref_slice %arg7[%dma_wait3A_860, %dma_wait3A_862, %dma_wait3A_863] : memref<2x64x129xf32, #tpu.memory_space<vmem>> -> memref<1x8x128xf32, #tpu.memory_space<vmem>>
        %dma_wait3A_865 = tpu.memref_squeeze %dma_wait3A_864 : memref<1x8x128xf32, #tpu.memory_space<vmem>> -> memref<8x128xf32, #tpu.memory_space<vmem>>
        %dma_wait3A_866 = arith.constant 0 : i32
        %dma_wait3A_867 = arith.constant 0 : i32
        %dma_wait3A_868 = tpu.memref_slice %arg4[%select_n3A_784, %dma_wait3A_861, %sub3A_787, %dma_wait3A_866, %dma_wait3A_867] : memref<200x8x32x8x128xf32, #tpu.memory_space<hbm>> -> memref<1x1x1x8x128xf32, #tpu.memory_space<hbm>>
        %dma_wait3A_869 = tpu.memref_squeeze %dma_wait3A_868 : memref<1x1x1x8x128xf32, #tpu.memory_space<hbm>> -> memref<8x128xf32, #tpu.memory_space<hbm>>
        %dma_wait3A_870 = arith.constant 0 : i32
        %dma_wait3A_871 = arith.constant 0 : i32
        %dma_wait3A_872 = tpu.memref_slice %arg4[%select_n3A_784, %dma_wait3A_861, %sub3A_787, %dma_wait3A_870, %dma_wait3A_871] : memref<200x8x32x8x128xf32, #tpu.memory_space<hbm>> -> memref<1x1x1x8x128xf32, #tpu.memory_space<hbm>>
        %dma_wait3A_873 = tpu.memref_squeeze %dma_wait3A_872 : memref<1x1x1x8x128xf32, #tpu.memory_space<hbm>> -> memref<8x128xf32, #tpu.memory_space<hbm>>
        %dma_wait3A_874 = arith.constant 32 : i32
        %dma_wait3A_875 = arith.constant 0 : i32
        %dma_wait3A_876 = tpu.memref_slice %arg7[%dma_wait3A_860, %dma_wait3A_874, %dma_wait3A_875] : memref<2x64x129xf32, #tpu.memory_space<vmem>> -> memref<1x8x128xf32, #tpu.memory_space<vmem>>
        %dma_wait3A_877 = tpu.memref_squeeze %dma_wait3A_876 : memref<1x8x128xf32, #tpu.memory_space<vmem>> -> memref<8x128xf32, #tpu.memory_space<vmem>>
        tpu.wait_dma2 semaphore(%arg9 : memref<!tpu.dma_semaphore, #tpu.memory_space<semaphore_mem>>) src(%dma_wait3A_877 : memref<8x128xf32, #tpu.memory_space<vmem>>) dst(%dma_wait3A_873 : memref<8x128xf32, #tpu.memory_space<hbm>>)
        %dma_wait3A_878 = arith.constant 1 : i32
        %dma_wait3A_879 = arith.constant 5 : i32
        %dma_wait3A_880 = arith.constant 40 : i32
        %dma_wait3A_881 = arith.constant 0 : i32
        %dma_wait3A_882 = tpu.memref_slice %arg7[%dma_wait3A_878, %dma_wait3A_880, %dma_wait3A_881] : memref<2x64x129xf32, #tpu.memory_space<vmem>> -> memref<1x8x128xf32, #tpu.memory_space<vmem>>
        %dma_wait3A_883 = tpu.memref_squeeze %dma_wait3A_882 : memref<1x8x128xf32, #tpu.memory_space<vmem>> -> memref<8x128xf32, #tpu.memory_space<vmem>>
        %dma_wait3A_884 = arith.constant 0 : i32
        %dma_wait3A_885 = arith.constant 0 : i32
        %dma_wait3A_886 = tpu.memref_slice %arg4[%select_n3A_784, %dma_wait3A_879, %sub3A_787, %dma_wait3A_884, %dma_wait3A_885] : memref<200x8x32x8x128xf32, #tpu.memory_space<hbm>> -> memref<1x1x1x8x128xf32, #tpu.memory_space<hbm>>
        %dma_wait3A_887 = tpu.memref_squeeze %dma_wait3A_886 : memref<1x1x1x8x128xf32, #tpu.memory_space<hbm>> -> memref<8x128xf32, #tpu.memory_space<hbm>>
        %dma_wait3A_888 = arith.constant 0 : i32
        %dma_wait3A_889 = arith.constant 0 : i32
        %dma_wait3A_890 = tpu.memref_slice %arg4[%select_n3A_784, %dma_wait3A_879, %sub3A_787, %dma_wait3A_888, %dma_wait3A_889] : memref<200x8x32x8x128xf32, #tpu.memory_space<hbm>> -> memref<1x1x1x8x128xf32, #tpu.memory_space<hbm>>
        %dma_wait3A_891 = tpu.memref_squeeze %dma_wait3A_890 : memref<1x1x1x8x128xf32, #tpu.memory_space<hbm>> -> memref<8x128xf32, #tpu.memory_space<hbm>>
        %dma_wait3A_892 = arith.constant 40 : i32
        %dma_wait3A_893 = arith.constant 0 : i32
        %dma_wait3A_894 = tpu.memref_slice %arg7[%dma_wait3A_878, %dma_wait3A_892, %dma_wait3A_893] : memref<2x64x129xf32, #tpu.memory_space<vmem>> -> memref<1x8x128xf32, #tpu.memory_space<vmem>>
        %dma_wait3A_895 = tpu.memref_squeeze %dma_wait3A_894 : memref<1x8x128xf32, #tpu.memory_space<vmem>> -> memref<8x128xf32, #tpu.memory_space<vmem>>
        tpu.wait_dma2 semaphore(%arg9 : memref<!tpu.dma_semaphore, #tpu.memory_space<semaphore_mem>>) src(%dma_wait3A_895 : memref<8x128xf32, #tpu.memory_space<vmem>>) dst(%dma_wait3A_891 : memref<8x128xf32, #tpu.memory_space<hbm>>)
        %dma_wait3A_896 = arith.constant 1 : i32
        %dma_wait3A_897 = arith.constant 6 : i32
        %dma_wait3A_898 = arith.constant 48 : i32
        %dma_wait3A_899 = arith.constant 0 : i32
        %dma_wait3A_900 = tpu.memref_slice %arg7[%dma_wait3A_896, %dma_wait3A_898, %dma_wait3A_899] : memref<2x64x129xf32, #tpu.memory_space<vmem>> -> memref<1x8x128xf32, #tpu.memory_space<vmem>>
        %dma_wait3A_901 = tpu.memref_squeeze %dma_wait3A_900 : memref<1x8x128xf32, #tpu.memory_space<vmem>> -> memref<8x128xf32, #tpu.memory_space<vmem>>
        %dma_wait3A_902 = arith.constant 0 : i32
        %dma_wait3A_903 = arith.constant 0 : i32
        %dma_wait3A_904 = tpu.memref_slice %arg4[%select_n3A_784, %dma_wait3A_897, %sub3A_787, %dma_wait3A_902, %dma_wait3A_903] : memref<200x8x32x8x128xf32, #tpu.memory_space<hbm>> -> memref<1x1x1x8x128xf32, #tpu.memory_space<hbm>>
        %dma_wait3A_905 = tpu.memref_squeeze %dma_wait3A_904 : memref<1x1x1x8x128xf32, #tpu.memory_space<hbm>> -> memref<8x128xf32, #tpu.memory_space<hbm>>
        %dma_wait3A_906 = arith.constant 0 : i32
        %dma_wait3A_907 = arith.constant 0 : i32
        %dma_wait3A_908 = tpu.memref_slice %arg4[%select_n3A_784, %dma_wait3A_897, %sub3A_787, %dma_wait3A_906, %dma_wait3A_907] : memref<200x8x32x8x128xf32, #tpu.memory_space<hbm>> -> memref<1x1x1x8x128xf32, #tpu.memory_space<hbm>>
        %dma_wait3A_909 = tpu.memref_squeeze %dma_wait3A_908 : memref<1x1x1x8x128xf32, #tpu.memory_space<hbm>> -> memref<8x128xf32, #tpu.memory_space<hbm>>
        %dma_wait3A_910 = arith.constant 48 : i32
        %dma_wait3A_911 = arith.constant 0 : i32
        %dma_wait3A_912 = tpu.memref_slice %arg7[%dma_wait3A_896, %dma_wait3A_910, %dma_wait3A_911] : memref<2x64x129xf32, #tpu.memory_space<vmem>> -> memref<1x8x128xf32, #tpu.memory_space<vmem>>
        %dma_wait3A_913 = tpu.memref_squeeze %dma_wait3A_912 : memref<1x8x128xf32, #tpu.memory_space<vmem>> -> memref<8x128xf32, #tpu.memory_space<vmem>>
        tpu.wait_dma2 semaphore(%arg9 : memref<!tpu.dma_semaphore, #tpu.memory_space<semaphore_mem>>) src(%dma_wait3A_913 : memref<8x128xf32, #tpu.memory_space<vmem>>) dst(%dma_wait3A_909 : memref<8x128xf32, #tpu.memory_space<hbm>>)
        %dma_wait3A_914 = arith.constant 1 : i32
        %dma_wait3A_915 = arith.constant 7 : i32
        %dma_wait3A_916 = arith.constant 56 : i32
        %dma_wait3A_917 = arith.constant 0 : i32
        %dma_wait3A_918 = tpu.memref_slice %arg7[%dma_wait3A_914, %dma_wait3A_916, %dma_wait3A_917] : memref<2x64x129xf32, #tpu.memory_space<vmem>> -> memref<1x8x128xf32, #tpu.memory_space<vmem>>
        %dma_wait3A_919 = tpu.memref_squeeze %dma_wait3A_918 : memref<1x8x128xf32, #tpu.memory_space<vmem>> -> memref<8x128xf32, #tpu.memory_space<vmem>>
        %dma_wait3A_920 = arith.constant 0 : i32
        %dma_wait3A_921 = arith.constant 0 : i32
        %dma_wait3A_922 = tpu.memref_slice %arg4[%select_n3A_784, %dma_wait3A_915, %sub3A_787, %dma_wait3A_920, %dma_wait3A_921] : memref<200x8x32x8x128xf32, #tpu.memory_space<hbm>> -> memref<1x1x1x8x128xf32, #tpu.memory_space<hbm>>
        %dma_wait3A_923 = tpu.memref_squeeze %dma_wait3A_922 : memref<1x1x1x8x128xf32, #tpu.memory_space<hbm>> -> memref<8x128xf32, #tpu.memory_space<hbm>>
        %dma_wait3A_924 = arith.constant 0 : i32
        %dma_wait3A_925 = arith.constant 0 : i32
        %dma_wait3A_926 = tpu.memref_slice %arg4[%select_n3A_784, %dma_wait3A_915, %sub3A_787, %dma_wait3A_924, %dma_wait3A_925] : memref<200x8x32x8x128xf32, #tpu.memory_space<hbm>> -> memref<1x1x1x8x128xf32, #tpu.memory_space<hbm>>
        %dma_wait3A_927 = tpu.memref_squeeze %dma_wait3A_926 : memref<1x1x1x8x128xf32, #tpu.memory_space<hbm>> -> memref<8x128xf32, #tpu.memory_space<hbm>>
        %dma_wait3A_928 = arith.constant 56 : i32
        %dma_wait3A_929 = arith.constant 0 : i32
        %dma_wait3A_930 = tpu.memref_slice %arg7[%dma_wait3A_914, %dma_wait3A_928, %dma_wait3A_929] : memref<2x64x129xf32, #tpu.memory_space<vmem>> -> memref<1x8x128xf32, #tpu.memory_space<vmem>>
        %dma_wait3A_931 = tpu.memref_squeeze %dma_wait3A_930 : memref<1x8x128xf32, #tpu.memory_space<vmem>> -> memref<8x128xf32, #tpu.memory_space<vmem>>
        tpu.wait_dma2 semaphore(%arg9 : memref<!tpu.dma_semaphore, #tpu.memory_space<semaphore_mem>>) src(%dma_wait3A_931 : memref<8x128xf32, #tpu.memory_space<vmem>>) dst(%dma_wait3A_927 : memref<8x128xf32, #tpu.memory_space<hbm>>)
      } else {
      }
      %parallel_loop3A_581 = arith.constant 0 : i32
      %parallel_loop3A_582 = arith.constant 128 : i32
      %parallel_loop3A_583 = arith.constant 1 : i32
      %parallel_loop3A_584 = arith.constant 1 : i32
      %parallel_loop3A_585 = arith.constant 1 : i32
      scf.for %parallel_loop3A_758 = %parallel_loop3A_581 to %parallel_loop3A_582 step %parallel_loop3A_583  : i32 {
        %parallel_loop3A_759 = vector.broadcast %parallel_loop3A_758 : i32 to vector<16xi32>
        %parallel_loop3A_760 = tpu.iota {dimensions = array<i32: 0>} : vector<16xi32>
        %parallel_loop3A_761 = arith.constant 0 : i32
        %parallel_loop3A_762 = vector.broadcast %parallel_loop3A_761 : i32 to vector<16xi32>
        %parallel_loop3A_763 = arith.addi %parallel_loop3A_762, %parallel_loop3A_760 : vector<16xi32>
        %parallel_loop3A_764 = arith.constant 0 : i32
        %parallel_loop3A_765 = arith.constant 0 : i32
        %parallel_loop3A_766 = tpu.memref_slice %arg6[%parallel_loop3A_584, %parallel_loop3A_764, %parallel_loop3A_765] : memref<2x128x64xf32, #tpu.memory_space<vmem>> -> memref<1x128x64xf32, #tpu.memory_space<vmem>>
        %parallel_loop3A_767 = tpu.memref_squeeze %parallel_loop3A_766 : memref<1x128x64xf32, #tpu.memory_space<vmem>> -> memref<128x64xf32, #tpu.memory_space<vmem>>
        %parallel_loop3A_768 = arith.index_cast %parallel_loop3A_758 : i32 to index
        %parallel_loop3A_769 = arith.constant 0 : index
        %parallel_loop3A_770 = tpu.vector_load %parallel_loop3A_767[%parallel_loop3A_768, %parallel_loop3A_769] {strides = array<i32>} : memref<128x64xf32, #tpu.memory_space<vmem>>, vector<16xf32>,
        %parallel_loop3A_771 = arith.constant 8.000000e+00 : f32
        %parallel_loop3A_772 = vector.broadcast %parallel_loop3A_771 : f32 to vector<16xf32>
        %parallel_loop3A_773 = arith.mulf %parallel_loop3A_770, %parallel_loop3A_772 : vector<16xf32>
        %parallel_loop3A_774 = arith.constant 0 : i32
        %parallel_loop3A_775 = arith.constant 0 : i32
        %parallel_loop3A_776 = tpu.memref_slice %arg7[%parallel_loop3A_585, %parallel_loop3A_774, %parallel_loop3A_775] : memref<2x64x129xf32, #tpu.memory_space<vmem>> -> memref<1x64x129xf32, #tpu.memory_space<vmem>>
        %parallel_loop3A_777 = tpu.memref_squeeze %parallel_loop3A_776 : memref<1x64x129xf32, #tpu.memory_space<vmem>> -> memref<64x129xf32, #tpu.memory_space<vmem>>
        tpu.vector_store_idx %parallel_loop3A_777[%parallel_loop3A_763, %parallel_loop3A_759], %parallel_loop3A_773 : memref<64x129xf32, #tpu.memory_space<vmem>>[vector<16xi32>, vector<16xi32>], vector<16xf32>,
        %parallel_loop3A_778 = tpu.iota {dimensions = array<i32: 0>} : vector<16xi32>
        %parallel_loop3A_779 = arith.constant 16 : i32
        %parallel_loop3A_780 = vector.broadcast %parallel_loop3A_779 : i32 to vector<16xi32>
        %parallel_loop3A_781 = arith.addi %parallel_loop3A_780, %parallel_loop3A_778 : vector<16xi32>
        %parallel_loop3A_782 = arith.constant 0 : i32
        %parallel_loop3A_783 = arith.constant 0 : i32
        %parallel_loop3A_784 = tpu.memref_slice %arg6[%parallel_loop3A_584, %parallel_loop3A_782, %parallel_loop3A_783] : memref<2x128x64xf32, #tpu.memory_space<vmem>> -> memref<1x128x64xf32, #tpu.memory_space<vmem>>
        %parallel_loop3A_785 = tpu.memref_squeeze %parallel_loop3A_784 : memref<1x128x64xf32, #tpu.memory_space<vmem>> -> memref<128x64xf32, #tpu.memory_space<vmem>>
        %parallel_loop3A_786 = arith.index_cast %parallel_loop3A_758 : i32 to index
        %parallel_loop3A_787 = arith.constant 16 : index
        %parallel_loop3A_788 = tpu.vector_load %parallel_loop3A_785[%parallel_loop3A_786, %parallel_loop3A_787] {strides = array<i32>} : memref<128x64xf32, #tpu.memory_space<vmem>>, vector<16xf32>,
        %parallel_loop3A_789 = arith.constant 8.000000e+00 : f32
        %parallel_loop3A_790 = vector.broadcast %parallel_loop3A_789 : f32 to vector<16xf32>
        %parallel_loop3A_791 = arith.mulf %parallel_loop3A_788, %parallel_loop3A_790 : vector<16xf32>
        %parallel_loop3A_792 = arith.constant 0 : i32
        %parallel_loop3A_793 = arith.constant 0 : i32
        %parallel_loop3A_794 = tpu.memref_slice %arg7[%parallel_loop3A_585, %parallel_loop3A_792, %parallel_loop3A_793] : memref<2x64x129xf32, #tpu.memory_space<vmem>> -> memref<1x64x129xf32, #tpu.memory_space<vmem>>
        %parallel_loop3A_795 = tpu.memref_squeeze %parallel_loop3A_794 : memref<1x64x129xf32, #tpu.memory_space<vmem>> -> memref<64x129xf32, #tpu.memory_space<vmem>>
        tpu.vector_store_idx %parallel_loop3A_795[%parallel_loop3A_781, %parallel_loop3A_759], %parallel_loop3A_791 : memref<64x129xf32, #tpu.memory_space<vmem>>[vector<16xi32>, vector<16xi32>], vector<16xf32>,
        %parallel_loop3A_796 = tpu.iota {dimensions = array<i32: 0>} : vector<16xi32>
        %parallel_loop3A_797 = arith.constant 32 : i32
        %parallel_loop3A_798 = vector.broadcast %parallel_loop3A_797 : i32 to vector<16xi32>
        %parallel_loop3A_799 = arith.addi %parallel_loop3A_798, %parallel_loop3A_796 : vector<16xi32>
        %parallel_loop3A_800 = arith.constant 0 : i32
        %parallel_loop3A_801 = arith.constant 0 : i32
        %parallel_loop3A_802 = tpu.memref_slice %arg6[%parallel_loop3A_584, %parallel_loop3A_800, %parallel_loop3A_801] : memref<2x128x64xf32, #tpu.memory_space<vmem>> -> memref<1x128x64xf32, #tpu.memory_space<vmem>>
        %parallel_loop3A_803 = tpu.memref_squeeze %parallel_loop3A_802 : memref<1x128x64xf32, #tpu.memory_space<vmem>> -> memref<128x64xf32, #tpu.memory_space<vmem>>
        %parallel_loop3A_804 = arith.index_cast %parallel_loop3A_758 : i32 to index
        %parallel_loop3A_805 = arith.constant 32 : index
        %parallel_loop3A_806 = tpu.vector_load %parallel_loop3A_803[%parallel_loop3A_804, %parallel_loop3A_805] {strides = array<i32>} : memref<128x64xf32, #tpu.memory_space<vmem>>, vector<16xf32>,
        %parallel_loop3A_807 = arith.constant 8.000000e+00 : f32
        %parallel_loop3A_808 = vector.broadcast %parallel_loop3A_807 : f32 to vector<16xf32>
        %parallel_loop3A_809 = arith.mulf %parallel_loop3A_806, %parallel_loop3A_808 : vector<16xf32>
        %parallel_loop3A_810 = arith.constant 0 : i32
        %parallel_loop3A_811 = arith.constant 0 : i32
        %parallel_loop3A_812 = tpu.memref_slice %arg7[%parallel_loop3A_585, %parallel_loop3A_810, %parallel_loop3A_811] : memref<2x64x129xf32, #tpu.memory_space<vmem>> -> memref<1x64x129xf32, #tpu.memory_space<vmem>>
        %parallel_loop3A_813 = tpu.memref_squeeze %parallel_loop3A_812 : memref<1x64x129xf32, #tpu.memory_space<vmem>> -> memref<64x129xf32, #tpu.memory_space<vmem>>
        tpu.vector_store_idx %parallel_loop3A_813[%parallel_loop3A_799, %parallel_loop3A_759], %parallel_loop3A_809 : memref<64x129xf32, #tpu.memory_space<vmem>>[vector<16xi32>, vector<16xi32>], vector<16xf32>,
        %parallel_loop3A_814 = tpu.iota {dimensions = array<i32: 0>} : vector<16xi32>
        %parallel_loop3A_815 = arith.constant 48 : i32
        %parallel_loop3A_816 = vector.broadcast %parallel_loop3A_815 : i32 to vector<16xi32>
        %parallel_loop3A_817 = arith.addi %parallel_loop3A_816, %parallel_loop3A_814 : vector<16xi32>
        %parallel_loop3A_818 = arith.constant 0 : i32
        %parallel_loop3A_819 = arith.constant 0 : i32
        %parallel_loop3A_820 = tpu.memref_slice %arg6[%parallel_loop3A_584, %parallel_loop3A_818, %parallel_loop3A_819] : memref<2x128x64xf32, #tpu.memory_space<vmem>> -> memref<1x128x64xf32, #tpu.memory_space<vmem>>
        %parallel_loop3A_821 = tpu.memref_squeeze %parallel_loop3A_820 : memref<1x128x64xf32, #tpu.memory_space<vmem>> -> memref<128x64xf32, #tpu.memory_space<vmem>>
        %parallel_loop3A_822 = arith.index_cast %parallel_loop3A_758 : i32 to index
        %parallel_loop3A_823 = arith.constant 48 : index
        %parallel_loop3A_824 = tpu.vector_load %parallel_loop3A_821[%parallel_loop3A_822, %parallel_loop3A_823] {strides = array<i32>} : memref<128x64xf32, #tpu.memory_space<vmem>>, vector<16xf32>,
        %parallel_loop3A_825 = arith.constant 8.000000e+00 : f32
        %parallel_loop3A_826 = vector.broadcast %parallel_loop3A_825 : f32 to vector<16xf32>
        %parallel_loop3A_827 = arith.mulf %parallel_loop3A_824, %parallel_loop3A_826 : vector<16xf32>
        %parallel_loop3A_828 = arith.constant 0 : i32
        %parallel_loop3A_829 = arith.constant 0 : i32
        %parallel_loop3A_830 = tpu.memref_slice %arg7[%parallel_loop3A_585, %parallel_loop3A_828, %parallel_loop3A_829] : memref<2x64x129xf32, #tpu.memory_space<vmem>> -> memref<1x64x129xf32, #tpu.memory_space<vmem>>
        %parallel_loop3A_831 = tpu.memref_squeeze %parallel_loop3A_830 : memref<1x64x129xf32, #tpu.memory_space<vmem>> -> memref<64x129xf32, #tpu.memory_space<vmem>>
        tpu.vector_store_idx %parallel_loop3A_831[%parallel_loop3A_817, %parallel_loop3A_759], %parallel_loop3A_827 : memref<64x129xf32, #tpu.memory_space<vmem>>[vector<16xi32>, vector<16xi32>], vector<16xf32>,
      } {sc.loop_unroll_factor = 4 : i64, sc.parallel_access}
      %add3A_586 = arith.addi %mul3A_2, %add3A_557 : i32
      %jit3A_587 = arith.constant 32 : i32
      %div3A_588 = arith.divsi %add3A_586, %jit3A_587 : i32
      %sign3A_589 = arith.constant 0 : i32
      %sign3A_590 = arith.cmpi sgt, %add3A_586, %sign3A_589 : i32
      %sign3A_591 = arith.extui %sign3A_590 : i1 to i32
      %sign3A_592 = arith.constant 0 : i32
      %sign3A_593 = arith.cmpi slt, %add3A_586, %sign3A_592 : i32
      %sign3A_594 = arith.extui %sign3A_593 : i1 to i32
      %sign3A_595 = arith.subi %sign3A_591, %sign3A_594 : i32
      %sign3A_596 = arith.constant 0 : i32
      %sign3A_597 = arith.cmpi sgt, %jit3A_587, %sign3A_596 : i32
      %sign3A_598 = arith.extui %sign3A_597 : i1 to i32
      %sign3A_599 = arith.constant 0 : i32
      %sign3A_600 = arith.cmpi slt, %jit3A_587, %sign3A_599 : i32
      %sign3A_601 = arith.extui %sign3A_600 : i1 to i32
      %sign3A_602 = arith.subi %sign3A_598, %sign3A_601 : i32
      %ne3A_603 = arith.cmpi ne, %sign3A_595, %sign3A_602 : i32
      %rem3A_604 = arith.remsi %add3A_586, %jit3A_587 : i32
      %ne3A_605 = arith.constant 0 : i32
      %ne3A_606 = arith.cmpi ne, %rem3A_604, %ne3A_605 : i32
      %and3A_607 = arith.andi %ne3A_603, %ne3A_606 : i1
      %sub3A_608 = arith.constant 1 : i32
      %sub3A_609 = arith.subi %div3A_588, %sub3A_608 : i32
      %select_n3A_610 = arith.select %and3A_607, %sub3A_609, %div3A_588 : i32
      %mul3A_611 = arith.constant 32 : i32
      %mul3A_612 = arith.muli %select_n3A_610, %mul3A_611 : i32
      %sub3A_613 = arith.subi %add3A_586, %mul3A_612 : i32
      %dma_start3A_614 = arith.constant 1 : i32
      %dma_start3A_615 = arith.constant 0 : i32
      %dma_start3A_616 = arith.constant 0 : i32
      %dma_start3A_617 = arith.constant 0 : i32
      %dma_start3A_618 = tpu.memref_slice %arg7[%dma_start3A_614, %dma_start3A_616, %dma_start3A_617] : memref<2x64x129xf32, #tpu.memory_space<vmem>> -> memref<1x8x128xf32, #tpu.memory_space<vmem>>
      %dma_start3A_619 = tpu.memref_squeeze %dma_start3A_618 : memref<1x8x128xf32, #tpu.memory_space<vmem>> -> memref<8x128xf32, #tpu.memory_space<vmem>>
      %dma_start3A_620 = arith.constant 0 : i32
      %dma_start3A_621 = arith.constant 0 : i32
      %dma_start3A_622 = tpu.memref_slice %arg4[%select_n3A_610, %dma_start3A_615, %sub3A_613, %dma_start3A_620, %dma_start3A_621] : memref<200x8x32x8x128xf32, #tpu.memory_space<hbm>> -> memref<1x1x1x8x128xf32, #tpu.memory_space<hbm>>
      %dma_start3A_623 = tpu.memref_squeeze %dma_start3A_622 : memref<1x1x1x8x128xf32, #tpu.memory_space<hbm>> -> memref<8x128xf32, #tpu.memory_space<hbm>>
      %dma_start3A_624 = arith.constant 0 : i32
      %dma_start3A_625 = arith.constant 0 : i32
      %dma_start3A_626 = tpu.memref_slice %arg4[%select_n3A_610, %dma_start3A_615, %sub3A_613, %dma_start3A_624, %dma_start3A_625] : memref<200x8x32x8x128xf32, #tpu.memory_space<hbm>> -> memref<1x1x1x8x128xf32, #tpu.memory_space<hbm>>
      %dma_start3A_627 = tpu.memref_squeeze %dma_start3A_626 : memref<1x1x1x8x128xf32, #tpu.memory_space<hbm>> -> memref<8x128xf32, #tpu.memory_space<hbm>>
      %dma_start3A_628 = arith.constant 0 : i32
      %dma_start3A_629 = arith.constant 0 : i32
      %dma_start3A_630 = tpu.memref_slice %arg7[%dma_start3A_614, %dma_start3A_628, %dma_start3A_629] : memref<2x64x129xf32, #tpu.memory_space<vmem>> -> memref<1x8x128xf32, #tpu.memory_space<vmem>>
      %dma_start3A_631 = tpu.memref_squeeze %dma_start3A_630 : memref<1x8x128xf32, #tpu.memory_space<vmem>> -> memref<8x128xf32, #tpu.memory_space<vmem>>
      tpu.enqueue_dma source(%dma_start3A_631 : memref<8x128xf32, #tpu.memory_space<vmem>>) target(%dma_start3A_627 : memref<8x128xf32, #tpu.memory_space<hbm>>) target_semaphore(%arg9 : memref<!tpu.dma_semaphore, #tpu.memory_space<semaphore_mem>>)
      %dma_start3A_632 = arith.constant 1 : i32
      %dma_start3A_633 = arith.constant 1 : i32
      %dma_start3A_634 = arith.constant 8 : i32
      %dma_start3A_635 = arith.constant 0 : i32
      %dma_start3A_636 = tpu.memref_slice %arg7[%dma_start3A_632, %dma_start3A_634, %dma_start3A_635] : memref<2x64x129xf32, #tpu.memory_space<vmem>> -> memref<1x8x128xf32, #tpu.memory_space<vmem>>
      %dma_start3A_637 = tpu.memref_squeeze %dma_start3A_636 : memref<1x8x128xf32, #tpu.memory_space<vmem>> -> memref<8x128xf32, #tpu.memory_space<vmem>>
      %dma_start3A_638 = arith.constant 0 : i32
      %dma_start3A_639 = arith.constant 0 : i32
      %dma_start3A_640 = tpu.memref_slice %arg4[%select_n3A_610, %dma_start3A_633, %sub3A_613, %dma_start3A_638, %dma_start3A_639] : memref<200x8x32x8x128xf32, #tpu.memory_space<hbm>> -> memref<1x1x1x8x128xf32, #tpu.memory_space<hbm>>
      %dma_start3A_641 = tpu.memref_squeeze %dma_start3A_640 : memref<1x1x1x8x128xf32, #tpu.memory_space<hbm>> -> memref<8x128xf32, #tpu.memory_space<hbm>>
      %dma_start3A_642 = arith.constant 0 : i32
      %dma_start3A_643 = arith.constant 0 : i32
      %dma_start3A_644 = tpu.memref_slice %arg4[%select_n3A_610, %dma_start3A_633, %sub3A_613, %dma_start3A_642, %dma_start3A_643] : memref<200x8x32x8x128xf32, #tpu.memory_space<hbm>> -> memref<1x1x1x8x128xf32, #tpu.memory_space<hbm>>
      %dma_start3A_645 = tpu.memref_squeeze %dma_start3A_644 : memref<1x1x1x8x128xf32, #tpu.memory_space<hbm>> -> memref<8x128xf32, #tpu.memory_space<hbm>>
      %dma_start3A_646 = arith.constant 8 : i32
      %dma_start3A_647 = arith.constant 0 : i32
      %dma_start3A_648 = tpu.memref_slice %arg7[%dma_start3A_632, %dma_start3A_646, %dma_start3A_647] : memref<2x64x129xf32, #tpu.memory_space<vmem>> -> memref<1x8x128xf32, #tpu.memory_space<vmem>>
      %dma_start3A_649 = tpu.memref_squeeze %dma_start3A_648 : memref<1x8x128xf32, #tpu.memory_space<vmem>> -> memref<8x128xf32, #tpu.memory_space<vmem>>
      tpu.enqueue_dma source(%dma_start3A_649 : memref<8x128xf32, #tpu.memory_space<vmem>>) target(%dma_start3A_645 : memref<8x128xf32, #tpu.memory_space<hbm>>) target_semaphore(%arg9 : memref<!tpu.dma_semaphore, #tpu.memory_space<semaphore_mem>>)
      %dma_start3A_650 = arith.constant 1 : i32
      %dma_start3A_651 = arith.constant 2 : i32
      %dma_start3A_652 = arith.constant 16 : i32
      %dma_start3A_653 = arith.constant 0 : i32
      %dma_start3A_654 = tpu.memref_slice %arg7[%dma_start3A_650, %dma_start3A_652, %dma_start3A_653] : memref<2x64x129xf32, #tpu.memory_space<vmem>> -> memref<1x8x128xf32, #tpu.memory_space<vmem>>
      %dma_start3A_655 = tpu.memref_squeeze %dma_start3A_654 : memref<1x8x128xf32, #tpu.memory_space<vmem>> -> memref<8x128xf32, #tpu.memory_space<vmem>>
      %dma_start3A_656 = arith.constant 0 : i32
      %dma_start3A_657 = arith.constant 0 : i32
      %dma_start3A_658 = tpu.memref_slice %arg4[%select_n3A_610, %dma_start3A_651, %sub3A_613, %dma_start3A_656, %dma_start3A_657] : memref<200x8x32x8x128xf32, #tpu.memory_space<hbm>> -> memref<1x1x1x8x128xf32, #tpu.memory_space<hbm>>
      %dma_start3A_659 = tpu.memref_squeeze %dma_start3A_658 : memref<1x1x1x8x128xf32, #tpu.memory_space<hbm>> -> memref<8x128xf32, #tpu.memory_space<hbm>>
      %dma_start3A_660 = arith.constant 0 : i32
      %dma_start3A_661 = arith.constant 0 : i32
      %dma_start3A_662 = tpu.memref_slice %arg4[%select_n3A_610, %dma_start3A_651, %sub3A_613, %dma_start3A_660, %dma_start3A_661] : memref<200x8x32x8x128xf32, #tpu.memory_space<hbm>> -> memref<1x1x1x8x128xf32, #tpu.memory_space<hbm>>
      %dma_start3A_663 = tpu.memref_squeeze %dma_start3A_662 : memref<1x1x1x8x128xf32, #tpu.memory_space<hbm>> -> memref<8x128xf32, #tpu.memory_space<hbm>>
      %dma_start3A_664 = arith.constant 16 : i32
      %dma_start3A_665 = arith.constant 0 : i32
      %dma_start3A_666 = tpu.memref_slice %arg7[%dma_start3A_650, %dma_start3A_664, %dma_start3A_665] : memref<2x64x129xf32, #tpu.memory_space<vmem>> -> memref<1x8x128xf32, #tpu.memory_space<vmem>>
      %dma_start3A_667 = tpu.memref_squeeze %dma_start3A_666 : memref<1x8x128xf32, #tpu.memory_space<vmem>> -> memref<8x128xf32, #tpu.memory_space<vmem>>
      tpu.enqueue_dma source(%dma_start3A_667 : memref<8x128xf32, #tpu.memory_space<vmem>>) target(%dma_start3A_663 : memref<8x128xf32, #tpu.memory_space<hbm>>) target_semaphore(%arg9 : memref<!tpu.dma_semaphore, #tpu.memory_space<semaphore_mem>>)
      %dma_start3A_668 = arith.constant 1 : i32
      %dma_start3A_669 = arith.constant 3 : i32
      %dma_start3A_670 = arith.constant 24 : i32
      %dma_start3A_671 = arith.constant 0 : i32
      %dma_start3A_672 = tpu.memref_slice %arg7[%dma_start3A_668, %dma_start3A_670, %dma_start3A_671] : memref<2x64x129xf32, #tpu.memory_space<vmem>> -> memref<1x8x128xf32, #tpu.memory_space<vmem>>
      %dma_start3A_673 = tpu.memref_squeeze %dma_start3A_672 : memref<1x8x128xf32, #tpu.memory_space<vmem>> -> memref<8x128xf32, #tpu.memory_space<vmem>>
      %dma_start3A_674 = arith.constant 0 : i32
      %dma_start3A_675 = arith.constant 0 : i32
      %dma_start3A_676 = tpu.memref_slice %arg4[%select_n3A_610, %dma_start3A_669, %sub3A_613, %dma_start3A_674, %dma_start3A_675] : memref<200x8x32x8x128xf32, #tpu.memory_space<hbm>> -> memref<1x1x1x8x128xf32, #tpu.memory_space<hbm>>
      %dma_start3A_677 = tpu.memref_squeeze %dma_start3A_676 : memref<1x1x1x8x128xf32, #tpu.memory_space<hbm>> -> memref<8x128xf32, #tpu.memory_space<hbm>>
      %dma_start3A_678 = arith.constant 0 : i32
      %dma_start3A_679 = arith.constant 0 : i32
      %dma_start3A_680 = tpu.memref_slice %arg4[%select_n3A_610, %dma_start3A_669, %sub3A_613, %dma_start3A_678, %dma_start3A_679] : memref<200x8x32x8x128xf32, #tpu.memory_space<hbm>> -> memref<1x1x1x8x128xf32, #tpu.memory_space<hbm>>
      %dma_start3A_681 = tpu.memref_squeeze %dma_start3A_680 : memref<1x1x1x8x128xf32, #tpu.memory_space<hbm>> -> memref<8x128xf32, #tpu.memory_space<hbm>>
      %dma_start3A_682 = arith.constant 24 : i32
      %dma_start3A_683 = arith.constant 0 : i32
      %dma_start3A_684 = tpu.memref_slice %arg7[%dma_start3A_668, %dma_start3A_682, %dma_start3A_683] : memref<2x64x129xf32, #tpu.memory_space<vmem>> -> memref<1x8x128xf32, #tpu.memory_space<vmem>>
      %dma_start3A_685 = tpu.memref_squeeze %dma_start3A_684 : memref<1x8x128xf32, #tpu.memory_space<vmem>> -> memref<8x128xf32, #tpu.memory_space<vmem>>
      tpu.enqueue_dma source(%dma_start3A_685 : memref<8x128xf32, #tpu.memory_space<vmem>>) target(%dma_start3A_681 : memref<8x128xf32, #tpu.memory_space<hbm>>) target_semaphore(%arg9 : memref<!tpu.dma_semaphore, #tpu.memory_space<semaphore_mem>>)
      %dma_start3A_686 = arith.constant 1 : i32
      %dma_start3A_687 = arith.constant 4 : i32
      %dma_start3A_688 = arith.constant 32 : i32
      %dma_start3A_689 = arith.constant 0 : i32
      %dma_start3A_690 = tpu.memref_slice %arg7[%dma_start3A_686, %dma_start3A_688, %dma_start3A_689] : memref<2x64x129xf32, #tpu.memory_space<vmem>> -> memref<1x8x128xf32, #tpu.memory_space<vmem>>
      %dma_start3A_691 = tpu.memref_squeeze %dma_start3A_690 : memref<1x8x128xf32, #tpu.memory_space<vmem>> -> memref<8x128xf32, #tpu.memory_space<vmem>>
      %dma_start3A_692 = arith.constant 0 : i32
      %dma_start3A_693 = arith.constant 0 : i32
      %dma_start3A_694 = tpu.memref_slice %arg4[%select_n3A_610, %dma_start3A_687, %sub3A_613, %dma_start3A_692, %dma_start3A_693] : memref<200x8x32x8x128xf32, #tpu.memory_space<hbm>> -> memref<1x1x1x8x128xf32, #tpu.memory_space<hbm>>
      %dma_start3A_695 = tpu.memref_squeeze %dma_start3A_694 : memref<1x1x1x8x128xf32, #tpu.memory_space<hbm>> -> memref<8x128xf32, #tpu.memory_space<hbm>>
      %dma_start3A_696 = arith.constant 0 : i32
      %dma_start3A_697 = arith.constant 0 : i32
      %dma_start3A_698 = tpu.memref_slice %arg4[%select_n3A_610, %dma_start3A_687, %sub3A_613, %dma_start3A_696, %dma_start3A_697] : memref<200x8x32x8x128xf32, #tpu.memory_space<hbm>> -> memref<1x1x1x8x128xf32, #tpu.memory_space<hbm>>
      %dma_start3A_699 = tpu.memref_squeeze %dma_start3A_698 : memref<1x1x1x8x128xf32, #tpu.memory_space<hbm>> -> memref<8x128xf32, #tpu.memory_space<hbm>>
      %dma_start3A_700 = arith.constant 32 : i32
      %dma_start3A_701 = arith.constant 0 : i32
      %dma_start3A_702 = tpu.memref_slice %arg7[%dma_start3A_686, %dma_start3A_700, %dma_start3A_701] : memref<2x64x129xf32, #tpu.memory_space<vmem>> -> memref<1x8x128xf32, #tpu.memory_space<vmem>>
      %dma_start3A_703 = tpu.memref_squeeze %dma_start3A_702 : memref<1x8x128xf32, #tpu.memory_space<vmem>> -> memref<8x128xf32, #tpu.memory_space<vmem>>
      tpu.enqueue_dma source(%dma_start3A_703 : memref<8x128xf32, #tpu.memory_space<vmem>>) target(%dma_start3A_699 : memref<8x128xf32, #tpu.memory_space<hbm>>) target_semaphore(%arg9 : memref<!tpu.dma_semaphore, #tpu.memory_space<semaphore_mem>>)
      %dma_start3A_704 = arith.constant 1 : i32
      %dma_start3A_705 = arith.constant 5 : i32
      %dma_start3A_706 = arith.constant 40 : i32
      %dma_start3A_707 = arith.constant 0 : i32
      %dma_start3A_708 = tpu.memref_slice %arg7[%dma_start3A_704, %dma_start3A_706, %dma_start3A_707] : memref<2x64x129xf32, #tpu.memory_space<vmem>> -> memref<1x8x128xf32, #tpu.memory_space<vmem>>
      %dma_start3A_709 = tpu.memref_squeeze %dma_start3A_708 : memref<1x8x128xf32, #tpu.memory_space<vmem>> -> memref<8x128xf32, #tpu.memory_space<vmem>>
      %dma_start3A_710 = arith.constant 0 : i32
      %dma_start3A_711 = arith.constant 0 : i32
      %dma_start3A_712 = tpu.memref_slice %arg4[%select_n3A_610, %dma_start3A_705, %sub3A_613, %dma_start3A_710, %dma_start3A_711] : memref<200x8x32x8x128xf32, #tpu.memory_space<hbm>> -> memref<1x1x1x8x128xf32, #tpu.memory_space<hbm>>
      %dma_start3A_713 = tpu.memref_squeeze %dma_start3A_712 : memref<1x1x1x8x128xf32, #tpu.memory_space<hbm>> -> memref<8x128xf32, #tpu.memory_space<hbm>>
      %dma_start3A_714 = arith.constant 0 : i32
      %dma_start3A_715 = arith.constant 0 : i32
      %dma_start3A_716 = tpu.memref_slice %arg4[%select_n3A_610, %dma_start3A_705, %sub3A_613, %dma_start3A_714, %dma_start3A_715] : memref<200x8x32x8x128xf32, #tpu.memory_space<hbm>> -> memref<1x1x1x8x128xf32, #tpu.memory_space<hbm>>
      %dma_start3A_717 = tpu.memref_squeeze %dma_start3A_716 : memref<1x1x1x8x128xf32, #tpu.memory_space<hbm>> -> memref<8x128xf32, #tpu.memory_space<hbm>>
      %dma_start3A_718 = arith.constant 40 : i32
      %dma_start3A_719 = arith.constant 0 : i32
      %dma_start3A_720 = tpu.memref_slice %arg7[%dma_start3A_704, %dma_start3A_718, %dma_start3A_719] : memref<2x64x129xf32, #tpu.memory_space<vmem>> -> memref<1x8x128xf32, #tpu.memory_space<vmem>>
      %dma_start3A_721 = tpu.memref_squeeze %dma_start3A_720 : memref<1x8x128xf32, #tpu.memory_space<vmem>> -> memref<8x128xf32, #tpu.memory_space<vmem>>
      tpu.enqueue_dma source(%dma_start3A_721 : memref<8x128xf32, #tpu.memory_space<vmem>>) target(%dma_start3A_717 : memref<8x128xf32, #tpu.memory_space<hbm>>) target_semaphore(%arg9 : memref<!tpu.dma_semaphore, #tpu.memory_space<semaphore_mem>>)
      %dma_start3A_722 = arith.constant 1 : i32
      %dma_start3A_723 = arith.constant 6 : i32
      %dma_start3A_724 = arith.constant 48 : i32
      %dma_start3A_725 = arith.constant 0 : i32
      %dma_start3A_726 = tpu.memref_slice %arg7[%dma_start3A_722, %dma_start3A_724, %dma_start3A_725] : memref<2x64x129xf32, #tpu.memory_space<vmem>> -> memref<1x8x128xf32, #tpu.memory_space<vmem>>
      %dma_start3A_727 = tpu.memref_squeeze %dma_start3A_726 : memref<1x8x128xf32, #tpu.memory_space<vmem>> -> memref<8x128xf32, #tpu.memory_space<vmem>>
      %dma_start3A_728 = arith.constant 0 : i32
      %dma_start3A_729 = arith.constant 0 : i32
      %dma_start3A_730 = tpu.memref_slice %arg4[%select_n3A_610, %dma_start3A_723, %sub3A_613, %dma_start3A_728, %dma_start3A_729] : memref<200x8x32x8x128xf32, #tpu.memory_space<hbm>> -> memref<1x1x1x8x128xf32, #tpu.memory_space<hbm>>
      %dma_start3A_731 = tpu.memref_squeeze %dma_start3A_730 : memref<1x1x1x8x128xf32, #tpu.memory_space<hbm>> -> memref<8x128xf32, #tpu.memory_space<hbm>>
      %dma_start3A_732 = arith.constant 0 : i32
      %dma_start3A_733 = arith.constant 0 : i32
      %dma_start3A_734 = tpu.memref_slice %arg4[%select_n3A_610, %dma_start3A_723, %sub3A_613, %dma_start3A_732, %dma_start3A_733] : memref<200x8x32x8x128xf32, #tpu.memory_space<hbm>> -> memref<1x1x1x8x128xf32, #tpu.memory_space<hbm>>
      %dma_start3A_735 = tpu.memref_squeeze %dma_start3A_734 : memref<1x1x1x8x128xf32, #tpu.memory_space<hbm>> -> memref<8x128xf32, #tpu.memory_space<hbm>>
      %dma_start3A_736 = arith.constant 48 : i32
      %dma_start3A_737 = arith.constant 0 : i32
      %dma_start3A_738 = tpu.memref_slice %arg7[%dma_start3A_722, %dma_start3A_736, %dma_start3A_737] : memref<2x64x129xf32, #tpu.memory_space<vmem>> -> memref<1x8x128xf32, #tpu.memory_space<vmem>>
      %dma_start3A_739 = tpu.memref_squeeze %dma_start3A_738 : memref<1x8x128xf32, #tpu.memory_space<vmem>> -> memref<8x128xf32, #tpu.memory_space<vmem>>
      tpu.enqueue_dma source(%dma_start3A_739 : memref<8x128xf32, #tpu.memory_space<vmem>>) target(%dma_start3A_735 : memref<8x128xf32, #tpu.memory_space<hbm>>) target_semaphore(%arg9 : memref<!tpu.dma_semaphore, #tpu.memory_space<semaphore_mem>>)
      %dma_start3A_740 = arith.constant 1 : i32
      %dma_start3A_741 = arith.constant 7 : i32
      %dma_start3A_742 = arith.constant 56 : i32
      %dma_start3A_743 = arith.constant 0 : i32
      %dma_start3A_744 = tpu.memref_slice %arg7[%dma_start3A_740, %dma_start3A_742, %dma_start3A_743] : memref<2x64x129xf32, #tpu.memory_space<vmem>> -> memref<1x8x128xf32, #tpu.memory_space<vmem>>
      %dma_start3A_745 = tpu.memref_squeeze %dma_start3A_744 : memref<1x8x128xf32, #tpu.memory_space<vmem>> -> memref<8x128xf32, #tpu.memory_space<vmem>>
      %dma_start3A_746 = arith.constant 0 : i32
      %dma_start3A_747 = arith.constant 0 : i32
      %dma_start3A_748 = tpu.memref_slice %arg4[%select_n3A_610, %dma_start3A_741, %sub3A_613, %dma_start3A_746, %dma_start3A_747] : memref<200x8x32x8x128xf32, #tpu.memory_space<hbm>> -> memref<1x1x1x8x128xf32, #tpu.memory_space<hbm>>
      %dma_start3A_749 = tpu.memref_squeeze %dma_start3A_748 : memref<1x1x1x8x128xf32, #tpu.memory_space<hbm>> -> memref<8x128xf32, #tpu.memory_space<hbm>>
      %dma_start3A_750 = arith.constant 0 : i32
      %dma_start3A_751 = arith.constant 0 : i32
      %dma_start3A_752 = tpu.memref_slice %arg4[%select_n3A_610, %dma_start3A_741, %sub3A_613, %dma_start3A_750, %dma_start3A_751] : memref<200x8x32x8x128xf32, #tpu.memory_space<hbm>> -> memref<1x1x1x8x128xf32, #tpu.memory_space<hbm>>
      %dma_start3A_753 = tpu.memref_squeeze %dma_start3A_752 : memref<1x1x1x8x128xf32, #tpu.memory_space<hbm>> -> memref<8x128xf32, #tpu.memory_space<hbm>>
      %dma_start3A_754 = arith.constant 56 : i32
      %dma_start3A_755 = arith.constant 0 : i32
      %dma_start3A_756 = tpu.memref_slice %arg7[%dma_start3A_740, %dma_start3A_754, %dma_start3A_755] : memref<2x64x129xf32, #tpu.memory_space<vmem>> -> memref<1x8x128xf32, #tpu.memory_space<vmem>>
      %dma_start3A_757 = tpu.memref_squeeze %dma_start3A_756 : memref<1x8x128xf32, #tpu.memory_space<vmem>> -> memref<8x128xf32, #tpu.memory_space<vmem>>
      tpu.enqueue_dma source(%dma_start3A_757 : memref<8x128xf32, #tpu.memory_space<vmem>>) target(%dma_start3A_753 : memref<8x128xf32, #tpu.memory_space<hbm>>) target_semaphore(%arg9 : memref<!tpu.dma_semaphore, #tpu.memory_space<semaphore_mem>>)
    }
    %scan3A_18 = arith.constant 100 : i32
    %add3A_19 = arith.constant 198 : i32
    %add3A_20 = arith.addi %mul3A_2, %add3A_19 : i32
    %jit3A = arith.constant 32 : i32
    %div3A = arith.divsi %add3A_20, %jit3A : i32
    %sign3A = arith.constant 0 : i32
    %sign3A_21 = arith.cmpi sgt, %add3A_20, %sign3A : i32
    %sign3A_22 = arith.extui %sign3A_21 : i1 to i32
    %sign3A_23 = arith.constant 0 : i32
    %sign3A_24 = arith.cmpi slt, %add3A_20, %sign3A_23 : i32
    %sign3A_25 = arith.extui %sign3A_24 : i1 to i32
    %sign3A_26 = arith.subi %sign3A_22, %sign3A_25 : i32
    %sign3A_27 = arith.constant 0 : i32
    %sign3A_28 = arith.cmpi sgt, %jit3A, %sign3A_27 : i32
    %sign3A_29 = arith.extui %sign3A_28 : i1 to i32
    %sign3A_30 = arith.constant 0 : i32
    %sign3A_31 = arith.cmpi slt, %jit3A, %sign3A_30 : i32
    %sign3A_32 = arith.extui %sign3A_31 : i1 to i32
    %sign3A_33 = arith.subi %sign3A_29, %sign3A_32 : i32
    %ne3A = arith.cmpi ne, %sign3A_26, %sign3A_33 : i32
    %rem3A = arith.remsi %add3A_20, %jit3A : i32
    %ne3A_34 = arith.constant 0 : i32
    %ne3A_35 = arith.cmpi ne, %rem3A, %ne3A_34 : i32
    %and3A = arith.andi %ne3A, %ne3A_35 : i1
    %sub3A = arith.constant 1 : i32
    %sub3A_36 = arith.subi %div3A, %sub3A : i32
    %select_n3A = arith.select %and3A, %sub3A_36, %div3A : i32
    %mul3A_37 = arith.constant 32 : i32
    %mul3A_38 = arith.muli %select_n3A, %mul3A_37 : i32
    %sub3A_39 = arith.subi %add3A_20, %mul3A_38 : i32
    %dma_wait3A = arith.constant 0 : i32
    %dma_wait3A_40 = arith.constant 0 : i32
    %dma_wait3A_41 = arith.constant 0 : i32
    %dma_wait3A_42 = arith.constant 0 : i32
    %dma_wait3A_43 = tpu.memref_slice %arg7[%dma_wait3A, %dma_wait3A_41, %dma_wait3A_42] : memref<2x64x129xf32, #tpu.memory_space<vmem>> -> memref<1x8x128xf32, #tpu.memory_space<vmem>>
    %dma_wait3A_44 = tpu.memref_squeeze %dma_wait3A_43 : memref<1x8x128xf32, #tpu.memory_space<vmem>> -> memref<8x128xf32, #tpu.memory_space<vmem>>
    %dma_wait3A_45 = arith.constant 0 : i32
    %dma_wait3A_46 = arith.constant 0 : i32
    %dma_wait3A_47 = tpu.memref_slice %arg4[%select_n3A, %dma_wait3A_40, %sub3A_39, %dma_wait3A_45, %dma_wait3A_46] : memref<200x8x32x8x128xf32, #tpu.memory_space<hbm>> -> memref<1x1x1x8x128xf32, #tpu.memory_space<hbm>>
    %dma_wait3A_48 = tpu.memref_squeeze %dma_wait3A_47 : memref<1x1x1x8x128xf32, #tpu.memory_space<hbm>> -> memref<8x128xf32, #tpu.memory_space<hbm>>
    %dma_wait3A_49 = arith.constant 0 : i32
    %dma_wait3A_50 = arith.constant 0 : i32
    %dma_wait3A_51 = tpu.memref_slice %arg4[%select_n3A, %dma_wait3A_40, %sub3A_39, %dma_wait3A_49, %dma_wait3A_50] : memref<200x8x32x8x128xf32, #tpu.memory_space<hbm>> -> memref<1x1x1x8x128xf32, #tpu.memory_space<hbm>>
    %dma_wait3A_52 = tpu.memref_squeeze %dma_wait3A_51 : memref<1x1x1x8x128xf32, #tpu.memory_space<hbm>> -> memref<8x128xf32, #tpu.memory_space<hbm>>
    %dma_wait3A_53 = arith.constant 0 : i32
    %dma_wait3A_54 = arith.constant 0 : i32
    %dma_wait3A_55 = tpu.memref_slice %arg7[%dma_wait3A, %dma_wait3A_53, %dma_wait3A_54] : memref<2x64x129xf32, #tpu.memory_space<vmem>> -> memref<1x8x128xf32, #tpu.memory_space<vmem>>
    %dma_wait3A_56 = tpu.memref_squeeze %dma_wait3A_55 : memref<1x8x128xf32, #tpu.memory_space<vmem>> -> memref<8x128xf32, #tpu.memory_space<vmem>>
    tpu.wait_dma2 semaphore(%arg9 : memref<!tpu.dma_semaphore, #tpu.memory_space<semaphore_mem>>) src(%dma_wait3A_56 : memref<8x128xf32, #tpu.memory_space<vmem>>) dst(%dma_wait3A_52 : memref<8x128xf32, #tpu.memory_space<hbm>>)
    %dma_wait3A_57 = arith.constant 0 : i32
    %dma_wait3A_58 = arith.constant 1 : i32
    %dma_wait3A_59 = arith.constant 8 : i32
    %dma_wait3A_60 = arith.constant 0 : i32
    %dma_wait3A_61 = tpu.memref_slice %arg7[%dma_wait3A_57, %dma_wait3A_59, %dma_wait3A_60] : memref<2x64x129xf32, #tpu.memory_space<vmem>> -> memref<1x8x128xf32, #tpu.memory_space<vmem>>
    %dma_wait3A_62 = tpu.memref_squeeze %dma_wait3A_61 : memref<1x8x128xf32, #tpu.memory_space<vmem>> -> memref<8x128xf32, #tpu.memory_space<vmem>>
    %dma_wait3A_63 = arith.constant 0 : i32
    %dma_wait3A_64 = arith.constant 0 : i32
    %dma_wait3A_65 = tpu.memref_slice %arg4[%select_n3A, %dma_wait3A_58, %sub3A_39, %dma_wait3A_63, %dma_wait3A_64] : memref<200x8x32x8x128xf32, #tpu.memory_space<hbm>> -> memref<1x1x1x8x128xf32, #tpu.memory_space<hbm>>
    %dma_wait3A_66 = tpu.memref_squeeze %dma_wait3A_65 : memref<1x1x1x8x128xf32, #tpu.memory_space<hbm>> -> memref<8x128xf32, #tpu.memory_space<hbm>>
    %dma_wait3A_67 = arith.constant 0 : i32
    %dma_wait3A_68 = arith.constant 0 : i32
    %dma_wait3A_69 = tpu.memref_slice %arg4[%select_n3A, %dma_wait3A_58, %sub3A_39, %dma_wait3A_67, %dma_wait3A_68] : memref<200x8x32x8x128xf32, #tpu.memory_space<hbm>> -> memref<1x1x1x8x128xf32, #tpu.memory_space<hbm>>
    %dma_wait3A_70 = tpu.memref_squeeze %dma_wait3A_69 : memref<1x1x1x8x128xf32, #tpu.memory_space<hbm>> -> memref<8x128xf32, #tpu.memory_space<hbm>>
    %dma_wait3A_71 = arith.constant 8 : i32
    %dma_wait3A_72 = arith.constant 0 : i32
    %dma_wait3A_73 = tpu.memref_slice %arg7[%dma_wait3A_57, %dma_wait3A_71, %dma_wait3A_72] : memref<2x64x129xf32, #tpu.memory_space<vmem>> -> memref<1x8x128xf32, #tpu.memory_space<vmem>>
    %dma_wait3A_74 = tpu.memref_squeeze %dma_wait3A_73 : memref<1x8x128xf32, #tpu.memory_space<vmem>> -> memref<8x128xf32, #tpu.memory_space<vmem>>
    tpu.wait_dma2 semaphore(%arg9 : memref<!tpu.dma_semaphore, #tpu.memory_space<semaphore_mem>>) src(%dma_wait3A_74 : memref<8x128xf32, #tpu.memory_space<vmem>>) dst(%dma_wait3A_70 : memref<8x128xf32, #tpu.memory_space<hbm>>)
    %dma_wait3A_75 = arith.constant 0 : i32
    %dma_wait3A_76 = arith.constant 2 : i32
    %dma_wait3A_77 = arith.constant 16 : i32
    %dma_wait3A_78 = arith.constant 0 : i32
    %dma_wait3A_79 = tpu.memref_slice %arg7[%dma_wait3A_75, %dma_wait3A_77, %dma_wait3A_78] : memref<2x64x129xf32, #tpu.memory_space<vmem>> -> memref<1x8x128xf32, #tpu.memory_space<vmem>>
    %dma_wait3A_80 = tpu.memref_squeeze %dma_wait3A_79 : memref<1x8x128xf32, #tpu.memory_space<vmem>> -> memref<8x128xf32, #tpu.memory_space<vmem>>
    %dma_wait3A_81 = arith.constant 0 : i32
    %dma_wait3A_82 = arith.constant 0 : i32
    %dma_wait3A_83 = tpu.memref_slice %arg4[%select_n3A, %dma_wait3A_76, %sub3A_39, %dma_wait3A_81, %dma_wait3A_82] : memref<200x8x32x8x128xf32, #tpu.memory_space<hbm>> -> memref<1x1x1x8x128xf32, #tpu.memory_space<hbm>>
    %dma_wait3A_84 = tpu.memref_squeeze %dma_wait3A_83 : memref<1x1x1x8x128xf32, #tpu.memory_space<hbm>> -> memref<8x128xf32, #tpu.memory_space<hbm>>
    %dma_wait3A_85 = arith.constant 0 : i32
    %dma_wait3A_86 = arith.constant 0 : i32
    %dma_wait3A_87 = tpu.memref_slice %arg4[%select_n3A, %dma_wait3A_76, %sub3A_39, %dma_wait3A_85, %dma_wait3A_86] : memref<200x8x32x8x128xf32, #tpu.memory_space<hbm>> -> memref<1x1x1x8x128xf32, #tpu.memory_space<hbm>>
    %dma_wait3A_88 = tpu.memref_squeeze %dma_wait3A_87 : memref<1x1x1x8x128xf32, #tpu.memory_space<hbm>> -> memref<8x128xf32, #tpu.memory_space<hbm>>
    %dma_wait3A_89 = arith.constant 16 : i32
    %dma_wait3A_90 = arith.constant 0 : i32
    %dma_wait3A_91 = tpu.memref_slice %arg7[%dma_wait3A_75, %dma_wait3A_89, %dma_wait3A_90] : memref<2x64x129xf32, #tpu.memory_space<vmem>> -> memref<1x8x128xf32, #tpu.memory_space<vmem>>
    %dma_wait3A_92 = tpu.memref_squeeze %dma_wait3A_91 : memref<1x8x128xf32, #tpu.memory_space<vmem>> -> memref<8x128xf32, #tpu.memory_space<vmem>>
    tpu.wait_dma2 semaphore(%arg9 : memref<!tpu.dma_semaphore, #tpu.memory_space<semaphore_mem>>) src(%dma_wait3A_92 : memref<8x128xf32, #tpu.memory_space<vmem>>) dst(%dma_wait3A_88 : memref<8x128xf32, #tpu.memory_space<hbm>>)
    %dma_wait3A_93 = arith.constant 0 : i32
    %dma_wait3A_94 = arith.constant 3 : i32
    %dma_wait3A_95 = arith.constant 24 : i32
    %dma_wait3A_96 = arith.constant 0 : i32
    %dma_wait3A_97 = tpu.memref_slice %arg7[%dma_wait3A_93, %dma_wait3A_95, %dma_wait3A_96] : memref<2x64x129xf32, #tpu.memory_space<vmem>> -> memref<1x8x128xf32, #tpu.memory_space<vmem>>
    %dma_wait3A_98 = tpu.memref_squeeze %dma_wait3A_97 : memref<1x8x128xf32, #tpu.memory_space<vmem>> -> memref<8x128xf32, #tpu.memory_space<vmem>>
    %dma_wait3A_99 = arith.constant 0 : i32
    %dma_wait3A_100 = arith.constant 0 : i32
    %dma_wait3A_101 = tpu.memref_slice %arg4[%select_n3A, %dma_wait3A_94, %sub3A_39, %dma_wait3A_99, %dma_wait3A_100] : memref<200x8x32x8x128xf32, #tpu.memory_space<hbm>> -> memref<1x1x1x8x128xf32, #tpu.memory_space<hbm>>
    %dma_wait3A_102 = tpu.memref_squeeze %dma_wait3A_101 : memref<1x1x1x8x128xf32, #tpu.memory_space<hbm>> -> memref<8x128xf32, #tpu.memory_space<hbm>>
    %dma_wait3A_103 = arith.constant 0 : i32
    %dma_wait3A_104 = arith.constant 0 : i32
    %dma_wait3A_105 = tpu.memref_slice %arg4[%select_n3A, %dma_wait3A_94, %sub3A_39, %dma_wait3A_103, %dma_wait3A_104] : memref<200x8x32x8x128xf32, #tpu.memory_space<hbm>> -> memref<1x1x1x8x128xf32, #tpu.memory_space<hbm>>
    %dma_wait3A_106 = tpu.memref_squeeze %dma_wait3A_105 : memref<1x1x1x8x128xf32, #tpu.memory_space<hbm>> -> memref<8x128xf32, #tpu.memory_space<hbm>>
    %dma_wait3A_107 = arith.constant 24 : i32
    %dma_wait3A_108 = arith.constant 0 : i32
    %dma_wait3A_109 = tpu.memref_slice %arg7[%dma_wait3A_93, %dma_wait3A_107, %dma_wait3A_108] : memref<2x64x129xf32, #tpu.memory_space<vmem>> -> memref<1x8x128xf32, #tpu.memory_space<vmem>>
    %dma_wait3A_110 = tpu.memref_squeeze %dma_wait3A_109 : memref<1x8x128xf32, #tpu.memory_space<vmem>> -> memref<8x128xf32, #tpu.memory_space<vmem>>
    tpu.wait_dma2 semaphore(%arg9 : memref<!tpu.dma_semaphore, #tpu.memory_space<semaphore_mem>>) src(%dma_wait3A_110 : memref<8x128xf32, #tpu.memory_space<vmem>>) dst(%dma_wait3A_106 : memref<8x128xf32, #tpu.memory_space<hbm>>)
    %dma_wait3A_111 = arith.constant 0 : i32
    %dma_wait3A_112 = arith.constant 4 : i32
    %dma_wait3A_113 = arith.constant 32 : i32
    %dma_wait3A_114 = arith.constant 0 : i32
    %dma_wait3A_115 = tpu.memref_slice %arg7[%dma_wait3A_111, %dma_wait3A_113, %dma_wait3A_114] : memref<2x64x129xf32, #tpu.memory_space<vmem>> -> memref<1x8x128xf32, #tpu.memory_space<vmem>>
    %dma_wait3A_116 = tpu.memref_squeeze %dma_wait3A_115 : memref<1x8x128xf32, #tpu.memory_space<vmem>> -> memref<8x128xf32, #tpu.memory_space<vmem>>
    %dma_wait3A_117 = arith.constant 0 : i32
    %dma_wait3A_118 = arith.constant 0 : i32
    %dma_wait3A_119 = tpu.memref_slice %arg4[%select_n3A, %dma_wait3A_112, %sub3A_39, %dma_wait3A_117, %dma_wait3A_118] : memref<200x8x32x8x128xf32, #tpu.memory_space<hbm>> -> memref<1x1x1x8x128xf32, #tpu.memory_space<hbm>>
    %dma_wait3A_120 = tpu.memref_squeeze %dma_wait3A_119 : memref<1x1x1x8x128xf32, #tpu.memory_space<hbm>> -> memref<8x128xf32, #tpu.memory_space<hbm>>
    %dma_wait3A_121 = arith.constant 0 : i32
    %dma_wait3A_122 = arith.constant 0 : i32
    %dma_wait3A_123 = tpu.memref_slice %arg4[%select_n3A, %dma_wait3A_112, %sub3A_39, %dma_wait3A_121, %dma_wait3A_122] : memref<200x8x32x8x128xf32, #tpu.memory_space<hbm>> -> memref<1x1x1x8x128xf32, #tpu.memory_space<hbm>>
    %dma_wait3A_124 = tpu.memref_squeeze %dma_wait3A_123 : memref<1x1x1x8x128xf32, #tpu.memory_space<hbm>> -> memref<8x128xf32, #tpu.memory_space<hbm>>
    %dma_wait3A_125 = arith.constant 32 : i32
    %dma_wait3A_126 = arith.constant 0 : i32
    %dma_wait3A_127 = tpu.memref_slice %arg7[%dma_wait3A_111, %dma_wait3A_125, %dma_wait3A_126] : memref<2x64x129xf32, #tpu.memory_space<vmem>> -> memref<1x8x128xf32, #tpu.memory_space<vmem>>
    %dma_wait3A_128 = tpu.memref_squeeze %dma_wait3A_127 : memref<1x8x128xf32, #tpu.memory_space<vmem>> -> memref<8x128xf32, #tpu.memory_space<vmem>>
    tpu.wait_dma2 semaphore(%arg9 : memref<!tpu.dma_semaphore, #tpu.memory_space<semaphore_mem>>) src(%dma_wait3A_128 : memref<8x128xf32, #tpu.memory_space<vmem>>) dst(%dma_wait3A_124 : memref<8x128xf32, #tpu.memory_space<hbm>>)
    %dma_wait3A_129 = arith.constant 0 : i32
    %dma_wait3A_130 = arith.constant 5 : i32
    %dma_wait3A_131 = arith.constant 40 : i32
    %dma_wait3A_132 = arith.constant 0 : i32
    %dma_wait3A_133 = tpu.memref_slice %arg7[%dma_wait3A_129, %dma_wait3A_131, %dma_wait3A_132] : memref<2x64x129xf32, #tpu.memory_space<vmem>> -> memref<1x8x128xf32, #tpu.memory_space<vmem>>
    %dma_wait3A_134 = tpu.memref_squeeze %dma_wait3A_133 : memref<1x8x128xf32, #tpu.memory_space<vmem>> -> memref<8x128xf32, #tpu.memory_space<vmem>>
    %dma_wait3A_135 = arith.constant 0 : i32
    %dma_wait3A_136 = arith.constant 0 : i32
    %dma_wait3A_137 = tpu.memref_slice %arg4[%select_n3A, %dma_wait3A_130, %sub3A_39, %dma_wait3A_135, %dma_wait3A_136] : memref<200x8x32x8x128xf32, #tpu.memory_space<hbm>> -> memref<1x1x1x8x128xf32, #tpu.memory_space<hbm>>
    %dma_wait3A_138 = tpu.memref_squeeze %dma_wait3A_137 : memref<1x1x1x8x128xf32, #tpu.memory_space<hbm>> -> memref<8x128xf32, #tpu.memory_space<hbm>>
    %dma_wait3A_139 = arith.constant 0 : i32
    %dma_wait3A_140 = arith.constant 0 : i32
    %dma_wait3A_141 = tpu.memref_slice %arg4[%select_n3A, %dma_wait3A_130, %sub3A_39, %dma_wait3A_139, %dma_wait3A_140] : memref<200x8x32x8x128xf32, #tpu.memory_space<hbm>> -> memref<1x1x1x8x128xf32, #tpu.memory_space<hbm>>
    %dma_wait3A_142 = tpu.memref_squeeze %dma_wait3A_141 : memref<1x1x1x8x128xf32, #tpu.memory_space<hbm>> -> memref<8x128xf32, #tpu.memory_space<hbm>>
    %dma_wait3A_143 = arith.constant 40 : i32
    %dma_wait3A_144 = arith.constant 0 : i32
    %dma_wait3A_145 = tpu.memref_slice %arg7[%dma_wait3A_129, %dma_wait3A_143, %dma_wait3A_144] : memref<2x64x129xf32, #tpu.memory_space<vmem>> -> memref<1x8x128xf32, #tpu.memory_space<vmem>>
    %dma_wait3A_146 = tpu.memref_squeeze %dma_wait3A_145 : memref<1x8x128xf32, #tpu.memory_space<vmem>> -> memref<8x128xf32, #tpu.memory_space<vmem>>
    tpu.wait_dma2 semaphore(%arg9 : memref<!tpu.dma_semaphore, #tpu.memory_space<semaphore_mem>>) src(%dma_wait3A_146 : memref<8x128xf32, #tpu.memory_space<vmem>>) dst(%dma_wait3A_142 : memref<8x128xf32, #tpu.memory_space<hbm>>)
    %dma_wait3A_147 = arith.constant 0 : i32
    %dma_wait3A_148 = arith.constant 6 : i32
    %dma_wait3A_149 = arith.constant 48 : i32
    %dma_wait3A_150 = arith.constant 0 : i32
    %dma_wait3A_151 = tpu.memref_slice %arg7[%dma_wait3A_147, %dma_wait3A_149, %dma_wait3A_150] : memref<2x64x129xf32, #tpu.memory_space<vmem>> -> memref<1x8x128xf32, #tpu.memory_space<vmem>>
    %dma_wait3A_152 = tpu.memref_squeeze %dma_wait3A_151 : memref<1x8x128xf32, #tpu.memory_space<vmem>> -> memref<8x128xf32, #tpu.memory_space<vmem>>
    %dma_wait3A_153 = arith.constant 0 : i32
    %dma_wait3A_154 = arith.constant 0 : i32
    %dma_wait3A_155 = tpu.memref_slice %arg4[%select_n3A, %dma_wait3A_148, %sub3A_39, %dma_wait3A_153, %dma_wait3A_154] : memref<200x8x32x8x128xf32, #tpu.memory_space<hbm>> -> memref<1x1x1x8x128xf32, #tpu.memory_space<hbm>>
    %dma_wait3A_156 = tpu.memref_squeeze %dma_wait3A_155 : memref<1x1x1x8x128xf32, #tpu.memory_space<hbm>> -> memref<8x128xf32, #tpu.memory_space<hbm>>
    %dma_wait3A_157 = arith.constant 0 : i32
    %dma_wait3A_158 = arith.constant 0 : i32
    %dma_wait3A_159 = tpu.memref_slice %arg4[%select_n3A, %dma_wait3A_148, %sub3A_39, %dma_wait3A_157, %dma_wait3A_158] : memref<200x8x32x8x128xf32, #tpu.memory_space<hbm>> -> memref<1x1x1x8x128xf32, #tpu.memory_space<hbm>>
    %dma_wait3A_160 = tpu.memref_squeeze %dma_wait3A_159 : memref<1x1x1x8x128xf32, #tpu.memory_space<hbm>> -> memref<8x128xf32, #tpu.memory_space<hbm>>
    %dma_wait3A_161 = arith.constant 48 : i32
    %dma_wait3A_162 = arith.constant 0 : i32
    %dma_wait3A_163 = tpu.memref_slice %arg7[%dma_wait3A_147, %dma_wait3A_161, %dma_wait3A_162] : memref<2x64x129xf32, #tpu.memory_space<vmem>> -> memref<1x8x128xf32, #tpu.memory_space<vmem>>
    %dma_wait3A_164 = tpu.memref_squeeze %dma_wait3A_163 : memref<1x8x128xf32, #tpu.memory_space<vmem>> -> memref<8x128xf32, #tpu.memory_space<vmem>>
    tpu.wait_dma2 semaphore(%arg9 : memref<!tpu.dma_semaphore, #tpu.memory_space<semaphore_mem>>) src(%dma_wait3A_164 : memref<8x128xf32, #tpu.memory_space<vmem>>) dst(%dma_wait3A_160 : memref<8x128xf32, #tpu.memory_space<hbm>>)
    %dma_wait3A_165 = arith.constant 0 : i32
    %dma_wait3A_166 = arith.constant 7 : i32
    %dma_wait3A_167 = arith.constant 56 : i32
    %dma_wait3A_168 = arith.constant 0 : i32
    %dma_wait3A_169 = tpu.memref_slice %arg7[%dma_wait3A_165, %dma_wait3A_167, %dma_wait3A_168] : memref<2x64x129xf32, #tpu.memory_space<vmem>> -> memref<1x8x128xf32, #tpu.memory_space<vmem>>
    %dma_wait3A_170 = tpu.memref_squeeze %dma_wait3A_169 : memref<1x8x128xf32, #tpu.memory_space<vmem>> -> memref<8x128xf32, #tpu.memory_space<vmem>>
    %dma_wait3A_171 = arith.constant 0 : i32
    %dma_wait3A_172 = arith.constant 0 : i32
    %dma_wait3A_173 = tpu.memref_slice %arg4[%select_n3A, %dma_wait3A_166, %sub3A_39, %dma_wait3A_171, %dma_wait3A_172] : memref<200x8x32x8x128xf32, #tpu.memory_space<hbm>> -> memref<1x1x1x8x128xf32, #tpu.memory_space<hbm>>
    %dma_wait3A_174 = tpu.memref_squeeze %dma_wait3A_173 : memref<1x1x1x8x128xf32, #tpu.memory_space<hbm>> -> memref<8x128xf32, #tpu.memory_space<hbm>>
    %dma_wait3A_175 = arith.constant 0 : i32
    %dma_wait3A_176 = arith.constant 0 : i32
    %dma_wait3A_177 = tpu.memref_slice %arg4[%select_n3A, %dma_wait3A_166, %sub3A_39, %dma_wait3A_175, %dma_wait3A_176] : memref<200x8x32x8x128xf32, #tpu.memory_space<hbm>> -> memref<1x1x1x8x128xf32, #tpu.memory_space<hbm>>
    %dma_wait3A_178 = tpu.memref_squeeze %dma_wait3A_177 : memref<1x1x1x8x128xf32, #tpu.memory_space<hbm>> -> memref<8x128xf32, #tpu.memory_space<hbm>>
    %dma_wait3A_179 = arith.constant 56 : i32
    %dma_wait3A_180 = arith.constant 0 : i32
    %dma_wait3A_181 = tpu.memref_slice %arg7[%dma_wait3A_165, %dma_wait3A_179, %dma_wait3A_180] : memref<2x64x129xf32, #tpu.memory_space<vmem>> -> memref<1x8x128xf32, #tpu.memory_space<vmem>>
    %dma_wait3A_182 = tpu.memref_squeeze %dma_wait3A_181 : memref<1x8x128xf32, #tpu.memory_space<vmem>> -> memref<8x128xf32, #tpu.memory_space<vmem>>
    tpu.wait_dma2 semaphore(%arg9 : memref<!tpu.dma_semaphore, #tpu.memory_space<semaphore_mem>>) src(%dma_wait3A_182 : memref<8x128xf32, #tpu.memory_space<vmem>>) dst(%dma_wait3A_178 : memref<8x128xf32, #tpu.memory_space<hbm>>)
    %add3A_183 = arith.constant 199 : i32
    %add3A_184 = arith.addi %mul3A_2, %add3A_183 : i32
    %jit3A_185 = arith.constant 32 : i32
    %div3A_186 = arith.divsi %add3A_184, %jit3A_185 : i32
    %sign3A_187 = arith.constant 0 : i32
    %sign3A_188 = arith.cmpi sgt, %add3A_184, %sign3A_187 : i32
    %sign3A_189 = arith.extui %sign3A_188 : i1 to i32
    %sign3A_190 = arith.constant 0 : i32
    %sign3A_191 = arith.cmpi slt, %add3A_184, %sign3A_190 : i32
    %sign3A_192 = arith.extui %sign3A_191 : i1 to i32
    %sign3A_193 = arith.subi %sign3A_189, %sign3A_192 : i32
    %sign3A_194 = arith.constant 0 : i32
    %sign3A_195 = arith.cmpi sgt, %jit3A_185, %sign3A_194 : i32
    %sign3A_196 = arith.extui %sign3A_195 : i1 to i32
    %sign3A_197 = arith.constant 0 : i32
    %sign3A_198 = arith.cmpi slt, %jit3A_185, %sign3A_197 : i32
    %sign3A_199 = arith.extui %sign3A_198 : i1 to i32
    %sign3A_200 = arith.subi %sign3A_196, %sign3A_199 : i32
    %ne3A_201 = arith.cmpi ne, %sign3A_193, %sign3A_200 : i32
    %rem3A_202 = arith.remsi %add3A_184, %jit3A_185 : i32
    %ne3A_203 = arith.constant 0 : i32
    %ne3A_204 = arith.cmpi ne, %rem3A_202, %ne3A_203 : i32
    %and3A_205 = arith.andi %ne3A_201, %ne3A_204 : i1
    %sub3A_206 = arith.constant 1 : i32
    %sub3A_207 = arith.subi %div3A_186, %sub3A_206 : i32
    %select_n3A_208 = arith.select %and3A_205, %sub3A_207, %div3A_186 : i32
    %mul3A_209 = arith.constant 32 : i32
    %mul3A_210 = arith.muli %select_n3A_208, %mul3A_209 : i32
    %sub3A_211 = arith.subi %add3A_184, %mul3A_210 : i32
    %dma_wait3A_212 = arith.constant 1 : i32
    %dma_wait3A_213 = arith.constant 0 : i32
    %dma_wait3A_214 = arith.constant 0 : i32
    %dma_wait3A_215 = arith.constant 0 : i32
    %dma_wait3A_216 = tpu.memref_slice %arg7[%dma_wait3A_212, %dma_wait3A_214, %dma_wait3A_215] : memref<2x64x129xf32, #tpu.memory_space<vmem>> -> memref<1x8x128xf32, #tpu.memory_space<vmem>>
    %dma_wait3A_217 = tpu.memref_squeeze %dma_wait3A_216 : memref<1x8x128xf32, #tpu.memory_space<vmem>> -> memref<8x128xf32, #tpu.memory_space<vmem>>
    %dma_wait3A_218 = arith.constant 0 : i32
    %dma_wait3A_219 = arith.constant 0 : i32
    %dma_wait3A_220 = tpu.memref_slice %arg4[%select_n3A_208, %dma_wait3A_213, %sub3A_211, %dma_wait3A_218, %dma_wait3A_219] : memref<200x8x32x8x128xf32, #tpu.memory_space<hbm>> -> memref<1x1x1x8x128xf32, #tpu.memory_space<hbm>>
    %dma_wait3A_221 = tpu.memref_squeeze %dma_wait3A_220 : memref<1x1x1x8x128xf32, #tpu.memory_space<hbm>> -> memref<8x128xf32, #tpu.memory_space<hbm>>
    %dma_wait3A_222 = arith.constant 0 : i32
    %dma_wait3A_223 = arith.constant 0 : i32
    %dma_wait3A_224 = tpu.memref_slice %arg4[%select_n3A_208, %dma_wait3A_213, %sub3A_211, %dma_wait3A_222, %dma_wait3A_223] : memref<200x8x32x8x128xf32, #tpu.memory_space<hbm>> -> memref<1x1x1x8x128xf32, #tpu.memory_space<hbm>>
    %dma_wait3A_225 = tpu.memref_squeeze %dma_wait3A_224 : memref<1x1x1x8x128xf32, #tpu.memory_space<hbm>> -> memref<8x128xf32, #tpu.memory_space<hbm>>
    %dma_wait3A_226 = arith.constant 0 : i32
    %dma_wait3A_227 = arith.constant 0 : i32
    %dma_wait3A_228 = tpu.memref_slice %arg7[%dma_wait3A_212, %dma_wait3A_226, %dma_wait3A_227] : memref<2x64x129xf32, #tpu.memory_space<vmem>> -> memref<1x8x128xf32, #tpu.memory_space<vmem>>
    %dma_wait3A_229 = tpu.memref_squeeze %dma_wait3A_228 : memref<1x8x128xf32, #tpu.memory_space<vmem>> -> memref<8x128xf32, #tpu.memory_space<vmem>>
    tpu.wait_dma2 semaphore(%arg9 : memref<!tpu.dma_semaphore, #tpu.memory_space<semaphore_mem>>) src(%dma_wait3A_229 : memref<8x128xf32, #tpu.memory_space<vmem>>) dst(%dma_wait3A_225 : memref<8x128xf32, #tpu.memory_space<hbm>>)
    %dma_wait3A_230 = arith.constant 1 : i32
    %dma_wait3A_231 = arith.constant 1 : i32
    %dma_wait3A_232 = arith.constant 8 : i32
    %dma_wait3A_233 = arith.constant 0 : i32
    %dma_wait3A_234 = tpu.memref_slice %arg7[%dma_wait3A_230, %dma_wait3A_232, %dma_wait3A_233] : memref<2x64x129xf32, #tpu.memory_space<vmem>> -> memref<1x8x128xf32, #tpu.memory_space<vmem>>
    %dma_wait3A_235 = tpu.memref_squeeze %dma_wait3A_234 : memref<1x8x128xf32, #tpu.memory_space<vmem>> -> memref<8x128xf32, #tpu.memory_space<vmem>>
    %dma_wait3A_236 = arith.constant 0 : i32
    %dma_wait3A_237 = arith.constant 0 : i32
    %dma_wait3A_238 = tpu.memref_slice %arg4[%select_n3A_208, %dma_wait3A_231, %sub3A_211, %dma_wait3A_236, %dma_wait3A_237] : memref<200x8x32x8x128xf32, #tpu.memory_space<hbm>> -> memref<1x1x1x8x128xf32, #tpu.memory_space<hbm>>
    %dma_wait3A_239 = tpu.memref_squeeze %dma_wait3A_238 : memref<1x1x1x8x128xf32, #tpu.memory_space<hbm>> -> memref<8x128xf32, #tpu.memory_space<hbm>>
    %dma_wait3A_240 = arith.constant 0 : i32
    %dma_wait3A_241 = arith.constant 0 : i32
    %dma_wait3A_242 = tpu.memref_slice %arg4[%select_n3A_208, %dma_wait3A_231, %sub3A_211, %dma_wait3A_240, %dma_wait3A_241] : memref<200x8x32x8x128xf32, #tpu.memory_space<hbm>> -> memref<1x1x1x8x128xf32, #tpu.memory_space<hbm>>
    %dma_wait3A_243 = tpu.memref_squeeze %dma_wait3A_242 : memref<1x1x1x8x128xf32, #tpu.memory_space<hbm>> -> memref<8x128xf32, #tpu.memory_space<hbm>>
    %dma_wait3A_244 = arith.constant 8 : i32
    %dma_wait3A_245 = arith.constant 0 : i32
    %dma_wait3A_246 = tpu.memref_slice %arg7[%dma_wait3A_230, %dma_wait3A_244, %dma_wait3A_245] : memref<2x64x129xf32, #tpu.memory_space<vmem>> -> memref<1x8x128xf32, #tpu.memory_space<vmem>>
    %dma_wait3A_247 = tpu.memref_squeeze %dma_wait3A_246 : memref<1x8x128xf32, #tpu.memory_space<vmem>> -> memref<8x128xf32, #tpu.memory_space<vmem>>
    tpu.wait_dma2 semaphore(%arg9 : memref<!tpu.dma_semaphore, #tpu.memory_space<semaphore_mem>>) src(%dma_wait3A_247 : memref<8x128xf32, #tpu.memory_space<vmem>>) dst(%dma_wait3A_243 : memref<8x128xf32, #tpu.memory_space<hbm>>)
    %dma_wait3A_248 = arith.constant 1 : i32
    %dma_wait3A_249 = arith.constant 2 : i32
    %dma_wait3A_250 = arith.constant 16 : i32
    %dma_wait3A_251 = arith.constant 0 : i32
    %dma_wait3A_252 = tpu.memref_slice %arg7[%dma_wait3A_248, %dma_wait3A_250, %dma_wait3A_251] : memref<2x64x129xf32, #tpu.memory_space<vmem>> -> memref<1x8x128xf32, #tpu.memory_space<vmem>>
    %dma_wait3A_253 = tpu.memref_squeeze %dma_wait3A_252 : memref<1x8x128xf32, #tpu.memory_space<vmem>> -> memref<8x128xf32, #tpu.memory_space<vmem>>
    %dma_wait3A_254 = arith.constant 0 : i32
    %dma_wait3A_255 = arith.constant 0 : i32
    %dma_wait3A_256 = tpu.memref_slice %arg4[%select_n3A_208, %dma_wait3A_249, %sub3A_211, %dma_wait3A_254, %dma_wait3A_255] : memref<200x8x32x8x128xf32, #tpu.memory_space<hbm>> -> memref<1x1x1x8x128xf32, #tpu.memory_space<hbm>>
    %dma_wait3A_257 = tpu.memref_squeeze %dma_wait3A_256 : memref<1x1x1x8x128xf32, #tpu.memory_space<hbm>> -> memref<8x128xf32, #tpu.memory_space<hbm>>
    %dma_wait3A_258 = arith.constant 0 : i32
    %dma_wait3A_259 = arith.constant 0 : i32
    %dma_wait3A_260 = tpu.memref_slice %arg4[%select_n3A_208, %dma_wait3A_249, %sub3A_211, %dma_wait3A_258, %dma_wait3A_259] : memref<200x8x32x8x128xf32, #tpu.memory_space<hbm>> -> memref<1x1x1x8x128xf32, #tpu.memory_space<hbm>>
    %dma_wait3A_261 = tpu.memref_squeeze %dma_wait3A_260 : memref<1x1x1x8x128xf32, #tpu.memory_space<hbm>> -> memref<8x128xf32, #tpu.memory_space<hbm>>
    %dma_wait3A_262 = arith.constant 16 : i32
    %dma_wait3A_263 = arith.constant 0 : i32
    %dma_wait3A_264 = tpu.memref_slice %arg7[%dma_wait3A_248, %dma_wait3A_262, %dma_wait3A_263] : memref<2x64x129xf32, #tpu.memory_space<vmem>> -> memref<1x8x128xf32, #tpu.memory_space<vmem>>
    %dma_wait3A_265 = tpu.memref_squeeze %dma_wait3A_264 : memref<1x8x128xf32, #tpu.memory_space<vmem>> -> memref<8x128xf32, #tpu.memory_space<vmem>>
    tpu.wait_dma2 semaphore(%arg9 : memref<!tpu.dma_semaphore, #tpu.memory_space<semaphore_mem>>) src(%dma_wait3A_265 : memref<8x128xf32, #tpu.memory_space<vmem>>) dst(%dma_wait3A_261 : memref<8x128xf32, #tpu.memory_space<hbm>>)
    %dma_wait3A_266 = arith.constant 1 : i32
    %dma_wait3A_267 = arith.constant 3 : i32
    %dma_wait3A_268 = arith.constant 24 : i32
    %dma_wait3A_269 = arith.constant 0 : i32
    %dma_wait3A_270 = tpu.memref_slice %arg7[%dma_wait3A_266, %dma_wait3A_268, %dma_wait3A_269] : memref<2x64x129xf32, #tpu.memory_space<vmem>> -> memref<1x8x128xf32, #tpu.memory_space<vmem>>
    %dma_wait3A_271 = tpu.memref_squeeze %dma_wait3A_270 : memref<1x8x128xf32, #tpu.memory_space<vmem>> -> memref<8x128xf32, #tpu.memory_space<vmem>>
    %dma_wait3A_272 = arith.constant 0 : i32
    %dma_wait3A_273 = arith.constant 0 : i32
    %dma_wait3A_274 = tpu.memref_slice %arg4[%select_n3A_208, %dma_wait3A_267, %sub3A_211, %dma_wait3A_272, %dma_wait3A_273] : memref<200x8x32x8x128xf32, #tpu.memory_space<hbm>> -> memref<1x1x1x8x128xf32, #tpu.memory_space<hbm>>
    %dma_wait3A_275 = tpu.memref_squeeze %dma_wait3A_274 : memref<1x1x1x8x128xf32, #tpu.memory_space<hbm>> -> memref<8x128xf32, #tpu.memory_space<hbm>>
    %dma_wait3A_276 = arith.constant 0 : i32
    %dma_wait3A_277 = arith.constant 0 : i32
    %dma_wait3A_278 = tpu.memref_slice %arg4[%select_n3A_208, %dma_wait3A_267, %sub3A_211, %dma_wait3A_276, %dma_wait3A_277] : memref<200x8x32x8x128xf32, #tpu.memory_space<hbm>> -> memref<1x1x1x8x128xf32, #tpu.memory_space<hbm>>
    %dma_wait3A_279 = tpu.memref_squeeze %dma_wait3A_278 : memref<1x1x1x8x128xf32, #tpu.memory_space<hbm>> -> memref<8x128xf32, #tpu.memory_space<hbm>>
    %dma_wait3A_280 = arith.constant 24 : i32
    %dma_wait3A_281 = arith.constant 0 : i32
    %dma_wait3A_282 = tpu.memref_slice %arg7[%dma_wait3A_266, %dma_wait3A_280, %dma_wait3A_281] : memref<2x64x129xf32, #tpu.memory_space<vmem>> -> memref<1x8x128xf32, #tpu.memory_space<vmem>>
    %dma_wait3A_283 = tpu.memref_squeeze %dma_wait3A_282 : memref<1x8x128xf32, #tpu.memory_space<vmem>> -> memref<8x128xf32, #tpu.memory_space<vmem>>
    tpu.wait_dma2 semaphore(%arg9 : memref<!tpu.dma_semaphore, #tpu.memory_space<semaphore_mem>>) src(%dma_wait3A_283 : memref<8x128xf32, #tpu.memory_space<vmem>>) dst(%dma_wait3A_279 : memref<8x128xf32, #tpu.memory_space<hbm>>)
    %dma_wait3A_284 = arith.constant 1 : i32
    %dma_wait3A_285 = arith.constant 4 : i32
    %dma_wait3A_286 = arith.constant 32 : i32
    %dma_wait3A_287 = arith.constant 0 : i32
    %dma_wait3A_288 = tpu.memref_slice %arg7[%dma_wait3A_284, %dma_wait3A_286, %dma_wait3A_287] : memref<2x64x129xf32, #tpu.memory_space<vmem>> -> memref<1x8x128xf32, #tpu.memory_space<vmem>>
    %dma_wait3A_289 = tpu.memref_squeeze %dma_wait3A_288 : memref<1x8x128xf32, #tpu.memory_space<vmem>> -> memref<8x128xf32, #tpu.memory_space<vmem>>
    %dma_wait3A_290 = arith.constant 0 : i32
    %dma_wait3A_291 = arith.constant 0 : i32
    %dma_wait3A_292 = tpu.memref_slice %arg4[%select_n3A_208, %dma_wait3A_285, %sub3A_211, %dma_wait3A_290, %dma_wait3A_291] : memref<200x8x32x8x128xf32, #tpu.memory_space<hbm>> -> memref<1x1x1x8x128xf32, #tpu.memory_space<hbm>>
    %dma_wait3A_293 = tpu.memref_squeeze %dma_wait3A_292 : memref<1x1x1x8x128xf32, #tpu.memory_space<hbm>> -> memref<8x128xf32, #tpu.memory_space<hbm>>
    %dma_wait3A_294 = arith.constant 0 : i32
    %dma_wait3A_295 = arith.constant 0 : i32
    %dma_wait3A_296 = tpu.memref_slice %arg4[%select_n3A_208, %dma_wait3A_285, %sub3A_211, %dma_wait3A_294, %dma_wait3A_295] : memref<200x8x32x8x128xf32, #tpu.memory_space<hbm>> -> memref<1x1x1x8x128xf32, #tpu.memory_space<hbm>>
    %dma_wait3A_297 = tpu.memref_squeeze %dma_wait3A_296 : memref<1x1x1x8x128xf32, #tpu.memory_space<hbm>> -> memref<8x128xf32, #tpu.memory_space<hbm>>
    %dma_wait3A_298 = arith.constant 32 : i32
    %dma_wait3A_299 = arith.constant 0 : i32
    %dma_wait3A_300 = tpu.memref_slice %arg7[%dma_wait3A_284, %dma_wait3A_298, %dma_wait3A_299] : memref<2x64x129xf32, #tpu.memory_space<vmem>> -> memref<1x8x128xf32, #tpu.memory_space<vmem>>
    %dma_wait3A_301 = tpu.memref_squeeze %dma_wait3A_300 : memref<1x8x128xf32, #tpu.memory_space<vmem>> -> memref<8x128xf32, #tpu.memory_space<vmem>>
    tpu.wait_dma2 semaphore(%arg9 : memref<!tpu.dma_semaphore, #tpu.memory_space<semaphore_mem>>) src(%dma_wait3A_301 : memref<8x128xf32, #tpu.memory_space<vmem>>) dst(%dma_wait3A_297 : memref<8x128xf32, #tpu.memory_space<hbm>>)
    %dma_wait3A_302 = arith.constant 1 : i32
    %dma_wait3A_303 = arith.constant 5 : i32
    %dma_wait3A_304 = arith.constant 40 : i32
    %dma_wait3A_305 = arith.constant 0 : i32
    %dma_wait3A_306 = tpu.memref_slice %arg7[%dma_wait3A_302, %dma_wait3A_304, %dma_wait3A_305] : memref<2x64x129xf32, #tpu.memory_space<vmem>> -> memref<1x8x128xf32, #tpu.memory_space<vmem>>
    %dma_wait3A_307 = tpu.memref_squeeze %dma_wait3A_306 : memref<1x8x128xf32, #tpu.memory_space<vmem>> -> memref<8x128xf32, #tpu.memory_space<vmem>>
    %dma_wait3A_308 = arith.constant 0 : i32
    %dma_wait3A_309 = arith.constant 0 : i32
    %dma_wait3A_310 = tpu.memref_slice %arg4[%select_n3A_208, %dma_wait3A_303, %sub3A_211, %dma_wait3A_308, %dma_wait3A_309] : memref<200x8x32x8x128xf32, #tpu.memory_space<hbm>> -> memref<1x1x1x8x128xf32, #tpu.memory_space<hbm>>
    %dma_wait3A_311 = tpu.memref_squeeze %dma_wait3A_310 : memref<1x1x1x8x128xf32, #tpu.memory_space<hbm>> -> memref<8x128xf32, #tpu.memory_space<hbm>>
    %dma_wait3A_312 = arith.constant 0 : i32
    %dma_wait3A_313 = arith.constant 0 : i32
    %dma_wait3A_314 = tpu.memref_slice %arg4[%select_n3A_208, %dma_wait3A_303, %sub3A_211, %dma_wait3A_312, %dma_wait3A_313] : memref<200x8x32x8x128xf32, #tpu.memory_space<hbm>> -> memref<1x1x1x8x128xf32, #tpu.memory_space<hbm>>
    %dma_wait3A_315 = tpu.memref_squeeze %dma_wait3A_314 : memref<1x1x1x8x128xf32, #tpu.memory_space<hbm>> -> memref<8x128xf32, #tpu.memory_space<hbm>>
    %dma_wait3A_316 = arith.constant 40 : i32
    %dma_wait3A_317 = arith.constant 0 : i32
    %dma_wait3A_318 = tpu.memref_slice %arg7[%dma_wait3A_302, %dma_wait3A_316, %dma_wait3A_317] : memref<2x64x129xf32, #tpu.memory_space<vmem>> -> memref<1x8x128xf32, #tpu.memory_space<vmem>>
    %dma_wait3A_319 = tpu.memref_squeeze %dma_wait3A_318 : memref<1x8x128xf32, #tpu.memory_space<vmem>> -> memref<8x128xf32, #tpu.memory_space<vmem>>
    tpu.wait_dma2 semaphore(%arg9 : memref<!tpu.dma_semaphore, #tpu.memory_space<semaphore_mem>>) src(%dma_wait3A_319 : memref<8x128xf32, #tpu.memory_space<vmem>>) dst(%dma_wait3A_315 : memref<8x128xf32, #tpu.memory_space<hbm>>)
    %dma_wait3A_320 = arith.constant 1 : i32
    %dma_wait3A_321 = arith.constant 6 : i32
    %dma_wait3A_322 = arith.constant 48 : i32
    %dma_wait3A_323 = arith.constant 0 : i32
    %dma_wait3A_324 = tpu.memref_slice %arg7[%dma_wait3A_320, %dma_wait3A_322, %dma_wait3A_323] : memref<2x64x129xf32, #tpu.memory_space<vmem>> -> memref<1x8x128xf32, #tpu.memory_space<vmem>>
    %dma_wait3A_325 = tpu.memref_squeeze %dma_wait3A_324 : memref<1x8x128xf32, #tpu.memory_space<vmem>> -> memref<8x128xf32, #tpu.memory_space<vmem>>
    %dma_wait3A_326 = arith.constant 0 : i32
    %dma_wait3A_327 = arith.constant 0 : i32
    %dma_wait3A_328 = tpu.memref_slice %arg4[%select_n3A_208, %dma_wait3A_321, %sub3A_211, %dma_wait3A_326, %dma_wait3A_327] : memref<200x8x32x8x128xf32, #tpu.memory_space<hbm>> -> memref<1x1x1x8x128xf32, #tpu.memory_space<hbm>>
    %dma_wait3A_329 = tpu.memref_squeeze %dma_wait3A_328 : memref<1x1x1x8x128xf32, #tpu.memory_space<hbm>> -> memref<8x128xf32, #tpu.memory_space<hbm>>
    %dma_wait3A_330 = arith.constant 0 : i32
    %dma_wait3A_331 = arith.constant 0 : i32
    %dma_wait3A_332 = tpu.memref_slice %arg4[%select_n3A_208, %dma_wait3A_321, %sub3A_211, %dma_wait3A_330, %dma_wait3A_331] : memref<200x8x32x8x128xf32, #tpu.memory_space<hbm>> -> memref<1x1x1x8x128xf32, #tpu.memory_space<hbm>>
    %dma_wait3A_333 = tpu.memref_squeeze %dma_wait3A_332 : memref<1x1x1x8x128xf32, #tpu.memory_space<hbm>> -> memref<8x128xf32, #tpu.memory_space<hbm>>
    %dma_wait3A_334 = arith.constant 48 : i32
    %dma_wait3A_335 = arith.constant 0 : i32
    %dma_wait3A_336 = tpu.memref_slice %arg7[%dma_wait3A_320, %dma_wait3A_334, %dma_wait3A_335] : memref<2x64x129xf32, #tpu.memory_space<vmem>> -> memref<1x8x128xf32, #tpu.memory_space<vmem>>
    %dma_wait3A_337 = tpu.memref_squeeze %dma_wait3A_336 : memref<1x8x128xf32, #tpu.memory_space<vmem>> -> memref<8x128xf32, #tpu.memory_space<vmem>>
    tpu.wait_dma2 semaphore(%arg9 : memref<!tpu.dma_semaphore, #tpu.memory_space<semaphore_mem>>) src(%dma_wait3A_337 : memref<8x128xf32, #tpu.memory_space<vmem>>) dst(%dma_wait3A_333 : memref<8x128xf32, #tpu.memory_space<hbm>>)
    %dma_wait3A_338 = arith.constant 1 : i32
    %dma_wait3A_339 = arith.constant 7 : i32
    %dma_wait3A_340 = arith.constant 56 : i32
    %dma_wait3A_341 = arith.constant 0 : i32
    %dma_wait3A_342 = tpu.memref_slice %arg7[%dma_wait3A_338, %dma_wait3A_340, %dma_wait3A_341] : memref<2x64x129xf32, #tpu.memory_space<vmem>> -> memref<1x8x128xf32, #tpu.memory_space<vmem>>
    %dma_wait3A_343 = tpu.memref_squeeze %dma_wait3A_342 : memref<1x8x128xf32, #tpu.memory_space<vmem>> -> memref<8x128xf32, #tpu.memory_space<vmem>>
    %dma_wait3A_344 = arith.constant 0 : i32
    %dma_wait3A_345 = arith.constant 0 : i32
    %dma_wait3A_346 = tpu.memref_slice %arg4[%select_n3A_208, %dma_wait3A_339, %sub3A_211, %dma_wait3A_344, %dma_wait3A_345] : memref<200x8x32x8x128xf32, #tpu.memory_space<hbm>> -> memref<1x1x1x8x128xf32, #tpu.memory_space<hbm>>
    %dma_wait3A_347 = tpu.memref_squeeze %dma_wait3A_346 : memref<1x1x1x8x128xf32, #tpu.memory_space<hbm>> -> memref<8x128xf32, #tpu.memory_space<hbm>>
    %dma_wait3A_348 = arith.constant 0 : i32
    %dma_wait3A_349 = arith.constant 0 : i32
    %dma_wait3A_350 = tpu.memref_slice %arg4[%select_n3A_208, %dma_wait3A_339, %sub3A_211, %dma_wait3A_348, %dma_wait3A_349] : memref<200x8x32x8x128xf32, #tpu.memory_space<hbm>> -> memref<1x1x1x8x128xf32, #tpu.memory_space<hbm>>
    %dma_wait3A_351 = tpu.memref_squeeze %dma_wait3A_350 : memref<1x1x1x8x128xf32, #tpu.memory_space<hbm>> -> memref<8x128xf32, #tpu.memory_space<hbm>>
    %dma_wait3A_352 = arith.constant 56 : i32
    %dma_wait3A_353 = arith.constant 0 : i32
    %dma_wait3A_354 = tpu.memref_slice %arg7[%dma_wait3A_338, %dma_wait3A_352, %dma_wait3A_353] : memref<2x64x129xf32, #tpu.memory_space<vmem>> -> memref<1x8x128xf32, #tpu.memory_space<vmem>>
    %dma_wait3A_355 = tpu.memref_squeeze %dma_wait3A_354 : memref<1x8x128xf32, #tpu.memory_space<vmem>> -> memref<8x128xf32, #tpu.memory_space<vmem>>
    tpu.wait_dma2 semaphore(%arg9 : memref<!tpu.dma_semaphore, #tpu.memory_space<semaphore_mem>>) src(%dma_wait3A_355 : memref<8x128xf32, #tpu.memory_space<vmem>>) dst(%dma_wait3A_351 : memref<8x128xf32, #tpu.memory_space<hbm>>)
    return
  }
}

</mosaic_0001>

<sc_bundles>
// kernel: _emb.3.cloned.1.call-start
scs
__scs_entry_jumppad:
0x0: {  	(pc) =	sbr.rel $0x88, $3  }
0x1: {  	(tag) =	ssettag $0x0;
	lr =	simm.s32 $0x1  }
0x2: {  	[smem:$0x3F9F] =	sst lr;
	_ =	strace $0xD0000000  }
0x3: {  	_ = 	snop  }
0x4: {  	_ = 	snop  }
0x5: {  	_ = 	snop  }
0x6: {  	_ = 	snop  }
0x7: {  	_ = 	snop  }
__scs_overlays_trampoline_lowered:
0x8: {  	[smem:$0x3FAE] =	sst s0  }
0x9: {  	[smem:$0x3FAF] =	sst s1  }
0xa: {  	[smem:$0x3FB0] =	sst s2  }
0xb: {  	[smem:$0x3FB1] =	sst s3  }
0xc: {  	[smem:$0x3FB2] =	sst s4  }
0xd: {  	[smem:$0x3FB3] =	sst s5  }
0xe: {  	[smem:$0x3FB4] =	sst s6  }
0xf: {  	[smem:$0x3FB5] =	sst s7  }
0x10: {  	[smem:$0x3FB6] =	sst s8  }
0x11: {  	[smem:$0x3FB7] =	sst s9;
	s0 =	simm.s32 @!p0 $0x0  }
0x12: {  	s1 =	sld [smem:$0x3F9D];
	s0 =	simm.s32 @p0 $0x1  }
0x13: {  	[smem:$0x3FB8] =	sst s0;
	s0 =	simm.s32 @!p1 $0x0  }
0x14: {  	s2 =	sld [smem:$0x3F9C];
	s0 =	simm.s32 @p1 $0x1  }
0x15: {  	[smem:$0x3FB9] =	sst s0;
	s0 =	simm.s32 @!p2 $0x0  }
0x16: {  	s3 =	sld [smem:$0x3FDB];
	s0 =	simm.s32 @p2 $0x1  }
0x17: {  	s4 =	simm.s32 $0x1BF5;
	[smem:$0x3FBB] =	sst s0  }
0x18: {  	s0 =	sld [smem:$0x3F9E];
	_ =	swait.ge [sflag:s4], $0x0  }
0x19: {  	s7 =	sld [smem:$0x3F9F]  }
0x1a: {  	s8 =	sadd.s32 $0xFFFFE003, lr  }
0x1b: {  	s9 =	sadd.s32 $0xFFFFFEF7, lr;
	s5 =	simm.s32 $0xFFFFFFFF;
	p2 =	slt.u32 s8, $0xFFFFF086  }
0x1c: {  	p1 =	slt.u32 s9, $0xF7A;
	s5 =	simm.s32 @!p2 $0x0  }
0x1d: {  	s5 =	simm.s32 @p1 $0x1;
	p0 =	seq.s32 s7, s2  }
0x1e: {  	s7 =	smul.u32 @!p0 $0xF7A, s2;
	p2 =	seq.s32 @!p0 s5, $0x0  }
0x1f: {  	s9 =	smul.u32 $0xF7A, s1;
	s8 =	simm.s32 @!p0 $0x1BF5;
	p2 =	por !p2, p0  }
0x20: {  	[sflag:s8] =	ssyncset.s32 @!p0 $0xFFFFF086;
	s6 =	sadd.s32 @!p0 s3, s7;
	s7 =	simm.s32 @!p0 $0x108  }
0x21: {  	s3 =	sadd.s32 s3, s9;
	s6 =	sadd.s32 @!p0 $0x88, s6;
	s7 =	simm.s32 @p2 $0x1082  }
0x22: {  	[simem:s7], [sflag:s8] =	dma.local @!p0 [hbm:s6], $0xF7A  }
0x23: {  	s9 =	sor.u32 $0xD0000000, s2;
	s6 =	simm.s32 $0x108;
	_ =	swait.ge @!p0 [sflag:s8], $0x0  }
0x24: {  	s3 =	sadd.s32 $0x88, s3;
	s6 =	simm.s32 @!p1 $0x1082;
	[sflag:s4] =	ssyncset.s32 $0xFFFFF086  }
0x25: {  	[simem:s6], [sflag:s4] =	dma.local [hbm:s3], $0xF7A  }
0x26: {  	[smem:$0x3F9F] =	sst s1;
	(tag) =	ssettag s2;
	_ =	strace s9  }
0x27: {  	s1 =	sld [smem:$0x3FAF]  }
0x28: {  	s2 =	sld [smem:$0x3FB0]  }
0x29: {  	s4 =	sld [smem:$0x3FB2]  }
0x2a: {  	p0 =	seq.s32 s5, $0x0;
	s5 =	sld [smem:$0x3FB3]  }
0x2b: {  	s6 =	sld [smem:$0x3FB4]  }
0x2c: {  	s7 =	sld [smem:$0x3FB5]  }
0x2d: {  	s3 =	simm.s32 $0x108;
	s8 =	sld [smem:$0x3FB6]  }
0x2e: {  	s3 =	simm.s32 @!p0 $0x1082;
	s9 =	sld [smem:$0x3FB7]  }
0x2f: {  	lr =	sadd.s32 s0, s3;
	s0 =	sld [smem:$0x3FAE]  }
0x30: {  	s3 =	sld [smem:$0x3FB1]  }
0x31: {  	[smem:$0x3FBA] =	sst s10  }
0x32: {  	s10 =	sld [smem:$0x3FB8];
	_ =	sdelay $0x3  }
0x33: {  	p0 =	seq.s32 s10, $0x1;
	s10 =	sld [smem:$0x3FBA];
	_ =	sdelay $0x3  }
0x34: {  	[smem:$0x3FBA] =	sst s10  }
0x35: {  	s10 =	sld [smem:$0x3FB9];
	_ =	sdelay $0x3  }
0x36: {  	p1 =	seq.s32 s10, $0x1;
	s10 =	sld [smem:$0x3FBA];
	_ =	sdelay $0x3  }
0x37: {  	[smem:$0x3FBA] =	sst s10  }
0x38: {  	s10 =	sld [smem:$0x3FBB]  }
0x39: {  	_ = 	snop;
	(pc) =	sbr.ind lr, $3  }
0x3a: {  	_ = 	snop  }
0x3b: {  	_ = 	snop  }
0x3c: {  	p2 =	seq.s32 s10, $0x1;
	s10 =	sld [smem:$0x3FBA]  }
0x3d: {  	_ =	shalt  }
0x3e: {  	_ =	shalt  }
0x3f: {  	_ =	shalt  }
0x40: {  	_ =	shalt  }
0x41: {  	_ =	shalt  }
0x42: {  	_ =	shalt  }
0x43: {  	_ =	shalt  }
0x44: {  	_ =	shalt  }
0x45: {  	_ =	shalt  }
0x46: {  	_ =	shalt  }
0x47: {  	_ =	shalt  }
0x48: {  	_ =	shalt  }
0x49: {  	_ =	shalt  }
0x4a: {  	_ =	shalt  }
0x4b: {  	_ =	shalt  }
0x4c: {  	_ =	shalt  }
0x4d: {  	_ =	shalt  }
0x4e: {  	_ =	shalt  }
0x4f: {  	_ =	shalt  }
0x50: {  	_ =	shalt  }
0x51: {  	_ =	shalt  }
0x52: {  	_ =	shalt  }
0x53: {  	_ =	shalt  }
0x54: {  	_ =	shalt  }
0x55: {  	_ =	shalt  }
0x56: {  	_ =	shalt  }
0x57: {  	_ =	shalt  }
0x58: {  	_ =	shalt  }
0x59: {  	_ =	shalt  }
0x5a: {  	_ =	shalt  }
0x5b: {  	_ =	shalt  }
0x5c: {  	_ =	shalt  }
0x5d: {  	_ =	shalt  }
0x5e: {  	_ =	shalt  }
0x5f: {  	_ =	shalt  }
0x60: {  	_ =	shalt  }
0x61: {  	_ =	shalt  }
0x62: {  	_ =	shalt  }
0x63: {  	_ =	shalt  }
0x64: {  	_ =	shalt  }
0x65: {  	_ =	shalt  }
0x66: {  	_ =	shalt  }
0x67: {  	_ =	shalt  }
0x68: {  	_ =	shalt  }
0x69: {  	_ =	shalt  }
0x6a: {  	_ =	shalt  }
0x6b: {  	_ =	shalt  }
0x6c: {  	_ =	shalt  }
0x6d: {  	_ =	shalt  }
0x6e: {  	_ =	shalt  }
0x6f: {  	_ =	shalt  }
0x70: {  	_ =	shalt  }
0x71: {  	_ =	shalt  }
0x72: {  	_ =	shalt  }
0x73: {  	_ =	shalt  }
0x74: {  	_ =	shalt  }
0x75: {  	_ =	shalt  }
0x76: {  	_ =	shalt  }
0x77: {  	_ =	shalt  }
0x78: {  	_ =	shalt  }
0x79: {  	_ =	shalt  }
0x7a: {  	_ =	shalt  }
0x7b: {  	_ =	shalt  }
0x7c: {  	_ =	shalt  }
0x7d: {  	_ =	shalt  }
0x7e: {  	_ =	shalt  }
0x7f: {  	_ =	shalt  }
0x80: {  	_ =	shalt  }
0x81: {  	_ =	shalt  }
0x82: {  	_ =	shalt  }
0x83: {  	_ =	shalt  }
0x84: {  	_ =	shalt  }
0x85: {  	_ =	shalt  }
0x86: {  	_ =	shalt  }
0x87: {  	_ =	shalt  }
.Lfunc_end0:
.L_simem_size_0:
called_computation_lowered:
.L_overlay_start_0:
0x88: {  	s2 =	sld [smem:$0x3FD9]  }
0x89: {  	s3 =	sld [smem:$0x3FFE];
	_ =	sdelay $0x1  }
0x8a: {  	s1 =	srdreg.scid  }
0x8b: {  	s0 =	sand.u32 $0x1, s1  }
0x8c: {  	s17 =	sshll.u32 s0, $0xA;
	s2 =	sadd.s32 s3, s2  }
0x8d: {  	s2 =	sadd.s32 s2, s17  }
0x8e: {  	[smem:$0x3FC6] =	sst s2  }
0x8f: {  	_ = 	snop  }
0x90: {  	s2 =	sld [smem:$0x3FC9]  }
0x91: {  	s18 =	sld [smem:$0x3FD0];
	(tm) =	ssettm $0x1  }
0x92: {  	s4 =	sld [smem:$0x3FFB];
	_ =	sdelay $0x3  }
0x93: {  	_ =	strace s4  }
0x94: {  	s4 =	sld [smem:$0x3FFC];
	_ =	sdelay $0x3  }
0x95: {  	_ =	strace s4  }
0x96: {  	s4 =	sld [smem:$0x3FFD];
	_ =	sdelay $0x3  }
0x97: {  	_ =	strace s4  }
0x98: {  	_ =	strace $0x8FFFFFFF  }
0x99: {  	s19 =	sld [smem:$0x3FDB];
	_ =	sdelay $0x1  }
0x9a: {  	s5 =	simm.s32 $_scs_section_size  }
0x9b: {  	s6 =	simm.s32 $_size__tile_overlayer_lowered;
	s7 =	simm.s32 $_tile_overlayer_lowered  }
0x9c: {  	s22 =	simm.s32 $0x1BFF;
	s21 =	sshll.u32 s7, $0x1;
	s4 =	sadd.s32 s5, s19  }
0x9d: {  	s8 =	simm.s32 $0x0;
	s20 =	sshll.u32 s6, $0x1;
	s6 =	sadd.s32 s21, s4  }
0x9e: {  	[timem:s8], [sflag:s22] =	dma.local [hbm:s6], s20  }
0x9f: {  	_ =	swait.ge [sflag:s22], s20  }
0xa0: {  	s5 =	ssub.s32 $0x0, s20;
	[sflag:s22] =	ssyncset.done $0x0  }
0xa1: {  	[sflag:s22] =	ssyncadd.s32 s5;
	_ =	sdelay $0x1  }
0xa2: {  	s23 =	simm.s32 $0x1B8B  }
0xa3: {  	_ =	swait.ge [sflag:s23], $0x1  }
0xa4: {  	[sflag:s23] =	ssyncset.done $0x0  }
0xa5: {  	s25 =	simm.s32 $0x1B8E;
	s24 =	sld [smem:$0x3FFE];
	[sflag:s23] =	ssyncadd.s32 $0xFFFFFFFF  }
0xa6: {  	s26 =	simm.s32 $execute0_lowered;
	[smem:$0x3FD2] =	sst s25  }
0xa7: {  	s6 =	sshll.u32 s26, $0x1;
	_ =	strace $0x80000046;
	[dreg:$0x1] =	wrdreg $0xFFFFFFFF  }
0xa8: {  	s28 =	simm.s32 $_size_execute0_lowered;
	s4 =	sadd.s32 s4, s6;
	[dreg:$0x0] =	wrdreg $0x0  }
0xa9: {  	s6 =	sshll.u32 s28, $0x1;
	[dreg:$0x2] =	wrdreg s4  }
0xaa: {  	[dreg:$0x3] =	wrdreg s6  }
0xab: {  	[dreg:$0x4] =	wrdreg $0xC0  }
0xac: {  	_ =	task [dreg:s8], $0x5FFFF  }
0xad: {  	[dreg:$0x1] =	wrdreg $0xFFFFFFFF  }
0xae: {  	[dreg:$0x0] =	wrdreg $0x60  }
0xaf: {  	[dreg:$0x2] =	wrdreg s2  }
0xb0: {  	[dreg:$0x3] =	wrdreg s24  }
0xb1: {  	[dreg:$0x4] =	wrdreg s18  }
0xb2: {  	[dreg:$0x5] =	wrdreg $0x9  }
0xb3: {  	_ =	task.clear_ibuf [dreg:s8], $0x6FFFF;
	_ =	strace $0x90000046  }
0xb4: {  	s29 =	simm.s32 $0x9;
	_ =	strace $0x80000048  }
0xb5: {  	_ =	swait.ge [sflag:s29], $0x1  }
0xb6: {  	[sflag:s29] =	ssyncadd.s32 $0xFFFFFFFF  }
0xb7: {  	_ =	strace $0x90000048  }
0xb8: {  	_ =	sfence  }
0xb9: {  	s30 =	sld [smem:$0x0];
	_ =	sdelay $0x2  }
0xba: {  	s31 =	sshll.u32 s1, $0xD;
	s1 =	sshrl.u32 s1, $0x2  }
0xbb: {  	s3 =	sand.u32 $0x4000, s31;
	s1 =	sadd.s32 s1, s30  }
0xbc: {  	s0 =	sor.u32 s3, s0;
	s1 =	sshll.u32 s1, $0x11  }
0xbd: {  	s0 =	sor.u32 s1, s0  }
0xbe: {  	s0 =	sadd.s32 $0x8F2B, s0  }
0xbf: {  	[sflag:s0] =	ssyncadd.remote.s32 $0x1  }
0xc0: {  	_ =	sfence.sel $0xFFFF  }
0xc1: {  	[dreg:$0x0] =	wrdreg $0xFFFFFFFF;
	(pc) =	sbr.abs _section_cstart, $3  }
0xc2: {  	[dreg:$0x1] =	wrdreg $0xFFFFFFFF  }
0xc3: {  	_ =	task.clear_ibuf [dreg:s8], $0x2FFFF;
	_ =	strace $0x9FFFFFFF  }
0xc4: {  	(tm) =	ssettm $0x7FFFFFFF  }
0xc5: {  	_ =	shalt  }
tec
execute0_lowered:
.L_overlay_start_1:
0x0: {  	(tag) =	ssettag $0x1  }
0x1: {  	s0 =	rddreg [dreg:$0x0]  }
0x2: {  	s1 =	rddreg [dreg:$0x1]  }
0x3: {  	s2 =	rddreg [dreg:$0x2]  }
0x4: {  	s3 =	srdreg.scid;
	s5 =	stileid.u32  }
0x5: {  	s9 =	simm.s32 $0x80;
	s12 =	simm.s32 $0x1;
	s13 =	simm.s32 $0xA400  }
0x6: {  	s30 =	simm.s32 $0x2;
	s31 =	simm.s32 $0xC600;
	s10 =	simm.s32 $0xE090  }
0x7: {  	s11 =	simm.s32 $0xE118;
	s14 =	simm.s32 $0xE1A0;
	s15 =	simm.s32 $0xE228  }
0x8: {  	s16 =	simm.s32 $0xE2B0;
	s17 =	simm.s32 $0xE338;
	s18 =	simm.s32 $0xE3C0  }
0x9: {  	s19 =	simm.s32 $0xE448;
	s20 =	simm.s32 $0xE4D0;
	s21 =	simm.s32 $0xE558  }
0xa: {  	s22 =	simm.s32 $0xE5E0;
	s4 =	sand.u32 $0x1, s3;
	s5 =	sshll.u32 s5, $0x1  }
0xb: {  	s23 =	simm.s32 $0xE668;
	s24 =	simm.s32 $0xE6F0;
	s5 =	sor.u32 s4, s5  }
0xc: {  	s3 =	simm.s32 $0x0;
	s6 =	ssub.s32 $0x2, s4;
	s8 =	smul.u32 $0xC80, s5  }
0xd: {  	v0 =	vlaneseq.u32;
	s25 =	simm.s32 $0xE778;
	[smem:$0x7FF] =	sst s3;
	s7 =	sshrl.u32 s6, $0x1  }
0xe: {  	v0 =	vmul.u32 $0x88, v0;
	s4 =	sadd.s32 $0xF42800, s1;
	s28 =	ssub.s32 s6, s7;
	s0 =	sadd.s32 s0, s8  }
0xf: {  	_ =	strace $0x80000047;
	s29 =	smax.u32 s28, $0x1;
	[dreg:$0x4] =	wrdreg s0  }
0x10: {  	s1 =	simm.s32 $0x0;
	s5 =	smul.u32 $0xC8, s5;
	v1 =	vadd.s32 $0x880, v0;
	v2 =	vadd.s32 $0x1100, v0;
	v3 =	vadd.s32 $0x1980, v0;
	[dreg:$0x5] =	wrdreg s29  }
.LBB2_1:
0x11: {  	[dreg:$0x6] =	wrdreg s1  }
0x12: {  	s0 =	rddreg [dreg:$0x4];
	s28 =	simm.s32 $0x3  }
0x13: {  	[tilespmem:s3], [sflag:$0x3] =	stream.linear.gather [hbm4b:s0+s3], $0x6400, $0x38;
	[tilespmem:$0xE800] =	vst v63  }
0x14: {  	_ =	swait.ge [sflag:s28], $0x6400  }
0x15: {  	[sflag:s28] =	ssyncset.done $0x0  }
0x16: {  	s29 =	simm.s32 $0x6400;
	s26 =	simm.s32 $0x0;
	[sflag:s28] =	ssyncadd.s32 $0xFFFF9C00  }
0x17: {  	[tilespmem:s29], [sflag:$0x1] =	stream.indirect.gather [hbm4b:s4+s9], $0x40, s3, s9, $0xb8;
	[tilespmem:$0xE800] =	vst v63  }
.LBB2_2:
0x18: {  	s28 =	sshllo.u32 s26, $0x1  }
0x19: {  	s0 =	sshll.u32 s28, $0x7  }
0x1a: {  	s1 =	simm.s32 $0x8400;
	s0 =	sand.u32 $0x3FFFFF80, s0  }
0x1b: {  	[tilespmem:s1], [sflag:$0x1] =	stream.indirect.gather [hbm4b:s4+s9], $0x40, s0, s9, $0xb8;
	[tilespmem:$0xE800] =	vst v63  }
0x1c: {  	_ =	swait.ge [sflag:s12], $0x2000  }
0x1d: {  	p0 =	seq.s32 s26, $0x0;
	[sflag:s12] =	ssyncset.done $0x0  }
0x1e: {  	s0 =	simm.s32 @!p0 $0x2;
	[sflag:s12] =	ssyncadd.s32 $0xFFFFE000  }
0x1f: {  	_ =	swait.ge @!p0 [sflag:s0], $0x400  }
0x20: {  	[sflag:s0] =	ssyncset.done @!p0 $0x0  }
0x21: {  	[sflag:s0] =	ssyncadd.s32 @!p0 $0xFFFFFC00  }
0x22: {  	_ =	swait.ge @!p0 [sflag:s0], $0x400  }
0x23: {  	[sflag:s0] =	ssyncset.done @!p0 $0x0  }
0x24: {  	[sflag:s0] =	ssyncadd.s32 @!p0 $0xFFFFFC00  }
0x25: {  	_ =	swait.ge @!p0 [sflag:s0], $0x400  }
0x26: {  	[sflag:s0] =	ssyncset.done @!p0 $0x0  }
0x27: {  	[sflag:s0] =	ssyncadd.s32 @!p0 $0xFFFFFC00  }
0x28: {  	_ =	swait.ge @!p0 [sflag:s0], $0x400  }
0x29: {  	[sflag:s0] =	ssyncset.done @!p0 $0x0  }
0x2a: {  	[sflag:s0] =	ssyncadd.s32 @!p0 $0xFFFFFC00  }
0x2b: {  	_ =	swait.ge @!p0 [sflag:s0], $0x400  }
0x2c: {  	[sflag:s0] =	ssyncset.done @!p0 $0x0  }
0x2d: {  	[sflag:s0] =	ssyncadd.s32 @!p0 $0xFFFFFC00  }
0x2e: {  	_ =	swait.ge @!p0 [sflag:s0], $0x400  }
0x2f: {  	[sflag:s0] =	ssyncset.done @!p0 $0x0  }
0x30: {  	[sflag:s0] =	ssyncadd.s32 @!p0 $0xFFFFFC00  }
0x31: {  	_ =	swait.ge @!p0 [sflag:s0], $0x400  }
0x32: {  	[sflag:s0] =	ssyncset.done @!p0 $0x0  }
0x33: {  	[sflag:s0] =	ssyncadd.s32 @!p0 $0xFFFFFC00  }
0x34: {  	_ =	swait.ge @!p0 [sflag:s0], $0x400  }
0x35: {  	[sflag:s0] =	ssyncset.done @!p0 $0x0  }
0x36: {  	s6 =	simm.s32 $0x3;
	[sflag:s0] =	ssyncadd.s32 @!p0 $0xFFFFFC00;
	s0 =	simm.s32 $0x6480  }
0x37: {  	v4 =	vmov s6;
	v5 =	vld [tilespmem:s0+$0x40]  }
0x38: {  	v9 =	vand.u32 $0x7F, v4  }
0x39: {  	s7 =	simm.s32 $0x0;
	v4 =	vadd.s32 v0, v9  }
0x3a: {  	s8 =	simm.s32 $0x1;
	v6 =	vmov s7;
	s6 =	simm.s32 $0x2;
	v7 =	vld [tilespmem:s0+$0xFFFFFF80]  }
0x3b: {  	v8 =	vand.u32 $0x7C, v6;
	v6 =	vmov s8;
	v11 =	vmov s6;
	v10 =	vld [tilespmem:s0+$0xFFFFFFC0]  }
0x3c: {  	v12 =	vadd.s32 v0, v8;
	v15 =	vand.u32 $0x7D, v6;
	v6 =	vld [tilespmem:s0+$0x0];
	v5 =	vmul.f32 $8.000000000e+00, v5  }
0x3d: {  	v17 =	vand.u32 $0x7E, v11;
	v13 =	vadd.s32 v0, v15  }
0x3e: {  	v11 =	vadd.s32 v0, v17;
	[tilespmem:v4+s13+$0x0] =	vst.idx.msk $0xffff, v5  }
0x3f: {  	v4 =	vmul.f32 $8.000000000e+00, v7;
	v5 =	vld [tilespmem:s0+$0x50]  }
0x40: {  	v7 =	vmul.f32 $8.000000000e+00, v10  }
0x41: {  	[tilespmem:v12+s13+$0x0] =	vst.idx.msk $0xffff, v4;
	v4 =	vmul.f32 $8.000000000e+00, v6;
	v6 =	vadd.s32 v1, v9  }
0x42: {  	[tilespmem:v13+s13+$0x0] =	vst.idx.msk $0xffff, v7;
	v10 =	vld [tilespmem:s0+$0xFFFFFF90]  }
0x43: {  	v7 =	vld [tilespmem:s0+$0xFFFFFFD0];
	[tilespmem:v11+s13+$0x0] =	vst.idx.msk $0xffff, v4  }
0x44: {  	v11 =	vld [tilespmem:s0+$0x10];
	v4 =	vmul.f32 $8.000000000e+00, v5  }
0x45: {  	s29 =	simm.s32 $0x6580;
	s7 =	simm.s32 $0x4;
	s8 =	simm.s32 $0x7;
	v12 =	vadd.s32 v1, v15  }
0x46: {  	v14 =	vld [tilespmem:s29+$0x40];
	v13 =	vadd.s32 v1, v17;
	v5 =	vmov s7;
	[tilespmem:v6+s13+$0x0] =	vst.idx.msk $0xffff, v4;
	v6 =	vmov s8  }
0x47: {  	v16 =	vadd.s32 v1, v8;
	v4 =	vand.u32 $0x7C, v5;
	v5 =	vand.u32 $0x7F, v6;
	v18 =	vld [tilespmem:s0+$0x60]  }
0x48: {  	v22 =	vadd.s32 v2, v9;
	v19 =	vld [tilespmem:s29+$0xFFFFFF80];
	s7 =	simm.s32 $0x5;
	v6 =	vmul.f32 $8.000000000e+00, v7;
	v20 =	vadd.s32 v0, v5  }
0x49: {  	v21 =	vld [tilespmem:s29+$0xFFFFFFC0];
	v10 =	vmul.f32 $8.000000000e+00, v10;
	s8 =	simm.s32 $0x6;
	v7 =	vmul.f32 $8.000000000e+00, v11;
	v11 =	vmov s7  }
0x4a: {  	v23 =	vadd.s32 v0, v4;
	[tilespmem:v12+s13+$0x0] =	vst.idx.msk $0xffff, v6;
	v12 =	vmov s8;
	v6 =	vand.u32 $0x7D, v11;
	v11 =	vld [tilespmem:s29+$0x0]  }
0x4b: {  	[tilespmem:v13+s13+$0x0] =	vst.idx.msk $0xffff, v7;
	v13 =	vadd.s32 v0, v6;
	v7 =	vand.u32 $0x7E, v12;
	v12 =	vmul.f32 $8.000000000e+00, v14;
	v14 =	vld [tilespmem:s0+$0xFFFFFFE0]  }
0x4c: {  	[tilespmem:v16+s13+$0x0] =	vst.idx.msk $0xffff, v10;
	v10 =	vadd.s32 v0, v7;
	v16 =	vld [tilespmem:s0+$0x20];
	v18 =	vmul.f32 $8.000000000e+00, v18  }
0x4d: {  	v19 =	vmul.f32 $8.000000000e+00, v19;
	[tilespmem:v20+s13+$0x0] =	vst.idx.msk $0xffff, v12;
	v12 =	vld [tilespmem:s0+$0xFFFFFFA0];
	v20 =	vadd.s32 v2, v15  }
0x4e: {  	v25 =	vadd.s32 v2, v17;
	v21 =	vmul.f32 $8.000000000e+00, v21;
	v24 =	vld [tilespmem:s29+$0x50];
	[tilespmem:v22+s13+$0x0] =	vst.idx.msk $0xffff, v18  }
0x4f: {  	[tilespmem:v23+s13+$0x0] =	vst.idx.msk $0xffff, v19;
	v19 =	vadd.s32 v2, v8;
	v11 =	vmul.f32 $8.000000000e+00, v11;
	v22 =	vld [tilespmem:s0+$0x70]  }
0x50: {  	v23 =	vld [tilespmem:s29+$0xFFFFFF90];
	[tilespmem:v13+s13+$0x0] =	vst.idx.msk $0xffff, v21;
	v21 =	vadd.s32 v1, v5;
	v14 =	vmul.f32 $8.000000000e+00, v14  }
0x51: {  	v27 =	vadd.s32 v3, v9;
	v26 =	vld [tilespmem:s29+$0xFFFFFFD0];
	[tilespmem:v10+s13+$0x0] =	vst.idx.msk $0xffff, v11;
	v10 =	vmul.f32 $8.000000000e+00, v16  }
0x52: {  	v18 =	vadd.s32 v1, v4;
	v13 =	vld [tilespmem:s29+$0x10];
	v9 =	vmul.f32 $8.000000000e+00, v12;
	[tilespmem:v20+s13+$0x0] =	vst.idx.msk $0xffff, v14  }
0x53: {  	s6 =	simm.s32 $0x8;
	v16 =	vadd.s32 v1, v6;
	[tilespmem:v25+s13+$0x0] =	vst.idx.msk $0xffff, v10;
	v14 =	vmul.f32 $8.000000000e+00, v24;
	v12 =	vld [tilespmem:s0+$0xFFFFFFF0]  }
0x54: {  	v20 =	vmov s6;
	v10 =	vadd.s32 v1, v7;
	v11 =	vld [tilespmem:s0+$0x30];
	[tilespmem:v19+s13+$0x0] =	vst.idx.msk $0xffff, v9;
	v63 =	vmul.f32 $8.000000000e+00, v22  }
0x55: {  	s1 =	simm.s32 $0x6680;
	s7 =	simm.s32 $0xB;
	v15 =	vadd.s32 v3, v15;
	v9 =	vand.u32 $0x7C, v20;
	v20 =	vmul.f32 $8.000000000e+00, v23;
	[tilespmem:v21+s13+$0x0] =	vst.idx.msk $0xffff, v14;
	v14 =	vld [tilespmem:s0+$0xFFFFFFB0]  }
0x56: {  	v17 =	vadd.s32 v3, v17;
	v22 =	vmov s7;
	v19 =	vld [tilespmem:s1+$0x40];
	s7 =	simm.s32 $0xC;
	s0 =	sshll.u32 s26, $0x1;
	v21 =	vmul.f32 $8.000000000e+00, v26;
	[tilespmem:v27+s13+$0x0] =	vst.idx.msk $0xffff, v63  }
.LBB2_3:
0x57: {  	p1 =	slt.u32 s7, $0x7C;
	s8 =	sadd.s32 $0x1, s6;
	v22 =	vand.u32 $0x7F, v22;
	[tilespmem:v18+s13+$0x0] =	vst.idx.msk $0xffff, v20;
	v13 =	vmul.f32 $8.000000000e+00, v13;
	v18 =	vld [tilespmem:s29+$0x60];
	v20 =	vadd.s32 v3, v8;
	v8 =	vmovc v4  }
0x58: {  	v4 =	vmovc v9;
	v23 =	vld [tilespmem:s1+$0xFFFFFF80];
	v24 =	vmov s8;
	s8 =	sadd.s32 $0x2, s6;
	v25 =	vadd.s32 v0, v22;
	[tilespmem:v16+s13+$0x0] =	vst.idx.msk $0xffff, v21;
	v12 =	vmul.f32 $8.000000000e+00, v12;
	s6 =	smov.u32 s7  }
0x59: {  	v9 =	vld [tilespmem:s1+$0xFFFFFFC0];
	v16 =	vmov s8;
	[tilespmem:v10+s13+$0x0] =	vst.idx.msk $0xffff, v13;
	v10 =	vadd.s32 v2, v5;
	v11 =	vmul.f32 $8.000000000e+00, v11  }
0x5a: {  	v13 =	vadd.s32 v0, v4;
	v21 =	vand.u32 $0x7D, v24;
	v24 =	vld [tilespmem:s1+$0x0];
	v14 =	vmul.f32 $8.000000000e+00, v14;
	[tilespmem:v15+s13+$0x0] =	vst.idx.msk $0xffff, v12  }
0x5b: {  	v12 =	vadd.s32 v0, v21;
	v26 =	vand.u32 $0x7E, v16;
	v15 =	vmul.f32 $8.000000000e+00, v19;
	v16 =	vld [tilespmem:s29+$0xFFFFFFE0];
	[tilespmem:v17+s13+$0x0] =	vst.idx.msk $0xffff, v11  }
0x5c: {  	v11 =	vadd.s32 v0, v26;
	v17 =	vld [tilespmem:s29+$0x20];
	v18 =	vmul.f32 $8.000000000e+00, v18;
	[tilespmem:v20+s13+$0x0] =	vst.idx.msk $0xffff, v14  }
0x5d: {  	v19 =	vadd.s32 v2, v6;
	v14 =	vmul.f32 $8.000000000e+00, v23;
	[tilespmem:v25+s13+$0x0] =	vst.idx.msk $0xffff, v15;
	v15 =	vld [tilespmem:s29+$0xFFFFFFA0]  }
0x5e: {  	v23 =	vadd.s32 v2, v7;
	v9 =	vmul.f32 $8.000000000e+00, v9;
	v20 =	vld [tilespmem:s1+$0x50];
	[tilespmem:v10+s13+$0x0] =	vst.idx.msk $0xffff, v18  }
0x5f: {  	[tilespmem:v13+s13+$0x0] =	vst.idx.msk $0xffff, v14;
	v10 =	vmul.f32 $8.000000000e+00, v24;
	v14 =	vadd.s32 v2, v8;
	v24 =	vld [tilespmem:s29+$0x70]  }
0x60: {  	v27 =	vadd.s32 v1, v22;
	v25 =	vld [tilespmem:s1+$0xFFFFFF90];
	[tilespmem:v12+s13+$0x0] =	vst.idx.msk $0xffff, v9;
	v9 =	vmul.f32 $8.000000000e+00, v16  }
0x61: {  	v29 =	vadd.s32 v3, v5;
	v5 =	vmov v22;
	v28 =	vld [tilespmem:s1+$0xFFFFFFD0];
	[tilespmem:v11+s13+$0x0] =	vst.idx.msk $0xffff, v10;
	v10 =	vmul.f32 $8.000000000e+00, v17  }
.Ltmp0:
0x62: {  	v18 =	vadd.s32 v1, v4;
	v13 =	vld [tilespmem:s1+$0x10];
	v11 =	vmul.f32 $8.000000000e+00, v15;
	[tilespmem:v19+s13+$0x0] =	vst.idx.msk $0xffff, v9;
	(pc) =	sbr.rel @p1 .LBB2_3-.Ltmp0, $4  }
0x63: {  	v16 =	vadd.s32 v1, v21;
	v15 =	vmul.f32 $8.000000000e+00, v20;
	v12 =	vld [tilespmem:s29+$0xFFFFFFF0];
	[tilespmem:v23+s13+$0x0] =	vst.idx.msk $0xffff, v10  }
0x64: {  	v9 =	vmov s7;
	v10 =	vadd.s32 v1, v26;
	[tilespmem:v14+s13+$0x0] =	vst.idx.msk $0xffff, v11;
	v11 =	vld [tilespmem:s29+$0x30];
	v23 =	vmul.f32 $8.000000000e+00, v24  }
0x65: {  	s8 =	sadd.s32 $0x3, s7;
	v9 =	vand.u32 $0x7C, v9;
	v20 =	vmul.f32 $8.000000000e+00, v25;
	[tilespmem:v27+s13+$0x0] =	vst.idx.msk $0xffff, v15;
	v14 =	vld [tilespmem:s29+$0xFFFFFFB0];
	v15 =	vadd.s32 v3, v6;
	v6 =	vmovc v21;
	s29 =	smov.u32 s1;
	s1 =	sadd.s32 $0x100, s1  }
0x66: {  	v22 =	vmov s8;
	v17 =	vadd.s32 v3, v7;
	v7 =	vmovc v26;
	s7 =	sadd.s32 $0x4, s7;
	v19 =	vld [tilespmem:s1+$0x40];
	v21 =	vmul.f32 $8.000000000e+00, v28;
	[tilespmem:v29+s13+$0x0] =	vst.idx.msk $0xffff, v23  }
0x67: {  	s7 =	sadd.s32 $0x1, s6;
	v22 =	vand.u32 $0x7F, v22;
	v28 =	vld [tilespmem:s1+$0xFFFFFF80]  }
0x68: {  	s8 =	sadd.s32 $0x2, s6;
	v24 =	vld [tilespmem:s1+$0xFFFFFFC0];
	v23 =	vmov s7;
	v26 =	vadd.s32 v0, v22  }
0x69: {  	v27 =	vld [tilespmem:s1+$0x0];
	v51 =	vadd.s32 v0, v9;
	v25 =	vmov s8;
	v23 =	vand.u32 $0x7D, v23  }
0x6a: {  	v25 =	vand.u32 $0x7E, v25;
	v29 =	vadd.s32 v0, v23  }
0x6b: {  	[tilespmem:v18+s13+$0x0] =	vst.idx.msk $0xffff, v20;
	v30 =	vadd.s32 v0, v25;
	v19 =	vmul.f32 $8.000000000e+00, v19  }
0x6c: {  	[tilespmem:v16+s13+$0x0] =	vst.idx.msk $0xffff, v21;
	v54 =	vmul.f32 $8.000000000e+00, v28  }
0x6d: {  	v52 =	vmul.f32 $8.000000000e+00, v24;
	[tilespmem:v26+s13+$0x0] =	vst.idx.msk $0xffff, v19  }
0x6e: {  	v53 =	vmul.f32 $8.000000000e+00, v27;
	v55 =	vld [tilespmem:s1+$0x50];
	[tilespmem:v51+s13+$0x0] =	vst.idx.msk $0xffff, v54  }
0x6f: {  	v13 =	vmul.f32 $8.000000000e+00, v13;
	v8 =	vadd.s32 v3, v8;
	[tilespmem:v29+s13+$0x0] =	vst.idx.msk $0xffff, v52;
	v59 =	vld [tilespmem:s1+$0xFFFFFF90]  }
0x70: {  	v12 =	vmul.f32 $8.000000000e+00, v12;
	v57 =	vadd.s32 v1, v22;
	[tilespmem:v30+s13+$0x0] =	vst.idx.msk $0xffff, v53;
	v56 =	vld [tilespmem:s1+$0xFFFFFFD0]  }
0x71: {  	[tilespmem:v10+s13+$0x0] =	vst.idx.msk $0xffff, v13;
	v58 =	vmul.f32 $8.000000000e+00, v11;
	v28 =	vadd.s32 v1, v9;
	v19 =	vld [tilespmem:s1+$0x10]  }
0x72: {  	v61 =	vld [tilespmem:s29+$0x60];
	v60 =	vadd.s32 v1, v23;
	v14 =	vmul.f32 $8.000000000e+00, v14;
	[tilespmem:v15+s13+$0x0] =	vst.idx.msk $0xffff, v12  }
0x73: {  	v32 =	vld [tilespmem:s29+$0xFFFFFFA0];
	v62 =	vadd.s32 v1, v25;
	[tilespmem:v17+s13+$0x0] =	vst.idx.msk $0xffff, v58;
	v16 =	vmul.f32 $8.000000000e+00, v55  }
0x74: {  	[tilespmem:v8+s13+$0x0] =	vst.idx.msk $0xffff, v14;
	v29 =	vadd.s32 v2, v5;
	v30 =	vld [tilespmem:s29+$0x20];
	v11 =	vmul.f32 $8.000000000e+00, v59  }
0x75: {  	v38 =	vadd.s32 v2, v4;
	v63 =	vld [tilespmem:s29+$0xFFFFFFE0];
	v31 =	vmul.f32 $8.000000000e+00, v56;
	[tilespmem:v57+s13+$0x0] =	vst.idx.msk $0xffff, v16  }
0x76: {  	v35 =	vadd.s32 v2, v7;
	v34 =	vmul.f32 $8.000000000e+00, v19;
	v36 =	vld [tilespmem:s1+$0x60];
	[tilespmem:v28+s13+$0x0] =	vst.idx.msk $0xffff, v11  }
0x77: {  	v33 =	vadd.s32 v2, v6;
	v37 =	vmul.f32 $8.000000000e+00, v61;
	[tilespmem:v60+s13+$0x0] =	vst.idx.msk $0xffff, v31;
	v43 =	vld [tilespmem:s1+$0xFFFFFFA0]  }
0x78: {  	v40 =	vadd.s32 v2, v22;
	v14 =	vmul.f32 $8.000000000e+00, v32;
	[tilespmem:v62+s13+$0x0] =	vst.idx.msk $0xffff, v34;
	v39 =	vld [tilespmem:s1+$0xFFFFFFE0]  }
0x79: {  	v48 =	vadd.s32 v2, v9;
	[tilespmem:v29+s13+$0x0] =	vst.idx.msk $0xffff, v37;
	v42 =	vmul.f32 $8.000000000e+00, v30;
	v41 =	vld [tilespmem:s1+$0x20]  }
0x7a: {  	v44 =	vadd.s32 v2, v23;
	v15 =	vmul.f32 $8.000000000e+00, v63;
	[tilespmem:v38+s13+$0x0] =	vst.idx.msk $0xffff, v14;
	v45 =	vld [tilespmem:s29+$0x70]  }
0x7b: {  	v46 =	vadd.s32 v2, v25;
	v14 =	vld [tilespmem:s29+$0xFFFFFFB0];
	[tilespmem:v35+s13+$0x0] =	vst.idx.msk $0xffff, v42;
	v47 =	vmul.f32 $8.000000000e+00, v36  }
0x7c: {  	v5 =	vadd.s32 v3, v5;
	[tilespmem:v33+s13+$0x0] =	vst.idx.msk $0xffff, v15;
	v49 =	vld [tilespmem:s29+$0x30];
	v53 =	vmul.f32 $8.000000000e+00, v43  }
0x7d: {  	v4 =	vadd.s32 v3, v4;
	v21 =	vld [tilespmem:s29+$0xFFFFFFF0];
	v12 =	vmul.f32 $8.000000000e+00, v39;
	[tilespmem:v40+s13+$0x0] =	vst.idx.msk $0xffff, v47  }
0x7e: {  	v52 =	vadd.s32 v3, v7;
	v51 =	vmul.f32 $8.000000000e+00, v41;
	v10 =	vld [tilespmem:s1+$0x70];
	[tilespmem:v48+s13+$0x0] =	vst.idx.msk $0xffff, v53  }
0x7f: {  	v50 =	vadd.s32 v3, v6;
	v54 =	vmul.f32 $8.000000000e+00, v45;
	[tilespmem:v44+s13+$0x0] =	vst.idx.msk $0xffff, v12;
	v59 =	vld [tilespmem:s1+$0xFFFFFFB0]  }
0x80: {  	v57 =	vadd.s32 v3, v22;
	v14 =	vmul.f32 $8.000000000e+00, v14;
	[tilespmem:v46+s13+$0x0] =	vst.idx.msk $0xffff, v51;
	v55 =	vld [tilespmem:s1+$0xFFFFFFF0]  }
0x81: {  	v62 =	vadd.s32 v3, v9;
	[tilespmem:v5+s13+$0x0] =	vst.idx.msk $0xffff, v54;
	v5 =	vmul.f32 $8.000000000e+00, v49;
	v58 =	vld [tilespmem:s1+$0x30]  }
0x82: {  	s0 =	sadd.s32 s5, s0;
	v56 =	vmul.f32 $8.000000000e+00, v21;
	v60 =	vadd.s32 v3, v23;
	[tilespmem:v4+s13+$0x0] =	vst.idx.msk $0xffff, v14  }
0x83: {  	s6 =	sshrl.u32 s0, $0x5;
	v61 =	vadd.s32 v3, v25;
	[tilespmem:v52+s13+$0x0] =	vst.idx.msk $0xffff, v5;
	v5 =	vmul.f32 $8.000000000e+00, v10  }
0x84: {  	s0 =	sshll.u32 s0, $0xA;
	s7 =	sshll.u32 s6, $0xF;
	[tilespmem:v50+s13+$0x0] =	vst.idx.msk $0xffff, v56;
	v63 =	vmul.f32 $8.000000000e+00, v59  }
0x85: {  	s0 =	ssub.s32 s0, s7;
	s1 =	sshll.u32 s6, $0x12;
	v4 =	vmul.f32 $8.000000000e+00, v55;
	[tilespmem:v57+s13+$0x0] =	vst.idx.msk $0xffff, v5  }
0x86: {  	s0 =	sadd.s32 s1, s0;
	v5 =	vmul.f32 $8.000000000e+00, v58;
	[tilespmem:v62+s13+$0x0] =	vst.idx.msk $0xffff, v63  }
0x87: {  	s1 =	sshrl.u32 s0, $0x3;
	[tilespmem:v60+s13+$0x0] =	vst.idx.msk $0xffff, v4  }
0x88: {  	s1 =	sadd.s32 s2, s1;
	[tilespmem:v61+s13+$0x0] =	vst.idx.msk $0xffff, v5  }
0x89: {  	[hbm4b:s1+s3] =	stream.linear.scatter [tilespmem:s13], [sflag:$0x2], $0x80, $0x38;
	[tilespmem:$0xE800] =	vst v63  }
0x8a: {  	s29 =	simm.s32 $0xA488;
	s8 =	sadd.s32 $0x10, s1  }
0x8b: {  	[hbm4b:s8+s3] =	stream.linear.scatter [tilespmem:s29], [sflag:$0x2], $0x80, $0x38;
	[tilespmem:$0xE800] =	vst v63  }
0x8c: {  	s8 =	sadd.s32 $0x20, s1;
	s29 =	simm.s32 $0xA510  }
0x8d: {  	[hbm4b:s8+s3] =	stream.linear.scatter [tilespmem:s29], [sflag:$0x2], $0x80, $0x38;
	[tilespmem:$0xE800] =	vst v63  }
0x8e: {  	s8 =	sadd.s32 $0x30, s1;
	s29 =	simm.s32 $0xA598  }
0x8f: {  	[hbm4b:s8+s3] =	stream.linear.scatter [tilespmem:s29], [sflag:$0x2], $0x80, $0x38;
	[tilespmem:$0xE800] =	vst v63  }
0x90: {  	s8 =	sadd.s32 $0x40, s1;
	s29 =	simm.s32 $0xA620  }
0x91: {  	[hbm4b:s8+s3] =	stream.linear.scatter [tilespmem:s29], [sflag:$0x2], $0x80, $0x38;
	[tilespmem:$0xE800] =	vst v63  }
0x92: {  	s8 =	sadd.s32 $0x50, s1;
	s29 =	simm.s32 $0xA6A8  }
0x93: {  	[hbm4b:s8+s3] =	stream.linear.scatter [tilespmem:s29], [sflag:$0x2], $0x80, $0x38;
	[tilespmem:$0xE800] =	vst v63  }
0x94: {  	s7 =	sadd.s32 $0x60, s1;
	s8 =	simm.s32 $0xA730  }
0x95: {  	[hbm4b:s7+s3] =	stream.linear.scatter [tilespmem:s8], [sflag:$0x2], $0x80, $0x38;
	[tilespmem:$0xE800] =	vst v63  }
0x96: {  	s6 =	sadd.s32 $0x8000, s0;
	s1 =	sadd.s32 $0x70, s1;
	s29 =	simm.s32 $0xA7B8  }
0x97: {  	[hbm4b:s1+s3] =	stream.linear.scatter [tilespmem:s29], [sflag:$0x2], $0x80, $0x38;
	[tilespmem:$0xE800] =	vst v63  }
0x98: {  	s1 =	sshrl.u32 s6, $0x3  }
0x99: {  	s7 =	simm.s32 $0xA840;
	s1 =	sadd.s32 s2, s1  }
0x9a: {  	[hbm4b:s1+s3] =	stream.linear.scatter [tilespmem:s7], [sflag:$0x2], $0x80, $0x38;
	[tilespmem:$0xE800] =	vst v63  }
0x9b: {  	s29 =	simm.s32 $0xA8C8;
	s8 =	sadd.s32 $0x10, s1  }
0x9c: {  	[hbm4b:s8+s3] =	stream.linear.scatter [tilespmem:s29], [sflag:$0x2], $0x80, $0x38;
	[tilespmem:$0xE800] =	vst v63  }
0x9d: {  	s8 =	sadd.s32 $0x20, s1;
	s29 =	simm.s32 $0xA950  }
0x9e: {  	[hbm4b:s8+s3] =	stream.linear.scatter [tilespmem:s29], [sflag:$0x2], $0x80, $0x38;
	[tilespmem:$0xE800] =	vst v63  }
0x9f: {  	s8 =	sadd.s32 $0x30, s1;
	s29 =	simm.s32 $0xA9D8  }
0xa0: {  	[hbm4b:s8+s3] =	stream.linear.scatter [tilespmem:s29], [sflag:$0x2], $0x80, $0x38;
	[tilespmem:$0xE800] =	vst v63  }
0xa1: {  	s8 =	sadd.s32 $0x40, s1;
	s29 =	simm.s32 $0xAA60  }
0xa2: {  	[hbm4b:s8+s3] =	stream.linear.scatter [tilespmem:s29], [sflag:$0x2], $0x80, $0x38;
	[tilespmem:$0xE800] =	vst v63  }
0xa3: {  	s8 =	sadd.s32 $0x50, s1;
	s29 =	simm.s32 $0xAAE8  }
0xa4: {  	[hbm4b:s8+s3] =	stream.linear.scatter [tilespmem:s29], [sflag:$0x2], $0x80, $0x38;
	[tilespmem:$0xE800] =	vst v63  }
0xa5: {  	s7 =	sadd.s32 $0x60, s1;
	s8 =	simm.s32 $0xAB70  }
0xa6: {  	[hbm4b:s7+s3] =	stream.linear.scatter [tilespmem:s8], [sflag:$0x2], $0x80, $0x38;
	[tilespmem:$0xE800] =	vst v63  }
0xa7: {  	s6 =	sadd.s32 $0x10000, s0;
	s1 =	sadd.s32 $0x70, s1;
	s29 =	simm.s32 $0xABF8  }
0xa8: {  	[hbm4b:s1+s3] =	stream.linear.scatter [tilespmem:s29], [sflag:$0x2], $0x80, $0x38;
	[tilespmem:$0xE800] =	vst v63  }
0xa9: {  	s1 =	sshrl.u32 s6, $0x3  }
0xaa: {  	s7 =	simm.s32 $0xAC80;
	s1 =	sadd.s32 s2, s1  }
0xab: {  	[hbm4b:s1+s3] =	stream.linear.scatter [tilespmem:s7], [sflag:$0x2], $0x80, $0x38;
	[tilespmem:$0xE800] =	vst v63  }
0xac: {  	s29 =	simm.s32 $0xAD08;
	s8 =	sadd.s32 $0x10, s1  }
0xad: {  	[hbm4b:s8+s3] =	stream.linear.scatter [tilespmem:s29], [sflag:$0x2], $0x80, $0x38;
	[tilespmem:$0xE800] =	vst v63  }
0xae: {  	s8 =	sadd.s32 $0x20, s1;
	s29 =	simm.s32 $0xAD90  }
0xaf: {  	[hbm4b:s8+s3] =	stream.linear.scatter [tilespmem:s29], [sflag:$0x2], $0x80, $0x38;
	[tilespmem:$0xE800] =	vst v63  }
0xb0: {  	s8 =	sadd.s32 $0x30, s1;
	s29 =	simm.s32 $0xAE18  }
0xb1: {  	[hbm4b:s8+s3] =	stream.linear.scatter [tilespmem:s29], [sflag:$0x2], $0x80, $0x38;
	[tilespmem:$0xE800] =	vst v63  }
0xb2: {  	s8 =	sadd.s32 $0x40, s1;
	s29 =	simm.s32 $0xAEA0  }
0xb3: {  	[hbm4b:s8+s3] =	stream.linear.scatter [tilespmem:s29], [sflag:$0x2], $0x80, $0x38;
	[tilespmem:$0xE800] =	vst v63  }
0xb4: {  	s8 =	sadd.s32 $0x50, s1;
	s29 =	simm.s32 $0xAF28  }
0xb5: {  	[hbm4b:s8+s3] =	stream.linear.scatter [tilespmem:s29], [sflag:$0x2], $0x80, $0x38;
	[tilespmem:$0xE800] =	vst v63  }
0xb6: {  	s7 =	sadd.s32 $0x60, s1;
	s8 =	simm.s32 $0xAFB0  }
0xb7: {  	[hbm4b:s7+s3] =	stream.linear.scatter [tilespmem:s8], [sflag:$0x2], $0x80, $0x38;
	[tilespmem:$0xE800] =	vst v63  }
0xb8: {  	s6 =	sadd.s32 $0x18000, s0;
	s1 =	sadd.s32 $0x70, s1;
	s29 =	simm.s32 $0xB038  }
0xb9: {  	[hbm4b:s1+s3] =	stream.linear.scatter [tilespmem:s29], [sflag:$0x2], $0x80, $0x38;
	[tilespmem:$0xE800] =	vst v63  }
0xba: {  	s1 =	sshrl.u32 s6, $0x3  }
0xbb: {  	s7 =	simm.s32 $0xB0C0;
	s1 =	sadd.s32 s2, s1  }
0xbc: {  	[hbm4b:s1+s3] =	stream.linear.scatter [tilespmem:s7], [sflag:$0x2], $0x80, $0x38;
	[tilespmem:$0xE800] =	vst v63  }
0xbd: {  	s29 =	simm.s32 $0xB148;
	s8 =	sadd.s32 $0x10, s1  }
0xbe: {  	[hbm4b:s8+s3] =	stream.linear.scatter [tilespmem:s29], [sflag:$0x2], $0x80, $0x38;
	[tilespmem:$0xE800] =	vst v63  }
0xbf: {  	s8 =	sadd.s32 $0x20, s1;
	s29 =	simm.s32 $0xB1D0  }
0xc0: {  	[hbm4b:s8+s3] =	stream.linear.scatter [tilespmem:s29], [sflag:$0x2], $0x80, $0x38;
	[tilespmem:$0xE800] =	vst v63  }
0xc1: {  	s8 =	sadd.s32 $0x30, s1;
	s29 =	simm.s32 $0xB258  }
0xc2: {  	[hbm4b:s8+s3] =	stream.linear.scatter [tilespmem:s29], [sflag:$0x2], $0x80, $0x38;
	[tilespmem:$0xE800] =	vst v63  }
0xc3: {  	s8 =	sadd.s32 $0x40, s1;
	s29 =	simm.s32 $0xB2E0  }
0xc4: {  	[hbm4b:s8+s3] =	stream.linear.scatter [tilespmem:s29], [sflag:$0x2], $0x80, $0x38;
	[tilespmem:$0xE800] =	vst v63  }
0xc5: {  	s8 =	sadd.s32 $0x50, s1;
	s29 =	simm.s32 $0xB368  }
0xc6: {  	[hbm4b:s8+s3] =	stream.linear.scatter [tilespmem:s29], [sflag:$0x2], $0x80, $0x38;
	[tilespmem:$0xE800] =	vst v63  }
0xc7: {  	s7 =	sadd.s32 $0x60, s1;
	s8 =	simm.s32 $0xB3F0  }
0xc8: {  	[hbm4b:s7+s3] =	stream.linear.scatter [tilespmem:s8], [sflag:$0x2], $0x80, $0x38;
	[tilespmem:$0xE800] =	vst v63  }
0xc9: {  	s6 =	sadd.s32 $0x20000, s0;
	s1 =	sadd.s32 $0x70, s1;
	s29 =	simm.s32 $0xB478  }
0xca: {  	[hbm4b:s1+s3] =	stream.linear.scatter [tilespmem:s29], [sflag:$0x2], $0x80, $0x38;
	[tilespmem:$0xE800] =	vst v63  }
0xcb: {  	s1 =	sshrl.u32 s6, $0x3  }
0xcc: {  	s7 =	simm.s32 $0xB500;
	s1 =	sadd.s32 s2, s1  }
0xcd: {  	[hbm4b:s1+s3] =	stream.linear.scatter [tilespmem:s7], [sflag:$0x2], $0x80, $0x38;
	[tilespmem:$0xE800] =	vst v63  }
0xce: {  	s29 =	simm.s32 $0xB588;
	s8 =	sadd.s32 $0x10, s1  }
0xcf: {  	[hbm4b:s8+s3] =	stream.linear.scatter [tilespmem:s29], [sflag:$0x2], $0x80, $0x38;
	[tilespmem:$0xE800] =	vst v63  }
0xd0: {  	s8 =	sadd.s32 $0x20, s1;
	s29 =	simm.s32 $0xB610  }
0xd1: {  	[hbm4b:s8+s3] =	stream.linear.scatter [tilespmem:s29], [sflag:$0x2], $0x80, $0x38;
	[tilespmem:$0xE800] =	vst v63  }
0xd2: {  	s8 =	sadd.s32 $0x30, s1;
	s29 =	simm.s32 $0xB698  }
0xd3: {  	[hbm4b:s8+s3] =	stream.linear.scatter [tilespmem:s29], [sflag:$0x2], $0x80, $0x38;
	[tilespmem:$0xE800] =	vst v63  }
0xd4: {  	s8 =	sadd.s32 $0x40, s1;
	s29 =	simm.s32 $0xB720  }
0xd5: {  	[hbm4b:s8+s3] =	stream.linear.scatter [tilespmem:s29], [sflag:$0x2], $0x80, $0x38;
	[tilespmem:$0xE800] =	vst v63  }
0xd6: {  	s8 =	sadd.s32 $0x50, s1;
	s29 =	simm.s32 $0xB7A8  }
0xd7: {  	[hbm4b:s8+s3] =	stream.linear.scatter [tilespmem:s29], [sflag:$0x2], $0x80, $0x38;
	[tilespmem:$0xE800] =	vst v63  }
0xd8: {  	s7 =	sadd.s32 $0x60, s1;
	s8 =	simm.s32 $0xB830  }
0xd9: {  	[hbm4b:s7+s3] =	stream.linear.scatter [tilespmem:s8], [sflag:$0x2], $0x80, $0x38;
	[tilespmem:$0xE800] =	vst v63  }
0xda: {  	s6 =	sadd.s32 $0x28000, s0;
	s1 =	sadd.s32 $0x70, s1;
	s29 =	simm.s32 $0xB8B8  }
0xdb: {  	[hbm4b:s1+s3] =	stream.linear.scatter [tilespmem:s29], [sflag:$0x2], $0x80, $0x38;
	[tilespmem:$0xE800] =	vst v63  }
0xdc: {  	s1 =	sshrl.u32 s6, $0x3  }
0xdd: {  	s7 =	simm.s32 $0xB940;
	s1 =	sadd.s32 s2, s1  }
0xde: {  	[hbm4b:s1+s3] =	stream.linear.scatter [tilespmem:s7], [sflag:$0x2], $0x80, $0x38;
	[tilespmem:$0xE800] =	vst v63  }
0xdf: {  	s29 =	simm.s32 $0xB9C8;
	s8 =	sadd.s32 $0x10, s1  }
0xe0: {  	[hbm4b:s8+s3] =	stream.linear.scatter [tilespmem:s29], [sflag:$0x2], $0x80, $0x38;
	[tilespmem:$0xE800] =	vst v63  }
0xe1: {  	s8 =	sadd.s32 $0x20, s1;
	s29 =	simm.s32 $0xBA50  }
0xe2: {  	[hbm4b:s8+s3] =	stream.linear.scatter [tilespmem:s29], [sflag:$0x2], $0x80, $0x38;
	[tilespmem:$0xE800] =	vst v63  }
0xe3: {  	s8 =	sadd.s32 $0x30, s1;
	s29 =	simm.s32 $0xBAD8  }
0xe4: {  	[hbm4b:s8+s3] =	stream.linear.scatter [tilespmem:s29], [sflag:$0x2], $0x80, $0x38;
	[tilespmem:$0xE800] =	vst v63  }
0xe5: {  	s8 =	sadd.s32 $0x40, s1;
	s29 =	simm.s32 $0xBB60  }
0xe6: {  	[hbm4b:s8+s3] =	stream.linear.scatter [tilespmem:s29], [sflag:$0x2], $0x80, $0x38;
	[tilespmem:$0xE800] =	vst v63  }
0xe7: {  	s8 =	sadd.s32 $0x50, s1;
	s29 =	simm.s32 $0xBBE8  }
0xe8: {  	[hbm4b:s8+s3] =	stream.linear.scatter [tilespmem:s29], [sflag:$0x2], $0x80, $0x38;
	[tilespmem:$0xE800] =	vst v63  }
0xe9: {  	s7 =	sadd.s32 $0x60, s1;
	s8 =	simm.s32 $0xBC70  }
0xea: {  	[hbm4b:s7+s3] =	stream.linear.scatter [tilespmem:s8], [sflag:$0x2], $0x80, $0x38;
	[tilespmem:$0xE800] =	vst v63  }
0xeb: {  	s6 =	sadd.s32 $0x30000, s0;
	s1 =	sadd.s32 $0x70, s1;
	s29 =	simm.s32 $0xBCF8  }
0xec: {  	[hbm4b:s1+s3] =	stream.linear.scatter [tilespmem:s29], [sflag:$0x2], $0x80, $0x38;
	[tilespmem:$0xE800] =	vst v63  }
0xed: {  	s1 =	sshrl.u32 s6, $0x3  }
0xee: {  	s7 =	simm.s32 $0xBD80;
	s1 =	sadd.s32 s2, s1  }
0xef: {  	[hbm4b:s1+s3] =	stream.linear.scatter [tilespmem:s7], [sflag:$0x2], $0x80, $0x38;
	[tilespmem:$0xE800] =	vst v63  }
0xf0: {  	s29 =	simm.s32 $0xBE08;
	s8 =	sadd.s32 $0x10, s1  }
0xf1: {  	[hbm4b:s8+s3] =	stream.linear.scatter [tilespmem:s29], [sflag:$0x2], $0x80, $0x38;
	[tilespmem:$0xE800] =	vst v63  }
0xf2: {  	s8 =	sadd.s32 $0x20, s1;
	s29 =	simm.s32 $0xBE90  }
0xf3: {  	[hbm4b:s8+s3] =	stream.linear.scatter [tilespmem:s29], [sflag:$0x2], $0x80, $0x38;
	[tilespmem:$0xE800] =	vst v63  }
0xf4: {  	s8 =	sadd.s32 $0x30, s1;
	s29 =	simm.s32 $0xBF18  }
0xf5: {  	[hbm4b:s8+s3] =	stream.linear.scatter [tilespmem:s29], [sflag:$0x2], $0x80, $0x38;
	[tilespmem:$0xE800] =	vst v63  }
0xf6: {  	s8 =	sadd.s32 $0x40, s1;
	s29 =	simm.s32 $0xBFA0  }
0xf7: {  	[hbm4b:s8+s3] =	stream.linear.scatter [tilespmem:s29], [sflag:$0x2], $0x80, $0x38;
	[tilespmem:$0xE800] =	vst v63  }
0xf8: {  	s8 =	sadd.s32 $0x50, s1;
	s29 =	simm.s32 $0xC028  }
0xf9: {  	[hbm4b:s8+s3] =	stream.linear.scatter [tilespmem:s29], [sflag:$0x2], $0x80, $0x38;
	[tilespmem:$0xE800] =	vst v63  }
0xfa: {  	s0 =	sadd.s32 $0x38000, s0;
	s7 =	sadd.s32 $0x60, s1;
	s8 =	simm.s32 $0xC0B0  }
0xfb: {  	[hbm4b:s7+s3] =	stream.linear.scatter [tilespmem:s8], [sflag:$0x2], $0x80, $0x38;
	[tilespmem:$0xE800] =	vst v63  }
0xfc: {  	s0 =	sshrl.u32 s0, $0x3;
	s1 =	sadd.s32 $0x70, s1;
	s29 =	simm.s32 $0xC138  }
0xfd: {  	[hbm4b:s1+s3] =	stream.linear.scatter [tilespmem:s29], [sflag:$0x2], $0x80, $0x38;
	[tilespmem:$0xE800] =	vst v63  }
0xfe: {  	s0 =	sadd.s32 s2, s0;
	s7 =	simm.s32 $0xC1C0  }
0xff: {  	[hbm4b:s0+s3] =	stream.linear.scatter [tilespmem:s7], [sflag:$0x2], $0x80, $0x38;
	[tilespmem:$0xE800] =	vst v63  }
0x100: {  	s8 =	sadd.s32 $0x10, s0;
	s29 =	simm.s32 $0xC248  }
0x101: {  	[hbm4b:s8+s3] =	stream.linear.scatter [tilespmem:s29], [sflag:$0x2], $0x80, $0x38;
	[tilespmem:$0xE800] =	vst v63  }
0x102: {  	s6 =	sadd.s32 $0x20, s0;
	s7 =	simm.s32 $0xC2D0  }
0x103: {  	[hbm4b:s6+s3] =	stream.linear.scatter [tilespmem:s7], [sflag:$0x2], $0x80, $0x38;
	[tilespmem:$0xE800] =	vst v63  }
0x104: {  	s8 =	sadd.s32 $0x30, s0;
	s29 =	simm.s32 $0xC358  }
0x105: {  	[hbm4b:s8+s3] =	stream.linear.scatter [tilespmem:s29], [sflag:$0x2], $0x80, $0x38;
	[tilespmem:$0xE800] =	vst v63  }
0x106: {  	s6 =	sadd.s32 $0x40, s0;
	s7 =	simm.s32 $0xC3E0  }
0x107: {  	[hbm4b:s6+s3] =	stream.linear.scatter [tilespmem:s7], [sflag:$0x2], $0x80, $0x38;
	[tilespmem:$0xE800] =	vst v63  }
0x108: {  	p1 =	sne.s32 s26, $0x63;
	s8 =	sadd.s32 $0x50, s0;
	s29 =	simm.s32 $0xC468  }
0x109: {  	[hbm4b:s8+s3] =	stream.linear.scatter [tilespmem:s29], [sflag:$0x2], $0x80, $0x38;
	[tilespmem:$0xE800] =	vst v63  }
.Ltmp1:
0x10a: {  	_ = 	snop;
	(pc) =	sbr.rel @p1 .LBB2_6-.Ltmp1, $4  }
0x10b: {  	s7 =	sadd.s32 $0x60, s0;
	s8 =	simm.s32 $0xC4F0  }
0x10c: {  	[hbm4b:s7+s3] =	stream.linear.scatter [tilespmem:s8], [sflag:$0x2], $0x80, $0x38;
	[tilespmem:$0xE800] =	vst v63  }
0x10d: {  	s0 =	sadd.s32 $0x70, s0;
	s29 =	simm.s32 $0xC578  }
0x10e: {  	[hbm4b:s0+s3] =	stream.linear.scatter [tilespmem:s29], [sflag:$0x2], $0x80, $0x38;
	[tilespmem:$0xE800] =	vst v63  }
.Ltmp2:
0x10f: {  	(pc) =	sbr.rel .LBB2_7-.Ltmp2, $4  }
0x110: {  	_ = 	snop  }
0x111: {  	_ =	swait.ge [sflag:s12], $0x2000  }
0x112: {  	[sflag:s12] =	ssyncset.done $0x0  }
0x113: {  	[sflag:s12] =	ssyncadd.s32 $0xFFFFE000  }
.LBB2_6:
0x114: {  	s0 =	sshll.u32 s26, $0x8  }
0x115: {  	s0 =	sand.u32 $0x3FFFFF00, s0  }
.Ltmp3:
0x116: {  	s1 =	simm.s32 $0x6400;
	s0 =	sadd.s32 $0x100, s0;
	(pc) =	sbr.rel @p0 .LBB2_8-.Ltmp3, $4  }
0x117: {  	[tilespmem:s1], [sflag:$0x1] =	stream.indirect.gather [hbm4b:s4+s9], $0x40, s0, s9, $0xb8;
	[tilespmem:$0xE800] =	vst v63  }
0x118: {  	_ =	swait.ge [sflag:s12], $0x2000  }
0x119: {  	[sflag:s12] =	ssyncset.done $0x0  }
0x11a: {  	[sflag:s12] =	ssyncadd.s32 $0xFFFFE000  }
.LBB2_7:
0x11b: {  	_ =	swait.ge [sflag:s30], $0x400  }
0x11c: {  	[sflag:s30] =	ssyncset.done $0x0  }
0x11d: {  	[sflag:s30] =	ssyncadd.s32 $0xFFFFFC00  }
0x11e: {  	_ =	swait.ge [sflag:s30], $0x400  }
0x11f: {  	[sflag:s30] =	ssyncset.done $0x0  }
0x120: {  	[sflag:s30] =	ssyncadd.s32 $0xFFFFFC00  }
0x121: {  	_ =	swait.ge [sflag:s30], $0x400  }
0x122: {  	[sflag:s30] =	ssyncset.done $0x0  }
0x123: {  	[sflag:s30] =	ssyncadd.s32 $0xFFFFFC00  }
0x124: {  	_ =	swait.ge [sflag:s30], $0x400  }
0x125: {  	[sflag:s30] =	ssyncset.done $0x0  }
0x126: {  	[sflag:s30] =	ssyncadd.s32 $0xFFFFFC00  }
0x127: {  	_ =	swait.ge [sflag:s30], $0x400  }
0x128: {  	[sflag:s30] =	ssyncset.done $0x0  }
0x129: {  	[sflag:s30] =	ssyncadd.s32 $0xFFFFFC00  }
0x12a: {  	_ =	swait.ge [sflag:s30], $0x400  }
0x12b: {  	[sflag:s30] =	ssyncset.done $0x0  }
0x12c: {  	[sflag:s30] =	ssyncadd.s32 $0xFFFFFC00  }
0x12d: {  	_ =	swait.ge [sflag:s30], $0x400  }
0x12e: {  	[sflag:s30] =	ssyncset.done $0x0  }
0x12f: {  	[sflag:s30] =	ssyncadd.s32 $0xFFFFFC00  }
0x130: {  	_ =	swait.ge [sflag:s30], $0x400  }
0x131: {  	[sflag:s30] =	ssyncset.done $0x0  }
0x132: {  	[sflag:s30] =	ssyncadd.s32 $0xFFFFFC00  }
.LBB2_8:
0x133: {  	s6 =	simm.s32 $0x84F0;
	s0 =	simm.s32 $0x3  }
0x134: {  	v4 =	vmov s0;
	v5 =	vld [tilespmem:s6+$0xFFFFFFD0]  }
0x135: {  	v9 =	vand.u32 $0x7F, v4  }
0x136: {  	s7 =	simm.s32 $0x0;
	v4 =	vadd.s32 v0, v9  }
0x137: {  	s8 =	simm.s32 $0x1;
	s1 =	simm.s32 $0x2;
	v6 =	vmov s7;
	v7 =	vld [tilespmem:s6+$0xFFFFFF10]  }
0x138: {  	v10 =	vld [tilespmem:s6+$0xFFFFFF50];
	v11 =	vmov s1;
	v8 =	vand.u32 $0x7C, v6;
	v6 =	vmov s8  }
0x139: {  	v12 =	vadd.s32 v0, v8;
	v15 =	vand.u32 $0x7D, v6;
	v6 =	vld [tilespmem:s6+$0xFFFFFF90];
	v5 =	vmul.f32 $8.000000000e+00, v5  }
0x13a: {  	v17 =	vand.u32 $0x7E, v11;
	v13 =	vadd.s32 v0, v15  }
0x13b: {  	v11 =	vadd.s32 v0, v17;
	[tilespmem:v4+s31+$0x0] =	vst.idx.msk $0xffff, v5  }
0x13c: {  	v4 =	vmul.f32 $8.000000000e+00, v7;
	v5 =	vld [tilespmem:s6+$0xFFFFFFE0]  }
0x13d: {  	v7 =	vmul.f32 $8.000000000e+00, v10  }
0x13e: {  	[tilespmem:v12+s31+$0x0] =	vst.idx.msk $0xffff, v4;
	v4 =	vmul.f32 $8.000000000e+00, v6;
	v6 =	vadd.s32 v1, v9  }
0x13f: {  	[tilespmem:v13+s31+$0x0] =	vst.idx.msk $0xffff, v7;
	v10 =	vld [tilespmem:s6+$0xFFFFFF20]  }
0x140: {  	v7 =	vld [tilespmem:s6+$0xFFFFFF60];
	[tilespmem:v11+s31+$0x0] =	vst.idx.msk $0xffff, v4  }
0x141: {  	v11 =	vld [tilespmem:s6+$0xFFFFFFA0];
	v4 =	vmul.f32 $8.000000000e+00, v5  }
0x142: {  	s29 =	simm.s32 $0x85F0;
	s7 =	simm.s32 $0x4;
	s8 =	simm.s32 $0x7;
	v12 =	vadd.s32 v1, v15  }
0x143: {  	v14 =	vld [tilespmem:s29+$0xFFFFFFD0];
	v13 =	vadd.s32 v1, v17;
	v5 =	vmov s7;
	[tilespmem:v6+s31+$0x0] =	vst.idx.msk $0xffff, v4;
	v6 =	vmov s8  }
0x144: {  	v16 =	vadd.s32 v1, v8;
	v4 =	vand.u32 $0x7C, v5;
	v5 =	vand.u32 $0x7F, v6;
	v18 =	vld [tilespmem:s6+$0xFFFFFFF0]  }
0x145: {  	v19 =	vld [tilespmem:s29+$0xFFFFFF10];
	v22 =	vadd.s32 v2, v9;
	s7 =	simm.s32 $0x5;
	v6 =	vmul.f32 $8.000000000e+00, v7;
	v20 =	vadd.s32 v0, v5  }
0x146: {  	v21 =	vld [tilespmem:s29+$0xFFFFFF50];
	v10 =	vmul.f32 $8.000000000e+00, v10;
	s8 =	simm.s32 $0x6;
	v7 =	vmul.f32 $8.000000000e+00, v11;
	v11 =	vmov s7  }
0x147: {  	v23 =	vadd.s32 v0, v4;
	[tilespmem:v12+s31+$0x0] =	vst.idx.msk $0xffff, v6;
	v12 =	vmov s8;
	v6 =	vand.u32 $0x7D, v11;
	v11 =	vld [tilespmem:s29+$0xFFFFFF90]  }
0x148: {  	[tilespmem:v13+s31+$0x0] =	vst.idx.msk $0xffff, v7;
	v13 =	vadd.s32 v0, v6;
	v7 =	vand.u32 $0x7E, v12;
	v12 =	vmul.f32 $8.000000000e+00, v14;
	v14 =	vld [tilespmem:s6+$0xFFFFFF70]  }
0x149: {  	[tilespmem:v16+s31+$0x0] =	vst.idx.msk $0xffff, v10;
	v10 =	vadd.s32 v0, v7;
	v16 =	vld [tilespmem:s6+$0xFFFFFFB0];
	v18 =	vmul.f32 $8.000000000e+00, v18  }
0x14a: {  	v19 =	vmul.f32 $8.000000000e+00, v19;
	[tilespmem:v20+s31+$0x0] =	vst.idx.msk $0xffff, v12;
	v12 =	vld [tilespmem:s6+$0xFFFFFF30];
	v20 =	vadd.s32 v2, v15  }
0x14b: {  	v25 =	vadd.s32 v2, v17;
	v21 =	vmul.f32 $8.000000000e+00, v21;
	v24 =	vld [tilespmem:s29+$0xFFFFFFE0];
	[tilespmem:v22+s31+$0x0] =	vst.idx.msk $0xffff, v18  }
0x14c: {  	[tilespmem:v23+s31+$0x0] =	vst.idx.msk $0xffff, v19;
	v19 =	vadd.s32 v2, v8;
	v11 =	vmul.f32 $8.000000000e+00, v11;
	v22 =	vld [tilespmem:s6+$0x0]  }
0x14d: {  	v23 =	vld [tilespmem:s29+$0xFFFFFF20];
	[tilespmem:v13+s31+$0x0] =	vst.idx.msk $0xffff, v21;
	v21 =	vadd.s32 v1, v5;
	v14 =	vmul.f32 $8.000000000e+00, v14  }
0x14e: {  	v27 =	vadd.s32 v3, v9;
	v26 =	vld [tilespmem:s29+$0xFFFFFF60];
	[tilespmem:v10+s31+$0x0] =	vst.idx.msk $0xffff, v11;
	v10 =	vmul.f32 $8.000000000e+00, v16  }
0x14f: {  	v18 =	vadd.s32 v1, v4;
	v13 =	vld [tilespmem:s29+$0xFFFFFFA0];
	v9 =	vmul.f32 $8.000000000e+00, v12;
	[tilespmem:v20+s31+$0x0] =	vst.idx.msk $0xffff, v14  }
0x150: {  	s1 =	simm.s32 $0x8;
	v16 =	vadd.s32 v1, v6;
	[tilespmem:v25+s31+$0x0] =	vst.idx.msk $0xffff, v10;
	v14 =	vmul.f32 $8.000000000e+00, v24;
	v12 =	vld [tilespmem:s6+$0xFFFFFF80]  }
0x151: {  	v20 =	vmov s1;
	v10 =	vadd.s32 v1, v7;
	v11 =	vld [tilespmem:s6+$0xFFFFFFC0];
	[tilespmem:v19+s31+$0x0] =	vst.idx.msk $0xffff, v9;
	v63 =	vmul.f32 $8.000000000e+00, v22  }
0x152: {  	s0 =	simm.s32 $0x86F0;
	s7 =	simm.s32 $0xB;
	v15 =	vadd.s32 v3, v15;
	v9 =	vand.u32 $0x7C, v20;
	v20 =	vmul.f32 $8.000000000e+00, v23;
	[tilespmem:v21+s31+$0x0] =	vst.idx.msk $0xffff, v14;
	v14 =	vld [tilespmem:s6+$0xFFFFFF40]  }
0x153: {  	v17 =	vadd.s32 v3, v17;
	v22 =	vmov s7;
	v19 =	vld [tilespmem:s0+$0xFFFFFFD0];
	s6 =	simm.s32 $0xC;
	v21 =	vmul.f32 $8.000000000e+00, v26;
	[tilespmem:v27+s31+$0x0] =	vst.idx.msk $0xffff, v63  }
.LBB2_9:
0x154: {  	p0 =	slt.u32 s6, $0x7C;
	s7 =	sadd.s32 $0x1, s1;
	v22 =	vand.u32 $0x7F, v22;
	[tilespmem:v18+s31+$0x0] =	vst.idx.msk $0xffff, v20;
	v13 =	vmul.f32 $8.000000000e+00, v13;
	v18 =	vld [tilespmem:s29+$0xFFFFFFF0];
	v20 =	vadd.s32 v3, v8;
	v8 =	vmovc v4  }
0x155: {  	v4 =	vmovc v9;
	v23 =	vld [tilespmem:s0+$0xFFFFFF10];
	v24 =	vmov s7;
	s7 =	sadd.s32 $0x2, s1;
	v25 =	vadd.s32 v0, v22;
	[tilespmem:v16+s31+$0x0] =	vst.idx.msk $0xffff, v21;
	v12 =	vmul.f32 $8.000000000e+00, v12;
	s1 =	smov.u32 s6  }
0x156: {  	v9 =	vld [tilespmem:s0+$0xFFFFFF50];
	v16 =	vmov s7;
	[tilespmem:v10+s31+$0x0] =	vst.idx.msk $0xffff, v13;
	v10 =	vadd.s32 v2, v5;
	v11 =	vmul.f32 $8.000000000e+00, v11  }
0x157: {  	v13 =	vadd.s32 v0, v4;
	v21 =	vand.u32 $0x7D, v24;
	v24 =	vld [tilespmem:s0+$0xFFFFFF90];
	v14 =	vmul.f32 $8.000000000e+00, v14;
	[tilespmem:v15+s31+$0x0] =	vst.idx.msk $0xffff, v12  }
0x158: {  	v12 =	vadd.s32 v0, v21;
	v26 =	vand.u32 $0x7E, v16;
	v15 =	vmul.f32 $8.000000000e+00, v19;
	v16 =	vld [tilespmem:s29+$0xFFFFFF70];
	[tilespmem:v17+s31+$0x0] =	vst.idx.msk $0xffff, v11  }
0x159: {  	v11 =	vadd.s32 v0, v26;
	v17 =	vld [tilespmem:s29+$0xFFFFFFB0];
	v18 =	vmul.f32 $8.000000000e+00, v18;
	[tilespmem:v20+s31+$0x0] =	vst.idx.msk $0xffff, v14  }
0x15a: {  	v19 =	vadd.s32 v2, v6;
	v14 =	vmul.f32 $8.000000000e+00, v23;
	[tilespmem:v25+s31+$0x0] =	vst.idx.msk $0xffff, v15;
	v15 =	vld [tilespmem:s29+$0xFFFFFF30]  }
0x15b: {  	v23 =	vadd.s32 v2, v7;
	v9 =	vmul.f32 $8.000000000e+00, v9;
	v20 =	vld [tilespmem:s0+$0xFFFFFFE0];
	[tilespmem:v10+s31+$0x0] =	vst.idx.msk $0xffff, v18  }
0x15c: {  	[tilespmem:v13+s31+$0x0] =	vst.idx.msk $0xffff, v14;
	v10 =	vmul.f32 $8.000000000e+00, v24;
	v14 =	vadd.s32 v2, v8;
	v24 =	vld [tilespmem:s29+$0x0]  }
0x15d: {  	v27 =	vadd.s32 v1, v22;
	v25 =	vld [tilespmem:s0+$0xFFFFFF20];
	[tilespmem:v12+s31+$0x0] =	vst.idx.msk $0xffff, v9;
	v9 =	vmul.f32 $8.000000000e+00, v16  }
0x15e: {  	v29 =	vadd.s32 v3, v5;
	v5 =	vmov v22;
	v28 =	vld [tilespmem:s0+$0xFFFFFF60];
	[tilespmem:v11+s31+$0x0] =	vst.idx.msk $0xffff, v10;
	v10 =	vmul.f32 $8.000000000e+00, v17  }
.Ltmp4:
0x15f: {  	v18 =	vadd.s32 v1, v4;
	v13 =	vld [tilespmem:s0+$0xFFFFFFA0];
	v11 =	vmul.f32 $8.000000000e+00, v15;
	[tilespmem:v19+s31+$0x0] =	vst.idx.msk $0xffff, v9;
	(pc) =	sbr.rel @p0 .LBB2_9-.Ltmp4, $4  }
0x160: {  	v16 =	vadd.s32 v1, v21;
	v15 =	vmul.f32 $8.000000000e+00, v20;
	v12 =	vld [tilespmem:s29+$0xFFFFFF80];
	[tilespmem:v23+s31+$0x0] =	vst.idx.msk $0xffff, v10  }
0x161: {  	v9 =	vmov s6;
	v10 =	vadd.s32 v1, v26;
	[tilespmem:v14+s31+$0x0] =	vst.idx.msk $0xffff, v11;
	v11 =	vld [tilespmem:s29+$0xFFFFFFC0];
	v23 =	vmul.f32 $8.000000000e+00, v24  }
0x162: {  	s7 =	sadd.s32 $0x3, s6;
	v9 =	vand.u32 $0x7C, v9;
	v20 =	vmul.f32 $8.000000000e+00, v25;
	[tilespmem:v27+s31+$0x0] =	vst.idx.msk $0xffff, v15;
	v14 =	vld [tilespmem:s29+$0xFFFFFF40];
	v15 =	vadd.s32 v3, v6;
	v6 =	vmovc v21;
	s29 =	smov.u32 s0;
	s0 =	sadd.s32 $0x100, s0  }
0x163: {  	v22 =	vmov s7;
	v17 =	vadd.s32 v3, v7;
	v7 =	vmovc v26;
	s6 =	sadd.s32 $0x4, s6;
	v19 =	vld [tilespmem:s0+$0xFFFFFFD0];
	v21 =	vmul.f32 $8.000000000e+00, v28;
	[tilespmem:v29+s31+$0x0] =	vst.idx.msk $0xffff, v23  }
0x164: {  	s6 =	sadd.s32 $0x1, s1;
	v22 =	vand.u32 $0x7F, v22;
	v28 =	vld [tilespmem:s0+$0xFFFFFF10]  }
0x165: {  	s8 =	sadd.s32 $0x2, s1;
	v24 =	vld [tilespmem:s0+$0xFFFFFF50];
	v23 =	vmov s6;
	v26 =	vadd.s32 v0, v22  }
0x166: {  	v27 =	vld [tilespmem:s0+$0xFFFFFF90];
	v51 =	vadd.s32 v0, v9;
	v25 =	vmov s8;
	v23 =	vand.u32 $0x7D, v23  }
0x167: {  	v25 =	vand.u32 $0x7E, v25;
	v29 =	vadd.s32 v0, v23  }
0x168: {  	[tilespmem:v18+s31+$0x0] =	vst.idx.msk $0xffff, v20;
	v30 =	vadd.s32 v0, v25;
	v19 =	vmul.f32 $8.000000000e+00, v19  }
0x169: {  	[tilespmem:v16+s31+$0x0] =	vst.idx.msk $0xffff, v21;
	v54 =	vmul.f32 $8.000000000e+00, v28  }
0x16a: {  	v52 =	vmul.f32 $8.000000000e+00, v24;
	[tilespmem:v26+s31+$0x0] =	vst.idx.msk $0xffff, v19  }
0x16b: {  	v53 =	vmul.f32 $8.000000000e+00, v27;
	v55 =	vld [tilespmem:s0+$0xFFFFFFE0];
	[tilespmem:v51+s31+$0x0] =	vst.idx.msk $0xffff, v54  }
0x16c: {  	v13 =	vmul.f32 $8.000000000e+00, v13;
	v8 =	vadd.s32 v3, v8;
	[tilespmem:v29+s31+$0x0] =	vst.idx.msk $0xffff, v52;
	v59 =	vld [tilespmem:s0+$0xFFFFFF20]  }
0x16d: {  	v12 =	vmul.f32 $8.000000000e+00, v12;
	v57 =	vadd.s32 v1, v22;
	[tilespmem:v30+s31+$0x0] =	vst.idx.msk $0xffff, v53;
	v56 =	vld [tilespmem:s0+$0xFFFFFF60]  }
0x16e: {  	[tilespmem:v10+s31+$0x0] =	vst.idx.msk $0xffff, v13;
	v58 =	vmul.f32 $8.000000000e+00, v11;
	v28 =	vadd.s32 v1, v9;
	v19 =	vld [tilespmem:s0+$0xFFFFFFA0]  }
0x16f: {  	v61 =	vld [tilespmem:s29+$0xFFFFFFF0];
	v60 =	vadd.s32 v1, v23;
	v14 =	vmul.f32 $8.000000000e+00, v14;
	[tilespmem:v15+s31+$0x0] =	vst.idx.msk $0xffff, v12  }
0x170: {  	v32 =	vld [tilespmem:s29+$0xFFFFFF30];
	v62 =	vadd.s32 v1, v25;
	[tilespmem:v17+s31+$0x0] =	vst.idx.msk $0xffff, v58;
	v16 =	vmul.f32 $8.000000000e+00, v55  }
0x171: {  	[tilespmem:v8+s31+$0x0] =	vst.idx.msk $0xffff, v14;
	v29 =	vadd.s32 v2, v5;
	v30 =	vld [tilespmem:s29+$0xFFFFFFB0];
	v11 =	vmul.f32 $8.000000000e+00, v59  }
0x172: {  	v38 =	vadd.s32 v2, v4;
	v63 =	vld [tilespmem:s29+$0xFFFFFF70];
	v31 =	vmul.f32 $8.000000000e+00, v56;
	[tilespmem:v57+s31+$0x0] =	vst.idx.msk $0xffff, v16  }
0x173: {  	v35 =	vadd.s32 v2, v7;
	v34 =	vmul.f32 $8.000000000e+00, v19;
	v36 =	vld [tilespmem:s0+$0xFFFFFFF0];
	[tilespmem:v28+s31+$0x0] =	vst.idx.msk $0xffff, v11  }
0x174: {  	v33 =	vadd.s32 v2, v6;
	v37 =	vmul.f32 $8.000000000e+00, v61;
	[tilespmem:v60+s31+$0x0] =	vst.idx.msk $0xffff, v31;
	v43 =	vld [tilespmem:s0+$0xFFFFFF30]  }
0x175: {  	v40 =	vadd.s32 v2, v22;
	v14 =	vmul.f32 $8.000000000e+00, v32;
	[tilespmem:v62+s31+$0x0] =	vst.idx.msk $0xffff, v34;
	v39 =	vld [tilespmem:s0+$0xFFFFFF70]  }
0x176: {  	v48 =	vadd.s32 v2, v9;
	[tilespmem:v29+s31+$0x0] =	vst.idx.msk $0xffff, v37;
	v42 =	vmul.f32 $8.000000000e+00, v30;
	v41 =	vld [tilespmem:s0+$0xFFFFFFB0]  }
0x177: {  	v44 =	vadd.s32 v2, v23;
	v15 =	vmul.f32 $8.000000000e+00, v63;
	[tilespmem:v38+s31+$0x0] =	vst.idx.msk $0xffff, v14;
	v45 =	vld [tilespmem:s29+$0x0]  }
0x178: {  	v46 =	vadd.s32 v2, v25;
	v14 =	vld [tilespmem:s29+$0xFFFFFF40];
	[tilespmem:v35+s31+$0x0] =	vst.idx.msk $0xffff, v42;
	v47 =	vmul.f32 $8.000000000e+00, v36  }
0x179: {  	v5 =	vadd.s32 v3, v5;
	[tilespmem:v33+s31+$0x0] =	vst.idx.msk $0xffff, v15;
	v49 =	vld [tilespmem:s29+$0xFFFFFFC0];
	v53 =	vmul.f32 $8.000000000e+00, v43  }
0x17a: {  	v4 =	vadd.s32 v3, v4;
	v21 =	vld [tilespmem:s29+$0xFFFFFF80];
	v12 =	vmul.f32 $8.000000000e+00, v39;
	[tilespmem:v40+s31+$0x0] =	vst.idx.msk $0xffff, v47  }
0x17b: {  	v52 =	vadd.s32 v3, v7;
	v51 =	vmul.f32 $8.000000000e+00, v41;
	v10 =	vld [tilespmem:s0+$0x0];
	[tilespmem:v48+s31+$0x0] =	vst.idx.msk $0xffff, v53  }
0x17c: {  	v50 =	vadd.s32 v3, v6;
	v54 =	vmul.f32 $8.000000000e+00, v45;
	[tilespmem:v44+s31+$0x0] =	vst.idx.msk $0xffff, v12;
	v59 =	vld [tilespmem:s0+$0xFFFFFF40]  }
0x17d: {  	v57 =	vadd.s32 v3, v22;
	v14 =	vmul.f32 $8.000000000e+00, v14;
	[tilespmem:v46+s31+$0x0] =	vst.idx.msk $0xffff, v51;
	v55 =	vld [tilespmem:s0+$0xFFFFFF80]  }
0x17e: {  	v62 =	vadd.s32 v3, v9;
	[tilespmem:v5+s31+$0x0] =	vst.idx.msk $0xffff, v54;
	v5 =	vmul.f32 $8.000000000e+00, v49;
	v58 =	vld [tilespmem:s0+$0xFFFFFFC0]  }
0x17f: {  	s1 =	sadd.s32 s5, s28;
	v56 =	vmul.f32 $8.000000000e+00, v21;
	v60 =	vadd.s32 v3, v23;
	[tilespmem:v4+s31+$0x0] =	vst.idx.msk $0xffff, v14  }
0x180: {  	s6 =	sshrl.u32 s1, $0x5;
	v61 =	vadd.s32 v3, v25;
	[tilespmem:v52+s31+$0x0] =	vst.idx.msk $0xffff, v5;
	v5 =	vmul.f32 $8.000000000e+00, v10  }
0x181: {  	s7 =	sshll.u32 s6, $0xF;
	[tilespmem:v50+s31+$0x0] =	vst.idx.msk $0xffff, v56;
	s0 =	sshll.u32 s1, $0xA;
	v63 =	vmul.f32 $8.000000000e+00, v59  }
0x182: {  	s1 =	sshll.u32 s6, $0x12;
	s0 =	ssub.s32 s0, s7;
	v4 =	vmul.f32 $8.000000000e+00, v55;
	[tilespmem:v57+s31+$0x0] =	vst.idx.msk $0xffff, v5  }
0x183: {  	s0 =	sadd.s32 s1, s0;
	v5 =	vmul.f32 $8.000000000e+00, v58;
	[tilespmem:v62+s31+$0x0] =	vst.idx.msk $0xffff, v63  }
0x184: {  	s1 =	sshrl.u32 s0, $0x3;
	[tilespmem:v60+s31+$0x0] =	vst.idx.msk $0xffff, v4  }
0x185: {  	s1 =	sadd.s32 s2, s1;
	[tilespmem:v61+s31+$0x0] =	vst.idx.msk $0xffff, v5  }
0x186: {  	[hbm4b:s1+s3] =	stream.linear.scatter [tilespmem:s31], [sflag:$0x2], $0x80, $0x38;
	[tilespmem:$0xE800] =	vst v63  }
0x187: {  	s7 =	simm.s32 $0xC688;
	s8 =	sadd.s32 $0x10, s1  }
0x188: {  	[hbm4b:s8+s3] =	stream.linear.scatter [tilespmem:s7], [sflag:$0x2], $0x80, $0x38;
	[tilespmem:$0xE800] =	vst v63  }
0x189: {  	s29 =	simm.s32 $0xC710;
	s28 =	sadd.s32 $0x20, s1  }
0x18a: {  	[hbm4b:s28+s3] =	stream.linear.scatter [tilespmem:s29], [sflag:$0x2], $0x80, $0x38;
	[tilespmem:$0xE800] =	vst v63  }
0x18b: {  	s7 =	sadd.s32 $0x30, s1;
	s8 =	simm.s32 $0xC798  }
0x18c: {  	[hbm4b:s7+s3] =	stream.linear.scatter [tilespmem:s8], [sflag:$0x2], $0x80, $0x38;
	[tilespmem:$0xE800] =	vst v63  }
0x18d: {  	s28 =	sadd.s32 $0x40, s1;
	s29 =	simm.s32 $0xC820  }
0x18e: {  	[hbm4b:s28+s3] =	stream.linear.scatter [tilespmem:s29], [sflag:$0x2], $0x80, $0x38;
	[tilespmem:$0xE800] =	vst v63  }
0x18f: {  	s7 =	sadd.s32 $0x50, s1;
	s8 =	simm.s32 $0xC8A8  }
0x190: {  	[hbm4b:s7+s3] =	stream.linear.scatter [tilespmem:s8], [sflag:$0x2], $0x80, $0x38;
	[tilespmem:$0xE800] =	vst v63  }
0x191: {  	s28 =	sadd.s32 $0x60, s1;
	s29 =	simm.s32 $0xC930  }
0x192: {  	[hbm4b:s28+s3] =	stream.linear.scatter [tilespmem:s29], [sflag:$0x2], $0x80, $0x38;
	[tilespmem:$0xE800] =	vst v63  }
0x193: {  	s1 =	sadd.s32 $0x70, s1;
	s8 =	simm.s32 $0xC9B8;
	s28 =	sadd.s32 $0x8000, s0  }
0x194: {  	[hbm4b:s1+s3] =	stream.linear.scatter [tilespmem:s8], [sflag:$0x2], $0x80, $0x38;
	[tilespmem:$0xE800] =	vst v63  }
0x195: {  	s1 =	sshrl.u32 s28, $0x3  }
0x196: {  	s29 =	simm.s32 $0xCA40;
	s1 =	sadd.s32 s2, s1  }
0x197: {  	[hbm4b:s1+s3] =	stream.linear.scatter [tilespmem:s29], [sflag:$0x2], $0x80, $0x38;
	[tilespmem:$0xE800] =	vst v63  }
0x198: {  	s8 =	simm.s32 $0xCAC8;
	s7 =	sadd.s32 $0x10, s1  }
0x199: {  	[hbm4b:s7+s3] =	stream.linear.scatter [tilespmem:s8], [sflag:$0x2], $0x80, $0x38;
	[tilespmem:$0xE800] =	vst v63  }
0x19a: {  	s28 =	sadd.s32 $0x20, s1;
	s29 =	simm.s32 $0xCB50  }
0x19b: {  	[hbm4b:s28+s3] =	stream.linear.scatter [tilespmem:s29], [sflag:$0x2], $0x80, $0x38;
	[tilespmem:$0xE800] =	vst v63  }
0x19c: {  	s7 =	sadd.s32 $0x30, s1;
	s8 =	simm.s32 $0xCBD8  }
0x19d: {  	[hbm4b:s7+s3] =	stream.linear.scatter [tilespmem:s8], [sflag:$0x2], $0x80, $0x38;
	[tilespmem:$0xE800] =	vst v63  }
0x19e: {  	s28 =	sadd.s32 $0x40, s1;
	s29 =	simm.s32 $0xCC60  }
0x19f: {  	[hbm4b:s28+s3] =	stream.linear.scatter [tilespmem:s29], [sflag:$0x2], $0x80, $0x38;
	[tilespmem:$0xE800] =	vst v63  }
0x1a0: {  	s7 =	sadd.s32 $0x50, s1;
	s8 =	simm.s32 $0xCCE8  }
0x1a1: {  	[hbm4b:s7+s3] =	stream.linear.scatter [tilespmem:s8], [sflag:$0x2], $0x80, $0x38;
	[tilespmem:$0xE800] =	vst v63  }
0x1a2: {  	s28 =	sadd.s32 $0x60, s1;
	s29 =	simm.s32 $0xCD70  }
0x1a3: {  	[hbm4b:s28+s3] =	stream.linear.scatter [tilespmem:s29], [sflag:$0x2], $0x80, $0x38;
	[tilespmem:$0xE800] =	vst v63  }
0x1a4: {  	s1 =	sadd.s32 $0x70, s1;
	s8 =	simm.s32 $0xCDF8;
	s28 =	sadd.s32 $0x10000, s0  }
0x1a5: {  	[hbm4b:s1+s3] =	stream.linear.scatter [tilespmem:s8], [sflag:$0x2], $0x80, $0x38;
	[tilespmem:$0xE800] =	vst v63  }
0x1a6: {  	s1 =	sshrl.u32 s28, $0x3  }
0x1a7: {  	s29 =	simm.s32 $0xCE80;
	s1 =	sadd.s32 s2, s1  }
0x1a8: {  	[hbm4b:s1+s3] =	stream.linear.scatter [tilespmem:s29], [sflag:$0x2], $0x80, $0x38;
	[tilespmem:$0xE800] =	vst v63  }
0x1a9: {  	s8 =	simm.s32 $0xCF08;
	s7 =	sadd.s32 $0x10, s1  }
0x1aa: {  	[hbm4b:s7+s3] =	stream.linear.scatter [tilespmem:s8], [sflag:$0x2], $0x80, $0x38;
	[tilespmem:$0xE800] =	vst v63  }
0x1ab: {  	s28 =	sadd.s32 $0x20, s1;
	s29 =	simm.s32 $0xCF90  }
0x1ac: {  	[hbm4b:s28+s3] =	stream.linear.scatter [tilespmem:s29], [sflag:$0x2], $0x80, $0x38;
	[tilespmem:$0xE800] =	vst v63  }
0x1ad: {  	s7 =	sadd.s32 $0x30, s1;
	s8 =	simm.s32 $0xD018  }
0x1ae: {  	[hbm4b:s7+s3] =	stream.linear.scatter [tilespmem:s8], [sflag:$0x2], $0x80, $0x38;
	[tilespmem:$0xE800] =	vst v63  }
0x1af: {  	s28 =	sadd.s32 $0x40, s1;
	s29 =	simm.s32 $0xD0A0  }
0x1b0: {  	[hbm4b:s28+s3] =	stream.linear.scatter [tilespmem:s29], [sflag:$0x2], $0x80, $0x38;
	[tilespmem:$0xE800] =	vst v63  }
0x1b1: {  	s7 =	sadd.s32 $0x50, s1;
	s8 =	simm.s32 $0xD128  }
0x1b2: {  	[hbm4b:s7+s3] =	stream.linear.scatter [tilespmem:s8], [sflag:$0x2], $0x80, $0x38;
	[tilespmem:$0xE800] =	vst v63  }
0x1b3: {  	s28 =	sadd.s32 $0x60, s1;
	s29 =	simm.s32 $0xD1B0  }
0x1b4: {  	[hbm4b:s28+s3] =	stream.linear.scatter [tilespmem:s29], [sflag:$0x2], $0x80, $0x38;
	[tilespmem:$0xE800] =	vst v63  }
0x1b5: {  	s1 =	sadd.s32 $0x70, s1;
	s8 =	simm.s32 $0xD238;
	s28 =	sadd.s32 $0x18000, s0  }
0x1b6: {  	[hbm4b:s1+s3] =	stream.linear.scatter [tilespmem:s8], [sflag:$0x2], $0x80, $0x38;
	[tilespmem:$0xE800] =	vst v63  }
0x1b7: {  	s1 =	sshrl.u32 s28, $0x3  }
0x1b8: {  	s29 =	simm.s32 $0xD2C0;
	s1 =	sadd.s32 s2, s1  }
0x1b9: {  	[hbm4b:s1+s3] =	stream.linear.scatter [tilespmem:s29], [sflag:$0x2], $0x80, $0x38;
	[tilespmem:$0xE800] =	vst v63  }
0x1ba: {  	s8 =	simm.s32 $0xD348;
	s7 =	sadd.s32 $0x10, s1  }
0x1bb: {  	[hbm4b:s7+s3] =	stream.linear.scatter [tilespmem:s8], [sflag:$0x2], $0x80, $0x38;
	[tilespmem:$0xE800] =	vst v63  }
0x1bc: {  	s28 =	sadd.s32 $0x20, s1;
	s29 =	simm.s32 $0xD3D0  }
0x1bd: {  	[hbm4b:s28+s3] =	stream.linear.scatter [tilespmem:s29], [sflag:$0x2], $0x80, $0x38;
	[tilespmem:$0xE800] =	vst v63  }
0x1be: {  	s7 =	sadd.s32 $0x30, s1;
	s8 =	simm.s32 $0xD458  }
0x1bf: {  	[hbm4b:s7+s3] =	stream.linear.scatter [tilespmem:s8], [sflag:$0x2], $0x80, $0x38;
	[tilespmem:$0xE800] =	vst v63  }
0x1c0: {  	s28 =	sadd.s32 $0x40, s1;
	s29 =	simm.s32 $0xD4E0  }
0x1c1: {  	[hbm4b:s28+s3] =	stream.linear.scatter [tilespmem:s29], [sflag:$0x2], $0x80, $0x38;
	[tilespmem:$0xE800] =	vst v63  }
0x1c2: {  	s7 =	sadd.s32 $0x50, s1;
	s8 =	simm.s32 $0xD568  }
0x1c3: {  	[hbm4b:s7+s3] =	stream.linear.scatter [tilespmem:s8], [sflag:$0x2], $0x80, $0x38;
	[tilespmem:$0xE800] =	vst v63  }
0x1c4: {  	s28 =	sadd.s32 $0x60, s1;
	s29 =	simm.s32 $0xD5F0  }
0x1c5: {  	[hbm4b:s28+s3] =	stream.linear.scatter [tilespmem:s29], [sflag:$0x2], $0x80, $0x38;
	[tilespmem:$0xE800] =	vst v63  }
0x1c6: {  	s1 =	sadd.s32 $0x70, s1;
	s8 =	simm.s32 $0xD678;
	s28 =	sadd.s32 $0x20000, s0  }
0x1c7: {  	[hbm4b:s1+s3] =	stream.linear.scatter [tilespmem:s8], [sflag:$0x2], $0x80, $0x38;
	[tilespmem:$0xE800] =	vst v63  }
0x1c8: {  	s1 =	sshrl.u32 s28, $0x3  }
0x1c9: {  	s29 =	simm.s32 $0xD700;
	s1 =	sadd.s32 s2, s1  }
0x1ca: {  	[hbm4b:s1+s3] =	stream.linear.scatter [tilespmem:s29], [sflag:$0x2], $0x80, $0x38;
	[tilespmem:$0xE800] =	vst v63  }
0x1cb: {  	s8 =	simm.s32 $0xD788;
	s7 =	sadd.s32 $0x10, s1  }
0x1cc: {  	[hbm4b:s7+s3] =	stream.linear.scatter [tilespmem:s8], [sflag:$0x2], $0x80, $0x38;
	[tilespmem:$0xE800] =	vst v63  }
0x1cd: {  	s28 =	sadd.s32 $0x20, s1;
	s29 =	simm.s32 $0xD810  }
0x1ce: {  	[hbm4b:s28+s3] =	stream.linear.scatter [tilespmem:s29], [sflag:$0x2], $0x80, $0x38;
	[tilespmem:$0xE800] =	vst v63  }
0x1cf: {  	s7 =	sadd.s32 $0x30, s1;
	s8 =	simm.s32 $0xD898  }
0x1d0: {  	[hbm4b:s7+s3] =	stream.linear.scatter [tilespmem:s8], [sflag:$0x2], $0x80, $0x38;
	[tilespmem:$0xE800] =	vst v63  }
0x1d1: {  	s28 =	sadd.s32 $0x40, s1;
	s29 =	simm.s32 $0xD920  }
0x1d2: {  	[hbm4b:s28+s3] =	stream.linear.scatter [tilespmem:s29], [sflag:$0x2], $0x80, $0x38;
	[tilespmem:$0xE800] =	vst v63  }
0x1d3: {  	s7 =	sadd.s32 $0x50, s1;
	s8 =	simm.s32 $0xD9A8  }
0x1d4: {  	[hbm4b:s7+s3] =	stream.linear.scatter [tilespmem:s8], [sflag:$0x2], $0x80, $0x38;
	[tilespmem:$0xE800] =	vst v63  }
0x1d5: {  	s28 =	sadd.s32 $0x60, s1;
	s29 =	simm.s32 $0xDA30  }
0x1d6: {  	[hbm4b:s28+s3] =	stream.linear.scatter [tilespmem:s29], [sflag:$0x2], $0x80, $0x38;
	[tilespmem:$0xE800] =	vst v63  }
0x1d7: {  	s1 =	sadd.s32 $0x70, s1;
	s8 =	simm.s32 $0xDAB8;
	s28 =	sadd.s32 $0x28000, s0  }
0x1d8: {  	[hbm4b:s1+s3] =	stream.linear.scatter [tilespmem:s8], [sflag:$0x2], $0x80, $0x38;
	[tilespmem:$0xE800] =	vst v63  }
0x1d9: {  	s1 =	sshrl.u32 s28, $0x3  }
0x1da: {  	s29 =	simm.s32 $0xDB40;
	s1 =	sadd.s32 s2, s1  }
0x1db: {  	[hbm4b:s1+s3] =	stream.linear.scatter [tilespmem:s29], [sflag:$0x2], $0x80, $0x38;
	[tilespmem:$0xE800] =	vst v63  }
0x1dc: {  	s8 =	simm.s32 $0xDBC8;
	s7 =	sadd.s32 $0x10, s1  }
0x1dd: {  	[hbm4b:s7+s3] =	stream.linear.scatter [tilespmem:s8], [sflag:$0x2], $0x80, $0x38;
	[tilespmem:$0xE800] =	vst v63  }
0x1de: {  	s28 =	sadd.s32 $0x20, s1;
	s29 =	simm.s32 $0xDC50  }
0x1df: {  	[hbm4b:s28+s3] =	stream.linear.scatter [tilespmem:s29], [sflag:$0x2], $0x80, $0x38;
	[tilespmem:$0xE800] =	vst v63  }
0x1e0: {  	s7 =	sadd.s32 $0x30, s1;
	s8 =	simm.s32 $0xDCD8  }
0x1e1: {  	[hbm4b:s7+s3] =	stream.linear.scatter [tilespmem:s8], [sflag:$0x2], $0x80, $0x38;
	[tilespmem:$0xE800] =	vst v63  }
0x1e2: {  	s28 =	sadd.s32 $0x40, s1;
	s29 =	simm.s32 $0xDD60  }
0x1e3: {  	[hbm4b:s28+s3] =	stream.linear.scatter [tilespmem:s29], [sflag:$0x2], $0x80, $0x38;
	[tilespmem:$0xE800] =	vst v63  }
0x1e4: {  	s7 =	sadd.s32 $0x50, s1;
	s8 =	simm.s32 $0xDDE8  }
0x1e5: {  	[hbm4b:s7+s3] =	stream.linear.scatter [tilespmem:s8], [sflag:$0x2], $0x80, $0x38;
	[tilespmem:$0xE800] =	vst v63  }
0x1e6: {  	s28 =	sadd.s32 $0x60, s1;
	s29 =	simm.s32 $0xDE70  }
0x1e7: {  	[hbm4b:s28+s3] =	stream.linear.scatter [tilespmem:s29], [sflag:$0x2], $0x80, $0x38;
	[tilespmem:$0xE800] =	vst v63  }
0x1e8: {  	s1 =	sadd.s32 $0x70, s1;
	s8 =	simm.s32 $0xDEF8;
	s28 =	sadd.s32 $0x30000, s0  }
0x1e9: {  	[hbm4b:s1+s3] =	stream.linear.scatter [tilespmem:s8], [sflag:$0x2], $0x80, $0x38;
	[tilespmem:$0xE800] =	vst v63  }
0x1ea: {  	s1 =	sshrl.u32 s28, $0x3  }
0x1eb: {  	s29 =	simm.s32 $0xDF80;
	s1 =	sadd.s32 s2, s1  }
0x1ec: {  	[hbm4b:s1+s3] =	stream.linear.scatter [tilespmem:s29], [sflag:$0x2], $0x80, $0x38;
	[tilespmem:$0xE800] =	vst v63  }
0x1ed: {  	s8 =	simm.s32 $0xE008;
	s7 =	sadd.s32 $0x10, s1  }
0x1ee: {  	[hbm4b:s7+s3] =	stream.linear.scatter [tilespmem:s8], [sflag:$0x2], $0x80, $0x38;
	[tilespmem:$0xE800] =	vst v63  }
0x1ef: {  	s28 =	sadd.s32 $0x20, s1  }
0x1f0: {  	[hbm4b:s28+s3] =	stream.linear.scatter [tilespmem:s10], [sflag:$0x2], $0x80, $0x38;
	[tilespmem:$0xE800] =	vst v63  }
0x1f1: {  	s29 =	sadd.s32 $0x30, s1  }
0x1f2: {  	[hbm4b:s29+s3] =	stream.linear.scatter [tilespmem:s11], [sflag:$0x2], $0x80, $0x38;
	[tilespmem:$0xE800] =	vst v63  }
0x1f3: {  	s7 =	sadd.s32 $0x40, s1  }
0x1f4: {  	[hbm4b:s7+s3] =	stream.linear.scatter [tilespmem:s14], [sflag:$0x2], $0x80, $0x38;
	[tilespmem:$0xE800] =	vst v63  }
0x1f5: {  	s8 =	sadd.s32 $0x50, s1  }
0x1f6: {  	[hbm4b:s8+s3] =	stream.linear.scatter [tilespmem:s15], [sflag:$0x2], $0x80, $0x38;
	[tilespmem:$0xE800] =	vst v63  }
0x1f7: {  	s0 =	sadd.s32 $0x38000, s0;
	s28 =	sadd.s32 $0x60, s1  }
0x1f8: {  	[hbm4b:s28+s3] =	stream.linear.scatter [tilespmem:s16], [sflag:$0x2], $0x80, $0x38;
	[tilespmem:$0xE800] =	vst v63  }
0x1f9: {  	s0 =	sshrl.u32 s0, $0x3;
	s1 =	sadd.s32 $0x70, s1  }
0x1fa: {  	[hbm4b:s1+s3] =	stream.linear.scatter [tilespmem:s17], [sflag:$0x2], $0x80, $0x38;
	[tilespmem:$0xE800] =	vst v63  }
0x1fb: {  	s0 =	sadd.s32 s2, s0  }
0x1fc: {  	[hbm4b:s0+s3] =	stream.linear.scatter [tilespmem:s18], [sflag:$0x2], $0x80, $0x38;
	[tilespmem:$0xE800] =	vst v63  }
0x1fd: {  	s29 =	sadd.s32 $0x10, s0  }
0x1fe: {  	[hbm4b:s29+s3] =	stream.linear.scatter [tilespmem:s19], [sflag:$0x2], $0x80, $0x38;
	[tilespmem:$0xE800] =	vst v63  }
0x1ff: {  	s6 =	sadd.s32 $0x20, s0  }
0x200: {  	[hbm4b:s6+s3] =	stream.linear.scatter [tilespmem:s20], [sflag:$0x2], $0x80, $0x38;
	[tilespmem:$0xE800] =	vst v63  }
0x201: {  	s7 =	sadd.s32 $0x30, s0  }
0x202: {  	[hbm4b:s7+s3] =	stream.linear.scatter [tilespmem:s21], [sflag:$0x2], $0x80, $0x38;
	[tilespmem:$0xE800] =	vst v63  }
0x203: {  	s26 =	sadd.s32 $0x1, s26;
	s8 =	sadd.s32 $0x40, s0  }
0x204: {  	[hbm4b:s8+s3] =	stream.linear.scatter [tilespmem:s22], [sflag:$0x2], $0x80, $0x38;
	[tilespmem:$0xE800] =	vst v63  }
0x205: {  	p0 =	sne.s32 s26, $0x64;
	s28 =	sadd.s32 $0x50, s0  }
0x206: {  	[hbm4b:s28+s3] =	stream.linear.scatter [tilespmem:s23], [sflag:$0x2], $0x80, $0x38;
	[tilespmem:$0xE800] =	vst v63  }
.Ltmp5:
0x207: {  	_ = 	snop;
	(pc) =	sbr.rel @p0 .LBB2_2-.Ltmp5, $4  }
0x208: {  	s29 =	sadd.s32 $0x60, s0  }
0x209: {  	[hbm4b:s29+s3] =	stream.linear.scatter [tilespmem:s24], [sflag:$0x2], $0x80, $0x38;
	[tilespmem:$0xE800] =	vst v63  }
0x20a: {  	s0 =	sadd.s32 $0x70, s0  }
0x20b: {  	[hbm4b:s0+s3] =	stream.linear.scatter [tilespmem:s25], [sflag:$0x2], $0x80, $0x38;
	[tilespmem:$0xE800] =	vst v63  }
0x20c: {  	_ =	swait.ge [sflag:s30], $0x400  }
0x20d: {  	[sflag:s30] =	ssyncset.done $0x0  }
0x20e: {  	[sflag:s30] =	ssyncadd.s32 $0xFFFFFC00  }
0x20f: {  	_ =	swait.ge [sflag:s30], $0x400  }
0x210: {  	[sflag:s30] =	ssyncset.done $0x0  }
0x211: {  	[sflag:s30] =	ssyncadd.s32 $0xFFFFFC00  }
0x212: {  	_ =	swait.ge [sflag:s30], $0x400  }
0x213: {  	[sflag:s30] =	ssyncset.done $0x0  }
0x214: {  	[sflag:s30] =	ssyncadd.s32 $0xFFFFFC00  }
0x215: {  	_ =	swait.ge [sflag:s30], $0x400  }
0x216: {  	[sflag:s30] =	ssyncset.done $0x0  }
0x217: {  	[sflag:s30] =	ssyncadd.s32 $0xFFFFFC00  }
0x218: {  	_ =	swait.ge [sflag:s30], $0x400  }
0x219: {  	[sflag:s30] =	ssyncset.done $0x0  }
0x21a: {  	[sflag:s30] =	ssyncadd.s32 $0xFFFFFC00  }
0x21b: {  	_ =	swait.ge [sflag:s30], $0x400  }
0x21c: {  	[sflag:s30] =	ssyncset.done $0x0  }
0x21d: {  	[sflag:s30] =	ssyncadd.s32 $0xFFFFFC00  }
0x21e: {  	_ =	swait.ge [sflag:s30], $0x400  }
0x21f: {  	[sflag:s30] =	ssyncset.done $0x0  }
0x220: {  	[sflag:s30] =	ssyncadd.s32 $0xFFFFFC00  }
0x221: {  	_ =	swait.ge [sflag:s30], $0x400  }
0x222: {  	[sflag:s30] =	ssyncset.done $0x0  }
0x223: {  	[sflag:s30] =	ssyncadd.s32 $0xFFFFFC00  }
0x224: {  	_ =	swait.ge [sflag:s30], $0x400  }
0x225: {  	[sflag:s30] =	ssyncset.done $0x0  }
0x226: {  	[sflag:s30] =	ssyncadd.s32 $0xFFFFFC00  }
0x227: {  	_ =	swait.ge [sflag:s30], $0x400  }
0x228: {  	[sflag:s30] =	ssyncset.done $0x0  }
0x229: {  	[sflag:s30] =	ssyncadd.s32 $0xFFFFFC00  }
0x22a: {  	_ =	swait.ge [sflag:s30], $0x400  }
0x22b: {  	[sflag:s30] =	ssyncset.done $0x0  }
0x22c: {  	[sflag:s30] =	ssyncadd.s32 $0xFFFFFC00  }
0x22d: {  	_ =	swait.ge [sflag:s30], $0x400  }
0x22e: {  	[sflag:s30] =	ssyncset.done $0x0  }
0x22f: {  	[sflag:s30] =	ssyncadd.s32 $0xFFFFFC00  }
0x230: {  	_ =	swait.ge [sflag:s30], $0x400  }
0x231: {  	[sflag:s30] =	ssyncset.done $0x0  }
0x232: {  	[sflag:s30] =	ssyncadd.s32 $0xFFFFFC00  }
0x233: {  	_ =	swait.ge [sflag:s30], $0x400  }
0x234: {  	[sflag:s30] =	ssyncset.done $0x0  }
0x235: {  	[sflag:s30] =	ssyncadd.s32 $0xFFFFFC00  }
0x236: {  	_ =	swait.ge [sflag:s30], $0x400  }
0x237: {  	[sflag:s30] =	ssyncset.done $0x0  }
0x238: {  	[sflag:s30] =	ssyncadd.s32 $0xFFFFFC00  }
0x239: {  	_ =	swait.ge [sflag:s30], $0x400  }
0x23a: {  	s1 =	rddreg [dreg:$0x6]  }
0x23b: {  	s0 =	rddreg [dreg:$0x5];
	s1 =	sadd.s32 $0x1, s1  }
0x23c: {  	p0 =	sne.s32 s1, s0  }
.Ltmp6:
0x23d: {  	_ = 	snop;
	(pc) =	sbr.rel @p0 .LBB2_1-.Ltmp6, $3  }
0x23e: {  	_ =	sdelay $0x1  }
0x23f: {  	[sflag:s30] =	ssyncset.done $0x0  }
0x240: {  	[sflag:s30] =	ssyncadd.s32 $0xFFFFFC00  }
0x241: {  	_ =	sfence.sel $0x180000  }
0x242: {  	[bflag:$0x0] =	sbarrier.arrive $0xFFFF  }
0x243: {  	_ =	strace $0x90000047  }
0x244: {  	s0 =	stileid.u32;
	[bflag:$0x2] =	sbarrier.arrive $0xFFFF  }
0x245: {  	p0 =	sne.s32 s0, $0x0;
	s0 =	rddreg [dreg:$0x3]  }
0x246: {  	s0 =	sadd.s32 @!p0 $0x100000, s0  }
0x247: {  	[sflag:s0] =	ssyncadd.tile.s32 @!p0 $0x1;
	_ =	shalt  }
.Lfunc_end2:
_tile_overlayer_lowered:
.L_overlay_start_2:
0x248: {  	(tag) =	ssettag $0x2  }
0x249: {  	s0 =	rddreg [dreg:$0x0];
	s2 =	stileid.u32  }
0x24a: {  	s1 =	rddreg [dreg:$0x1];
	p0 =	sne.s32 s2, $0x0  }
0x24b: {  	s3 =	rddreg [dreg:$0x2];
	[bflag:$0x3] =	sbarrier.arrive $0xFFFF;
	s2 =	simm.s32 @!p0 $0x1C03  }
0x24c: {  	[timem:s3], [sflag:s2] =	dma.local @!p0 [hbm:s0], s1  }
0x24d: {  	s0 =	simm.s32 @!p0 $0x3  }
0x24e: {  	_ =	swait.ge @!p0 [sflag:s0], s1  }
0x24f: {  	s1 =	ssub.s32 @!p0 $0x0, s1;
	[sflag:s0] =	ssyncset.done @!p0 $0x0  }
0x250: {  	[sflag:s0] =	ssyncadd.s32 @!p0 s1  }
0x251: {  	[bflag:$0x3] =	sbarrier.arrive $0xFFFF  }
0x252: {  	_ =	shalt  }

</sc_bundles>
